<compile_context>
chip_gen: v7x
topology: tpu7x:2x2x1
jax: 0.10.2.dev20260603
libtpu: 0.0.44.dev20260713+nightly
codegen_flags: <defaults>
</compile_context>

<pallas_src>
import jax
import jax.numpy as jnp
from jax import lax
from jax.experimental import pallas as pl
from jax.experimental.pallas import tpu as pltpu
from jax.experimental.pallas import tpu_sc as plsc

N = 10000
E = 320000
E2 = E // 2
DIN = 128
DE = 16
H = 64
G = 16
OUT = 1

NSC = 2
NTILE = 16
NW = NSC * NTILE
CHUNK = 128
CROWS = CHUNK // 2
NCHUNKS = E2 // CROWS
NMAIN = NCHUNKS // NW
NPAD = 10240
ROWS = NPAD // NTILE
EB2 = 1280

_LANES = H // 16


def _node_prep_body(x_ref, wnT_ref, bn_ref, wmiT_ref, wmjT_ref,
                    xh_ref, a_ref, b_ref):
    xh = jnp.maximum(x_ref[...] @ wnT_ref[...] + bn_ref[...], 0.0)
    xh_ref[...] = xh
    a_ref[...] = xh @ wmiT_ref[...]
    b_ref[...] = xh @ wmjT_ref[...]


def _edge_prep_body(ea1_ref, ea2_ref, weT_ref, be_ref, wmeT_ref, bM_ref,
                    c_ref):
    eh1 = jnp.maximum(ea1_ref[...] @ weT_ref[...] + be_ref[...], 0.0)
    eh2 = jnp.maximum(ea2_ref[...] @ weT_ref[...] + be_ref[...], 0.0)
    c_ref[:, :H] = eh1 @ wmeT_ref[...] + bM_ref[...]
    c_ref[:, H:] = eh2 @ wmeT_ref[...] + bM_ref[...]


def _sc_msg_body(a_hbm, b_hbm, c_hbm, dst_hbm, src_hbm,
                 s_out, cnt_out,
                 dst0, dst1, src0, src1, dsc0, dsc1,
                 td0, td1, ts0, ts1, cv0, cv1, mv0, mv1, ones_v, zc_v,
                 s_sh, cnt_sh, sem_ld, sem_g, sem_s, sem_c):
    cid = lax.axis_index("c")
    tid = lax.axis_index("s")
    w = cid * NTILE + tid
    dst_b = (dst0, dst1)
    src_b = (src0, src1)
    dsc_b = (dsc0, dsc1)
    td_b = (td0, td1)
    ts_b = (ts0, ts1)
    cv_b = (cv0, cv1)
    mv_b = (mv0, mv1)

    zrow = jnp.zeros((16,), jnp.float32)
    ones16 = jnp.ones((16,), jnp.float32)

    def _zfill(e, _):
        for j in range(_LANES):
            mv0[e, pl.ds(j * 16, 16)] = zrow
        zc_v[e, pl.ds(0, 16)] = zrow
        ones_v[e, pl.ds(0, 16)] = ones16
        return 0
    lax.fori_loop(0, CHUNK, _zfill, 0)
    for k in range(ROWS // CHUNK):
        pltpu.sync_copy(mv0, s_sh.at[pl.ds(tid * ROWS + k * CHUNK, CHUNK)])
        pltpu.sync_copy(zc_v, cnt_sh.at[pl.ds(tid * ROWS + k * CHUNK, CHUNK)])

    plsc.subcore_barrier()

    def issue_ld(q, b):
        ch = w + q * NW
        pltpu.async_copy(dst_hbm.at[pl.ds(ch * CHUNK, CHUNK)],
                         dst_b[b], sem_ld.at[b])
        pltpu.async_copy(src_hbm.at[pl.ds(ch * CHUNK, CHUNK)],
                         src_b[b], sem_ld.at[b])
        pltpu.async_copy(c_hbm.at[pl.ds(ch * CROWS * 2 * H, CROWS * 2 * H)],
                         cv_b[b], sem_ld.at[b])

    def wait_ld(b):
        pltpu.make_async_copy(dst_hbm.at[pl.ds(0, CHUNK)], dst_b[b],
                              sem_ld.at[b]).wait()
        pltpu.make_async_copy(src_hbm.at[pl.ds(0, CHUNK)], src_b[b],
                              sem_ld.at[b]).wait()
        pltpu.make_async_copy(c_hbm.at[pl.ds(0, CROWS * 2 * H)], cv_b[b],
                              sem_ld.at[b]).wait()

    def issue_gather(b):
        pltpu.async_copy(a_hbm.at[dst_b[b]], td_b[b], sem_g.at[b])
        pltpu.async_copy(b_hbm.at[src_b[b]], ts_b[b], sem_g.at[b])

    def wait_gather(b):
        pltpu.make_async_copy(a_hbm.at[dst_b[b]], td_b[b], sem_g.at[b]).wait()
        pltpu.make_async_copy(b_hbm.at[src_b[b]], ts_b[b], sem_g.at[b]).wait()

    def issue_scatter(b):
        pltpu.async_copy(mv_b[b], s_sh.at[dsc_b[b]], sem_s.at[b], add=True)
        pltpu.async_copy(ones_v, cnt_sh.at[dsc_b[b]], sem_c.at[b], add=True)

    def wait_scatter(b):
        pltpu.make_async_copy(mv_b[b], s_sh.at[dsc_b[b]], sem_s.at[b]).wait()
        pltpu.make_async_copy(ones_v, cnt_sh.at[dsc_b[b]],
                              sem_c.at[b]).wait()

    def compute(b):
        td, ts, cv, mv = td_b[b], ts_b[b], cv_b[b], mv_b[b]

        def rows(r, _):
            for j in range(_LANES):
                sl = pl.ds(j * 16, 16)
                sh = pl.ds(64 + j * 16, 16)
                mv[r, sl] = jnp.maximum(
                    td[r, sl] + ts[r, sl]
                    + cv[pl.ds(r * 2 * H + j * 16, 16)], 0.0)
                mv[CROWS + r, sl] = jnp.maximum(
                    td[CROWS + r, sl] + ts[CROWS + r, sl]
                    + cv[pl.ds(r * 2 * H + H + j * 16, 16)], 0.0)
            return 0
        lax.fori_loop(0, CROWS, rows, 0)
        dst, dsc = dst_b[b], dsc_b[b]
        for j in range(CHUNK // 16):
            sl = pl.ds(j * 16, 16)
            dsc[sl] = dst[sl]

    issue_ld(0, 0)
    issue_ld(1, 1)
    wait_ld(0)
    issue_gather(0)

    def body(i, _):
        for b in (0, 1):
            q = i * 2 + b
            wait_gather(b)

            @pl.when(q >= 2)
            def _():
                wait_scatter(b)
            compute(b)
            issue_scatter(b)

            @pl.when(q + 2 < NMAIN)
            def _():
                issue_ld(q + 2, b)
            ob = 1 - b

            @pl.when(q + 1 < NMAIN)
            def _():
                wait_ld(ob)
                issue_gather(ob)
        return 0

    lax.fori_loop(0, NMAIN // 2, body, 0)
    wait_scatter(0)
    wait_scatter(1)

    @pl.when(w < NCHUNKS - NMAIN * NW)
    def _():
        issue_ld(NMAIN, 0)
        wait_ld(0)
        issue_gather(0)
        wait_gather(0)
        compute(0)
        issue_scatter(0)
        wait_scatter(0)

    plsc.subcore_barrier()

    pltpu.sync_copy(s_sh.at[pl.ds(tid * ROWS, ROWS)],
                    s_out.at[pl.ds(cid * NPAD + tid * ROWS, ROWS)])
    pltpu.sync_copy(cnt_sh.at[pl.ds(tid * ROWS, ROWS)],
                    cnt_out.at[pl.ds(cid * NPAD + tid * ROWS, ROWS)])


def _update_pool_body(xh_ref, s_ref, cnt_ref, bv_ref,
                      wu1T_ref, wu2T_ref, bU_ref, wrT_ref, br_ref, out_ref):
    s = s_ref[:N, :] + s_ref[NPAD:NPAD + N, :]
    cnt = cnt_ref[:N, 0:1] + cnt_ref[NPAD:NPAD + N, 0:1]
    aggr = s / jnp.maximum(cnt, 1.0)
    upd = jnp.maximum(
        xh_ref[...] @ wu1T_ref[...] + aggr @ wu2T_ref[...] + bU_ref[...], 0.0)
    gids = lax.broadcasted_iota(jnp.int32, (N, G), 1)
    oh = (bv_ref[...] == gids).astype(jnp.float32)
    ps = lax.dot_general(oh, upd, (((0,), (0,)), ((), ())))
    pc = jnp.sum(oh, axis=0)[:, None]
    pooled = ps / jnp.maximum(pc, 1.0)
    out_ref[...] = pooled @ wrT_ref[...] + br_ref[...]


def _full(shape):
    return pl.BlockSpec(shape, lambda *a: tuple(0 for _ in shape))


def kernel(x, edge_index, edge_attr, batch_vec, Wn, bn, We, be, WM, bM,
           WU, bU, Wr, br):
    f32 = jnp.float32
    WnT = Wn.T
    WMiT = WM[:, :H].T
    WMjT = WM[:, H:2 * H].T
    WMeT = WM[:, 2 * H:].T
    WU1T = WU[:, :H].T
    WU2T = WU[:, H:].T
    WrT = Wr.T
    bn2 = bn.reshape(1, H)
    be2 = be.reshape(1, H)
    bM2 = bM.reshape(1, H)
    bU2 = bU.reshape(1, H)
    br2 = br.reshape(1, OUT)
    src = jnp.concatenate([edge_index[0, :E2].reshape(NCHUNKS, CROWS),
                           edge_index[0, E2:].reshape(NCHUNKS, CROWS)],
                          axis=1).reshape(E)
    dst = jnp.concatenate([edge_index[1, :E2].reshape(NCHUNKS, CROWS),
                           edge_index[1, E2:].reshape(NCHUNKS, CROWS)],
                          axis=1).reshape(E)
    bv2 = batch_vec.reshape(N, 1)

    xh, a_nodes, b_nodes = pl.pallas_call(
        _node_prep_body,
        out_shape=[jax.ShapeDtypeStruct((N, H), f32)] * 3,
        in_specs=[_full((N, DIN)), _full((DIN, H)), _full((1, H)),
                  _full((H, H)), _full((H, H))],
        out_specs=[_full((N, H))] * 3,
    )(x, WnT, bn2, WMiT, WMjT)

    c_edges = pl.pallas_call(
        _edge_prep_body,
        grid=(E2 // EB2,),
        out_shape=jax.ShapeDtypeStruct((E2, 2 * H), f32),
        in_specs=[pl.BlockSpec((EB2, DE), lambda i: (i, 0)),
                  pl.BlockSpec((EB2, DE), lambda i: (i + E2 // EB2, 0)),
                  _full((DE, H)), _full((1, H)), _full((H, H)),
                  _full((1, H))],
        out_specs=pl.BlockSpec((EB2, 2 * H), lambda i: (i, 0)),
    )(edge_attr, edge_attr, We.T, be2, WMeT, bM2)

    c_flat = c_edges.reshape(E2 * 2 * H)

    mesh = plsc.VectorSubcoreMesh(core_axis_name="c", subcore_axis_name="s",
                                  num_cores=NSC, num_subcores=NTILE)
    sc_call = pl.kernel(
        _sc_msg_body,
        out_type=[jax.ShapeDtypeStruct((NSC * NPAD, H), f32),
                  jax.ShapeDtypeStruct((NSC * NPAD, 16), f32)],
        mesh=mesh,
        compiler_params=pltpu.CompilerParams(use_tc_tiling_on_sc=False),
        scratch_types=[
            pltpu.VMEM((CHUNK,), jnp.int32),
            pltpu.VMEM((CHUNK,), jnp.int32),
            pltpu.VMEM((CHUNK,), jnp.int32),
            pltpu.VMEM((CHUNK,), jnp.int32),
            pltpu.VMEM((CHUNK,), jnp.int32),
            pltpu.VMEM((CHUNK,), jnp.int32),
            pltpu.VMEM((CHUNK, H), f32),
            pltpu.VMEM((CHUNK, H), f32),
            pltpu.VMEM((CHUNK, H), f32),
            pltpu.VMEM((CHUNK, H), f32),
            pltpu.VMEM((CROWS * 2 * H,), f32),
            pltpu.VMEM((CROWS * 2 * H,), f32),
            pltpu.VMEM((CHUNK, H), f32),
            pltpu.VMEM((CHUNK, H), f32),
            pltpu.VMEM((CHUNK, 16), f32),
            pltpu.VMEM((CHUNK, 16), f32),
            pltpu.VMEM_SHARED((NPAD, H), f32),
            pltpu.VMEM_SHARED((NPAD, 16), f32),
            pltpu.SemaphoreType.DMA((2,)),
            pltpu.SemaphoreType.DMA((2,)),
            pltpu.SemaphoreType.DMA((2,)),
            pltpu.SemaphoreType.DMA((2,)),
        ],
    )
    s_par, cnt_par = sc_call(a_nodes, b_nodes, c_flat, dst, src)

    out = pl.pallas_call(
        _update_pool_body,
        out_shape=jax.ShapeDtypeStruct((G, OUT), f32),
        in_specs=[_full((N, H)), _full((NSC * NPAD, H)),
                  _full((NSC * NPAD, 16)),
                  _full((N, 1)), _full((H, H)), _full((H, H)), _full((1, H)),
                  _full((H, OUT)), _full((1, OUT))],
        out_specs=_full((G, OUT)),
    )(xh, s_par, cnt_par, bv2, WU1T, WU2T, bU2, WrT, br2)
    return out

# --- scband reference (transcript-rebuilt; emitter-appended) ---
"""Pipeline reference for scband-graph-regression-model-40157944217914 (READ-ONLY COPY).

The authoritative reference and input builder live on the scoring server;
editing this copy changes nothing except your own understanding.
"""

import jax, jax.numpy as jnp
import numpy as np

N = 10000
E = 320000
DIN = 128
DE = 16
H = 64
OUT = 1
G = 16


def setup_inputs(seed: int = 0) -> dict:
    key = jax.random.key(seed)
    ks = jax.random.split(key, 16)
    x = jax.random.normal(ks[0], (N, DIN), dtype=jnp.float32)
    edge_index = jax.random.randint(ks[1], (2, E), 0, N, dtype=jnp.int32)
    edge_attr = jax.random.normal(ks[2], (E, DE), dtype=jnp.float32)
    batch_vec = jnp.sort(jax.random.randint(ks[3], (N,), 0, G, dtype=jnp.int32))
    # learned parameters (torch.nn.Linear convention: y = x @ W.T + b)
    Wn = jax.random.normal(ks[4], (H, DIN), dtype=jnp.float32) * 0.05
    bn = jnp.zeros((H,), dtype=jnp.float32)
    We = jax.random.normal(ks[5], (H, DE), dtype=jnp.float32) * 0.05
    be = jnp.zeros((H,), dtype=jnp.float32)
    WM = jax.random.normal(ks[6], (H, 3 * H), dtype=jnp.float32) * 0.05  # M_in = 2*H + edge_dim(H)
    bM = jnp.zeros((H,), dtype=jnp.float32)
    WU = jax.random.normal(ks[7], (H, 2 * H), dtype=jnp.float32) * 0.05  # U_in = H + H
    bU = jnp.zeros((H,), dtype=jnp.float32)
    Wr = jax.random.normal(ks[8], (OUT, H), dtype=jnp.float32) * 0.05
    br = jnp.zeros((OUT,), dtype=jnp.float32)
    return {"x": x, "edge_index": edge_index, "edge_attr": edge_attr, "batch_vec": batch_vec,
            "Wn": Wn, "bn": bn, "We": We, "be": be, "WM": WM, "bM": bM,
            "WU": WU, "bU": bU, "Wr": Wr, "br": br}


def reference(x, edge_index, edge_attr, batch_vec, Wn, bn, We, be, WM, bM, WU, bU, Wr, br):
    # NodeFeatureLinear: relu(Linear(x))
    xh = jax.nn.relu(x @ Wn.T + bn)
    # EdgeFeatureLinear: relu(Linear(edge_attr))
    eh = jax.nn.relu(edge_attr @ We.T + be)
    # MPNN.propagate with aggr='mean', flow source_to_target:
    # x_j = x[edge_index[0]] (source), x_i = x[edge_index[1]] (target)
    src = edge_index[0]
    dst = edge_index[1]
    x_i = jnp.take(xh, dst, axis=0)
    x_j = jnp.take(xh, src, axis=0)
    msg_in = jnp.concatenate([x_i, x_j, eh], axis=-1)
    msg = jax.nn.relu(msg_in @ WM.T + bM)
    # mean aggregation over destination nodes
    s = jax.ops.segment_sum(msg, dst, num_segments=N)
    cnt = jax.ops.segment_sum(jnp.ones((E, 1), dtype=jnp.float32), dst, num_segments=N)
    aggr_out = s / jnp.maximum(cnt, 1.0)
    # update: relu(U(cat[x, aggr_out]))
    upd = jax.nn.relu(jnp.concatenate([xh, aggr_out], axis=-1) @ WU.T + bU)
    # global mean pool over graphs in the batch
    ps = jax.ops.segment_sum(upd, batch_vec, num_segments=G)
    pc = jax.ops.segment_sum(jnp.ones((N, 1), dtype=jnp.float32), batch_vec, num_segments=G)
    pooled = ps / jnp.maximum(pc, 1.0)
    # regression head
    return pooled @ Wr.T + br

if __name__ == "__main__":
    import jax
    _d = setup_inputs()
    print(jax.jit(kernel)(*tuple(_d.values())))

</pallas_src>

<mosaic_0001>
#map = affine_map<(d0, d1) -> (0, 0)>
#map1 = affine_map<(d0, d1) -> (0)>
module attributes {stable_mosaic.version = 14 : i64} {
  func.func @_sc_msg_body(%arg0: i32, %arg1: i32, %arg2: memref<10000x64xf32, #tpu.memory_space<hbm>>, %arg3: memref<10000x64xf32, #tpu.memory_space<hbm>>, %arg4: memref<20480000xf32, #tpu.memory_space<hbm>>, %arg5: memref<320000xi32, #tpu.memory_space<hbm>>, %arg6: memref<320000xi32, #tpu.memory_space<hbm>>, %arg7: memref<20480x64xf32, #tpu.memory_space<hbm>>, %arg8: memref<20480x16xf32, #tpu.memory_space<hbm>>, %arg9: memref<128xi32, #tpu.memory_space<vmem>>, %arg10: memref<128xi32, #tpu.memory_space<vmem>>, %arg11: memref<128xi32, #tpu.memory_space<vmem>>, %arg12: memref<128xi32, #tpu.memory_space<vmem>>, %arg13: memref<128xi32, #tpu.memory_space<vmem>>, %arg14: memref<128xi32, #tpu.memory_space<vmem>>, %arg15: memref<128x64xf32, #tpu.memory_space<vmem>>, %arg16: memref<128x64xf32, #tpu.memory_space<vmem>>, %arg17: memref<128x64xf32, #tpu.memory_space<vmem>>, %arg18: memref<128x64xf32, #tpu.memory_space<vmem>>, %arg19: memref<8192xf32, #tpu.memory_space<vmem>>, %arg20: memref<8192xf32, #tpu.memory_space<vmem>>, %arg21: memref<128x64xf32, #tpu.memory_space<vmem>>, %arg22: memref<128x64xf32, #tpu.memory_space<vmem>>, %arg23: memref<128x16xf32, #tpu.memory_space<vmem>>, %arg24: memref<128x16xf32, #tpu.memory_space<vmem>>, %arg25: memref<10240x64xf32, #tpu.memory_space<vmem_shared>>, %arg26: memref<10240x16xf32, #tpu.memory_space<vmem_shared>>, %arg27: memref<2x!tpu.dma_semaphore, #tpu.memory_space<semaphore_mem>>, %arg28: memref<2x!tpu.dma_semaphore, #tpu.memory_space<semaphore_mem>>, %arg29: memref<2x!tpu.dma_semaphore, #tpu.memory_space<semaphore_mem>>, %arg30: memref<2x!tpu.dma_semaphore, #tpu.memory_space<semaphore_mem>>) attributes {dimension_semantics = [#tpu.dimension_semantics<core_parallel>, #tpu.dimension_semantics<subcore_parallel>], iteration_bounds = array<i64: 2, 16>, scalar_prefetch = 0 : i64, scratch_operands = 22 : i64, tpu.core_type = #tpu.core_type<sc_vector_subcore>, window_params = [{transform_indices = #map}, {transform_indices = #map}, {transform_indices = #map1}, {transform_indices = #map1}, {transform_indices = #map1}, {transform_indices = #map}, {transform_indices = #map}]} {
    %mul3A = arith.constant 16 : i32
    %mul3A_0 = arith.muli %arg0, %mul3A : i32
    %add3A = arith.addi %mul3A_0, %arg1 : i32
    %broadcast_in_dim3A = arith.constant 0.000000e+00 : f32
    %broadcast_in_dim3A_1 = vector.broadcast %broadcast_in_dim3A : f32 to vector<16xf32>
    %broadcast_in_dim3A_2 = arith.constant 1.000000e+00 : f32
    %broadcast_in_dim3A_3 = vector.broadcast %broadcast_in_dim3A_2 : f32 to vector<16xf32>
    %scan3A = arith.constant 0 : i32
    %scan3A_4 = arith.constant 0 : i32
    %scan3A_5 = arith.constant 128 : i32
    %scan3A_6 = arith.addi %scan3A_4, %scan3A_5 : i32
    %scan3A_7 = arith.constant 1 : i32
    %scan3A_8 = scf.for %scan3A_183 = %scan3A_4 to %scan3A_6 step %scan3A_7 iter_args(%scan3A_184 = %scan3A) -> (i32)  : i32 {
      %swap3A = arith.index_cast %scan3A_183 : i32 to index
      %swap3A_185 = arith.constant 0 : index
      %swap3A_186 = tpu.vector_load %arg21[%swap3A, %swap3A_185] {strides = array<i32>} : memref<128x64xf32, #tpu.memory_space<vmem>>, vector<1x16xf32>,
      %swap3A_187 = vector.shape_cast %swap3A_186 : vector<1x16xf32> to vector<16xf32>
      %swap3A_188 = vector.shape_cast %broadcast_in_dim3A_1 : vector<16xf32> to vector<1x16xf32>
      tpu.vector_store %arg21[%swap3A, %swap3A_185], %swap3A_188 {strides = array<i32>} : memref<128x64xf32, #tpu.memory_space<vmem>>, vector<1x16xf32>,
      %swap3A_189 = arith.index_cast %scan3A_183 : i32 to index
      %swap3A_190 = arith.constant 16 : index
      %swap3A_191 = tpu.vector_load %arg21[%swap3A_189, %swap3A_190] {strides = array<i32>} : memref<128x64xf32, #tpu.memory_space<vmem>>, vector<1x16xf32>,
      %swap3A_192 = vector.shape_cast %swap3A_191 : vector<1x16xf32> to vector<16xf32>
      %swap3A_193 = vector.shape_cast %broadcast_in_dim3A_1 : vector<16xf32> to vector<1x16xf32>
      tpu.vector_store %arg21[%swap3A_189, %swap3A_190], %swap3A_193 {strides = array<i32>} : memref<128x64xf32, #tpu.memory_space<vmem>>, vector<1x16xf32>,
      %swap3A_194 = arith.index_cast %scan3A_183 : i32 to index
      %swap3A_195 = arith.constant 32 : index
      %swap3A_196 = tpu.vector_load %arg21[%swap3A_194, %swap3A_195] {strides = array<i32>} : memref<128x64xf32, #tpu.memory_space<vmem>>, vector<1x16xf32>,
      %swap3A_197 = vector.shape_cast %swap3A_196 : vector<1x16xf32> to vector<16xf32>
      %swap3A_198 = vector.shape_cast %broadcast_in_dim3A_1 : vector<16xf32> to vector<1x16xf32>
      tpu.vector_store %arg21[%swap3A_194, %swap3A_195], %swap3A_198 {strides = array<i32>} : memref<128x64xf32, #tpu.memory_space<vmem>>, vector<1x16xf32>,
      %swap3A_199 = arith.index_cast %scan3A_183 : i32 to index
      %swap3A_200 = arith.constant 48 : index
      %swap3A_201 = tpu.vector_load %arg21[%swap3A_199, %swap3A_200] {strides = array<i32>} : memref<128x64xf32, #tpu.memory_space<vmem>>, vector<1x16xf32>,
      %swap3A_202 = vector.shape_cast %swap3A_201 : vector<1x16xf32> to vector<16xf32>
      %swap3A_203 = vector.shape_cast %broadcast_in_dim3A_1 : vector<16xf32> to vector<1x16xf32>
      tpu.vector_store %arg21[%swap3A_199, %swap3A_200], %swap3A_203 {strides = array<i32>} : memref<128x64xf32, #tpu.memory_space<vmem>>, vector<1x16xf32>,
      %swap3A_204 = arith.index_cast %scan3A_183 : i32 to index
      %swap3A_205 = arith.constant 0 : index
      %swap3A_206 = tpu.vector_load %arg24[%swap3A_204, %swap3A_205] {strides = array<i32>} : memref<128x16xf32, #tpu.memory_space<vmem>>, vector<1x16xf32>,
      %swap3A_207 = vector.shape_cast %swap3A_206 : vector<1x16xf32> to vector<16xf32>
      %swap3A_208 = vector.shape_cast %broadcast_in_dim3A_1 : vector<16xf32> to vector<1x16xf32>
      tpu.vector_store %arg24[%swap3A_204, %swap3A_205], %swap3A_208 {strides = array<i32>} : memref<128x16xf32, #tpu.memory_space<vmem>>, vector<1x16xf32>,
      %swap3A_209 = arith.index_cast %scan3A_183 : i32 to index
      %swap3A_210 = arith.constant 0 : index
      %swap3A_211 = tpu.vector_load %arg23[%swap3A_209, %swap3A_210] {strides = array<i32>} : memref<128x16xf32, #tpu.memory_space<vmem>>, vector<1x16xf32>,
      %swap3A_212 = vector.shape_cast %swap3A_211 : vector<1x16xf32> to vector<16xf32>
      %swap3A_213 = vector.shape_cast %broadcast_in_dim3A_3 : vector<16xf32> to vector<1x16xf32>
      tpu.vector_store %arg23[%swap3A_209, %swap3A_210], %swap3A_213 {strides = array<i32>} : memref<128x16xf32, #tpu.memory_space<vmem>>, vector<1x16xf32>,
      %scan3A_214 = arith.constant 0 : i32
      scf.yield %scan3A_214 : i32
    }
    %scan3A_9 = arith.constant 128 : i32
    %mul3A_10 = arith.constant 640 : i32
    %mul3A_11 = arith.muli %arg1, %mul3A_10 : i32
    %add3A_12 = arith.constant 0 : i32
    %add3A_13 = arith.addi %mul3A_11, %add3A_12 : i32
    "tpu.region"() ({
      %run_scoped3A = tpu.sem_alloc : memref<!tpu.dma_semaphore, #tpu.memory_space<semaphore_mem>>
      %dma_start3A_183 = arith.constant 0 : i32
      %dma_start3A_184 = tpu.memref_slice %arg25[%add3A_13, %dma_start3A_183] : memref<10240x64xf32, #tpu.memory_space<vmem_shared>> -> memref<128x64xf32, #tpu.memory_space<vmem_shared>>
      %dma_start3A_185 = arith.constant 0 : i32
      %dma_start3A_186 = tpu.memref_slice %arg25[%add3A_13, %dma_start3A_185] : memref<10240x64xf32, #tpu.memory_space<vmem_shared>> -> memref<128x64xf32, #tpu.memory_space<vmem_shared>>
      tpu.enqueue_dma source(%arg21 : memref<128x64xf32, #tpu.memory_space<vmem>>) target(%dma_start3A_186 : memref<128x64xf32, #tpu.memory_space<vmem_shared>>) target_semaphore(%run_scoped3A : memref<!tpu.dma_semaphore, #tpu.memory_space<semaphore_mem>>)
      %dma_wait3A_187 = arith.constant 0 : i32
      %dma_wait3A_188 = tpu.memref_slice %arg25[%add3A_13, %dma_wait3A_187] : memref<10240x64xf32, #tpu.memory_space<vmem_shared>> -> memref<128x64xf32, #tpu.memory_space<vmem_shared>>
      %dma_wait3A_189 = arith.constant 0 : i32
      %dma_wait3A_190 = tpu.memref_slice %arg25[%add3A_13, %dma_wait3A_189] : memref<10240x64xf32, #tpu.memory_space<vmem_shared>> -> memref<128x64xf32, #tpu.memory_space<vmem_shared>>
      tpu.wait_dma2 semaphore(%run_scoped3A : memref<!tpu.dma_semaphore, #tpu.memory_space<semaphore_mem>>) src(%arg21 : memref<128x64xf32, #tpu.memory_space<vmem>>) dst(%dma_wait3A_190 : memref<128x64xf32, #tpu.memory_space<vmem_shared>>)
      tpu.yield
    }) : () -> ()
    %mul3A_14 = arith.constant 640 : i32
    %mul3A_15 = arith.muli %arg1, %mul3A_14 : i32
    %add3A_16 = arith.constant 0 : i32
    %add3A_17 = arith.addi %mul3A_15, %add3A_16 : i32
    "tpu.region"() ({
      %run_scoped3A = tpu.sem_alloc : memref<!tpu.dma_semaphore, #tpu.memory_space<semaphore_mem>>
      %dma_start3A_183 = arith.constant 0 : i32
      %dma_start3A_184 = tpu.memref_slice %arg26[%add3A_17, %dma_start3A_183] : memref<10240x16xf32, #tpu.memory_space<vmem_shared>> -> memref<128x16xf32, #tpu.memory_space<vmem_shared>>
      %dma_start3A_185 = arith.constant 0 : i32
      %dma_start3A_186 = tpu.memref_slice %arg26[%add3A_17, %dma_start3A_185] : memref<10240x16xf32, #tpu.memory_space<vmem_shared>> -> memref<128x16xf32, #tpu.memory_space<vmem_shared>>
      tpu.enqueue_dma source(%arg24 : memref<128x16xf32, #tpu.memory_space<vmem>>) target(%dma_start3A_186 : memref<128x16xf32, #tpu.memory_space<vmem_shared>>) target_semaphore(%run_scoped3A : memref<!tpu.dma_semaphore, #tpu.memory_space<semaphore_mem>>)
      %dma_wait3A_187 = arith.constant 0 : i32
      %dma_wait3A_188 = tpu.memref_slice %arg26[%add3A_17, %dma_wait3A_187] : memref<10240x16xf32, #tpu.memory_space<vmem_shared>> -> memref<128x16xf32, #tpu.memory_space<vmem_shared>>
      %dma_wait3A_189 = arith.constant 0 : i32
      %dma_wait3A_190 = tpu.memref_slice %arg26[%add3A_17, %dma_wait3A_189] : memref<10240x16xf32, #tpu.memory_space<vmem_shared>> -> memref<128x16xf32, #tpu.memory_space<vmem_shared>>
      tpu.wait_dma2 semaphore(%run_scoped3A : memref<!tpu.dma_semaphore, #tpu.memory_space<semaphore_mem>>) src(%arg24 : memref<128x16xf32, #tpu.memory_space<vmem>>) dst(%dma_wait3A_190 : memref<128x16xf32, #tpu.memory_space<vmem_shared>>)
      tpu.yield
    }) : () -> ()
    %mul3A_18 = arith.constant 640 : i32
    %mul3A_19 = arith.muli %arg1, %mul3A_18 : i32
    %add3A_20 = arith.constant 128 : i32
    %add3A_21 = arith.addi %mul3A_19, %add3A_20 : i32
    "tpu.region"() ({
      %run_scoped3A = tpu.sem_alloc : memref<!tpu.dma_semaphore, #tpu.memory_space<semaphore_mem>>
      %dma_start3A_183 = arith.constant 0 : i32
      %dma_start3A_184 = tpu.memref_slice %arg25[%add3A_21, %dma_start3A_183] : memref<10240x64xf32, #tpu.memory_space<vmem_shared>> -> memref<128x64xf32, #tpu.memory_space<vmem_shared>>
      %dma_start3A_185 = arith.constant 0 : i32
      %dma_start3A_186 = tpu.memref_slice %arg25[%add3A_21, %dma_start3A_185] : memref<10240x64xf32, #tpu.memory_space<vmem_shared>> -> memref<128x64xf32, #tpu.memory_space<vmem_shared>>
      tpu.enqueue_dma source(%arg21 : memref<128x64xf32, #tpu.memory_space<vmem>>) target(%dma_start3A_186 : memref<128x64xf32, #tpu.memory_space<vmem_shared>>) target_semaphore(%run_scoped3A : memref<!tpu.dma_semaphore, #tpu.memory_space<semaphore_mem>>)
      %dma_wait3A_187 = arith.constant 0 : i32
      %dma_wait3A_188 = tpu.memref_slice %arg25[%add3A_21, %dma_wait3A_187] : memref<10240x64xf32, #tpu.memory_space<vmem_shared>> -> memref<128x64xf32, #tpu.memory_space<vmem_shared>>
      %dma_wait3A_189 = arith.constant 0 : i32
      %dma_wait3A_190 = tpu.memref_slice %arg25[%add3A_21, %dma_wait3A_189] : memref<10240x64xf32, #tpu.memory_space<vmem_shared>> -> memref<128x64xf32, #tpu.memory_space<vmem_shared>>
      tpu.wait_dma2 semaphore(%run_scoped3A : memref<!tpu.dma_semaphore, #tpu.memory_space<semaphore_mem>>) src(%arg21 : memref<128x64xf32, #tpu.memory_space<vmem>>) dst(%dma_wait3A_190 : memref<128x64xf32, #tpu.memory_space<vmem_shared>>)
      tpu.yield
    }) : () -> ()
    %mul3A_22 = arith.constant 640 : i32
    %mul3A_23 = arith.muli %arg1, %mul3A_22 : i32
    %add3A_24 = arith.constant 128 : i32
    %add3A_25 = arith.addi %mul3A_23, %add3A_24 : i32
    "tpu.region"() ({
      %run_scoped3A = tpu.sem_alloc : memref<!tpu.dma_semaphore, #tpu.memory_space<semaphore_mem>>
      %dma_start3A_183 = arith.constant 0 : i32
      %dma_start3A_184 = tpu.memref_slice %arg26[%add3A_25, %dma_start3A_183] : memref<10240x16xf32, #tpu.memory_space<vmem_shared>> -> memref<128x16xf32, #tpu.memory_space<vmem_shared>>
      %dma_start3A_185 = arith.constant 0 : i32
      %dma_start3A_186 = tpu.memref_slice %arg26[%add3A_25, %dma_start3A_185] : memref<10240x16xf32, #tpu.memory_space<vmem_shared>> -> memref<128x16xf32, #tpu.memory_space<vmem_shared>>
      tpu.enqueue_dma source(%arg24 : memref<128x16xf32, #tpu.memory_space<vmem>>) target(%dma_start3A_186 : memref<128x16xf32, #tpu.memory_space<vmem_shared>>) target_semaphore(%run_scoped3A : memref<!tpu.dma_semaphore, #tpu.memory_space<semaphore_mem>>)
      %dma_wait3A_187 = arith.constant 0 : i32
      %dma_wait3A_188 = tpu.memref_slice %arg26[%add3A_25, %dma_wait3A_187] : memref<10240x16xf32, #tpu.memory_space<vmem_shared>> -> memref<128x16xf32, #tpu.memory_space<vmem_shared>>
      %dma_wait3A_189 = arith.constant 0 : i32
      %dma_wait3A_190 = tpu.memref_slice %arg26[%add3A_25, %dma_wait3A_189] : memref<10240x16xf32, #tpu.memory_space<vmem_shared>> -> memref<128x16xf32, #tpu.memory_space<vmem_shared>>
      tpu.wait_dma2 semaphore(%run_scoped3A : memref<!tpu.dma_semaphore, #tpu.memory_space<semaphore_mem>>) src(%arg24 : memref<128x16xf32, #tpu.memory_space<vmem>>) dst(%dma_wait3A_190 : memref<128x16xf32, #tpu.memory_space<vmem_shared>>)
      tpu.yield
    }) : () -> ()
    %mul3A_26 = arith.constant 640 : i32
    %mul3A_27 = arith.muli %arg1, %mul3A_26 : i32
    %add3A_28 = arith.constant 256 : i32
    %add3A_29 = arith.addi %mul3A_27, %add3A_28 : i32
    "tpu.region"() ({
      %run_scoped3A = tpu.sem_alloc : memref<!tpu.dma_semaphore, #tpu.memory_space<semaphore_mem>>
      %dma_start3A_183 = arith.constant 0 : i32
      %dma_start3A_184 = tpu.memref_slice %arg25[%add3A_29, %dma_start3A_183] : memref<10240x64xf32, #tpu.memory_space<vmem_shared>> -> memref<128x64xf32, #tpu.memory_space<vmem_shared>>
      %dma_start3A_185 = arith.constant 0 : i32
      %dma_start3A_186 = tpu.memref_slice %arg25[%add3A_29, %dma_start3A_185] : memref<10240x64xf32, #tpu.memory_space<vmem_shared>> -> memref<128x64xf32, #tpu.memory_space<vmem_shared>>
      tpu.enqueue_dma source(%arg21 : memref<128x64xf32, #tpu.memory_space<vmem>>) target(%dma_start3A_186 : memref<128x64xf32, #tpu.memory_space<vmem_shared>>) target_semaphore(%run_scoped3A : memref<!tpu.dma_semaphore, #tpu.memory_space<semaphore_mem>>)
      %dma_wait3A_187 = arith.constant 0 : i32
      %dma_wait3A_188 = tpu.memref_slice %arg25[%add3A_29, %dma_wait3A_187] : memref<10240x64xf32, #tpu.memory_space<vmem_shared>> -> memref<128x64xf32, #tpu.memory_space<vmem_shared>>
      %dma_wait3A_189 = arith.constant 0 : i32
      %dma_wait3A_190 = tpu.memref_slice %arg25[%add3A_29, %dma_wait3A_189] : memref<10240x64xf32, #tpu.memory_space<vmem_shared>> -> memref<128x64xf32, #tpu.memory_space<vmem_shared>>
      tpu.wait_dma2 semaphore(%run_scoped3A : memref<!tpu.dma_semaphore, #tpu.memory_space<semaphore_mem>>) src(%arg21 : memref<128x64xf32, #tpu.memory_space<vmem>>) dst(%dma_wait3A_190 : memref<128x64xf32, #tpu.memory_space<vmem_shared>>)
      tpu.yield
    }) : () -> ()
    %mul3A_30 = arith.constant 640 : i32
    %mul3A_31 = arith.muli %arg1, %mul3A_30 : i32
    %add3A_32 = arith.constant 256 : i32
    %add3A_33 = arith.addi %mul3A_31, %add3A_32 : i32
    "tpu.region"() ({
      %run_scoped3A = tpu.sem_alloc : memref<!tpu.dma_semaphore, #tpu.memory_space<semaphore_mem>>
      %dma_start3A_183 = arith.constant 0 : i32
      %dma_start3A_184 = tpu.memref_slice %arg26[%add3A_33, %dma_start3A_183] : memref<10240x16xf32, #tpu.memory_space<vmem_shared>> -> memref<128x16xf32, #tpu.memory_space<vmem_shared>>
      %dma_start3A_185 = arith.constant 0 : i32
      %dma_start3A_186 = tpu.memref_slice %arg26[%add3A_33, %dma_start3A_185] : memref<10240x16xf32, #tpu.memory_space<vmem_shared>> -> memref<128x16xf32, #tpu.memory_space<vmem_shared>>
      tpu.enqueue_dma source(%arg24 : memref<128x16xf32, #tpu.memory_space<vmem>>) target(%dma_start3A_186 : memref<128x16xf32, #tpu.memory_space<vmem_shared>>) target_semaphore(%run_scoped3A : memref<!tpu.dma_semaphore, #tpu.memory_space<semaphore_mem>>)
      %dma_wait3A_187 = arith.constant 0 : i32
      %dma_wait3A_188 = tpu.memref_slice %arg26[%add3A_33, %dma_wait3A_187] : memref<10240x16xf32, #tpu.memory_space<vmem_shared>> -> memref<128x16xf32, #tpu.memory_space<vmem_shared>>
      %dma_wait3A_189 = arith.constant 0 : i32
      %dma_wait3A_190 = tpu.memref_slice %arg26[%add3A_33, %dma_wait3A_189] : memref<10240x16xf32, #tpu.memory_space<vmem_shared>> -> memref<128x16xf32, #tpu.memory_space<vmem_shared>>
      tpu.wait_dma2 semaphore(%run_scoped3A : memref<!tpu.dma_semaphore, #tpu.memory_space<semaphore_mem>>) src(%arg24 : memref<128x16xf32, #tpu.memory_space<vmem>>) dst(%dma_wait3A_190 : memref<128x16xf32, #tpu.memory_space<vmem_shared>>)
      tpu.yield
    }) : () -> ()
    %mul3A_34 = arith.constant 640 : i32
    %mul3A_35 = arith.muli %arg1, %mul3A_34 : i32
    %add3A_36 = arith.constant 384 : i32
    %add3A_37 = arith.addi %mul3A_35, %add3A_36 : i32
    "tpu.region"() ({
      %run_scoped3A = tpu.sem_alloc : memref<!tpu.dma_semaphore, #tpu.memory_space<semaphore_mem>>
      %dma_start3A_183 = arith.constant 0 : i32
      %dma_start3A_184 = tpu.memref_slice %arg25[%add3A_37, %dma_start3A_183] : memref<10240x64xf32, #tpu.memory_space<vmem_shared>> -> memref<128x64xf32, #tpu.memory_space<vmem_shared>>
      %dma_start3A_185 = arith.constant 0 : i32
      %dma_start3A_186 = tpu.memref_slice %arg25[%add3A_37, %dma_start3A_185] : memref<10240x64xf32, #tpu.memory_space<vmem_shared>> -> memref<128x64xf32, #tpu.memory_space<vmem_shared>>
      tpu.enqueue_dma source(%arg21 : memref<128x64xf32, #tpu.memory_space<vmem>>) target(%dma_start3A_186 : memref<128x64xf32, #tpu.memory_space<vmem_shared>>) target_semaphore(%run_scoped3A : memref<!tpu.dma_semaphore, #tpu.memory_space<semaphore_mem>>)
      %dma_wait3A_187 = arith.constant 0 : i32
      %dma_wait3A_188 = tpu.memref_slice %arg25[%add3A_37, %dma_wait3A_187] : memref<10240x64xf32, #tpu.memory_space<vmem_shared>> -> memref<128x64xf32, #tpu.memory_space<vmem_shared>>
      %dma_wait3A_189 = arith.constant 0 : i32
      %dma_wait3A_190 = tpu.memref_slice %arg25[%add3A_37, %dma_wait3A_189] : memref<10240x64xf32, #tpu.memory_space<vmem_shared>> -> memref<128x64xf32, #tpu.memory_space<vmem_shared>>
      tpu.wait_dma2 semaphore(%run_scoped3A : memref<!tpu.dma_semaphore, #tpu.memory_space<semaphore_mem>>) src(%arg21 : memref<128x64xf32, #tpu.memory_space<vmem>>) dst(%dma_wait3A_190 : memref<128x64xf32, #tpu.memory_space<vmem_shared>>)
      tpu.yield
    }) : () -> ()
    %mul3A_38 = arith.constant 640 : i32
    %mul3A_39 = arith.muli %arg1, %mul3A_38 : i32
    %add3A_40 = arith.constant 384 : i32
    %add3A_41 = arith.addi %mul3A_39, %add3A_40 : i32
    "tpu.region"() ({
      %run_scoped3A = tpu.sem_alloc : memref<!tpu.dma_semaphore, #tpu.memory_space<semaphore_mem>>
      %dma_start3A_183 = arith.constant 0 : i32
      %dma_start3A_184 = tpu.memref_slice %arg26[%add3A_41, %dma_start3A_183] : memref<10240x16xf32, #tpu.memory_space<vmem_shared>> -> memref<128x16xf32, #tpu.memory_space<vmem_shared>>
      %dma_start3A_185 = arith.constant 0 : i32
      %dma_start3A_186 = tpu.memref_slice %arg26[%add3A_41, %dma_start3A_185] : memref<10240x16xf32, #tpu.memory_space<vmem_shared>> -> memref<128x16xf32, #tpu.memory_space<vmem_shared>>
      tpu.enqueue_dma source(%arg24 : memref<128x16xf32, #tpu.memory_space<vmem>>) target(%dma_start3A_186 : memref<128x16xf32, #tpu.memory_space<vmem_shared>>) target_semaphore(%run_scoped3A : memref<!tpu.dma_semaphore, #tpu.memory_space<semaphore_mem>>)
      %dma_wait3A_187 = arith.constant 0 : i32
      %dma_wait3A_188 = tpu.memref_slice %arg26[%add3A_41, %dma_wait3A_187] : memref<10240x16xf32, #tpu.memory_space<vmem_shared>> -> memref<128x16xf32, #tpu.memory_space<vmem_shared>>
      %dma_wait3A_189 = arith.constant 0 : i32
      %dma_wait3A_190 = tpu.memref_slice %arg26[%add3A_41, %dma_wait3A_189] : memref<10240x16xf32, #tpu.memory_space<vmem_shared>> -> memref<128x16xf32, #tpu.memory_space<vmem_shared>>
      tpu.wait_dma2 semaphore(%run_scoped3A : memref<!tpu.dma_semaphore, #tpu.memory_space<semaphore_mem>>) src(%arg24 : memref<128x16xf32, #tpu.memory_space<vmem>>) dst(%dma_wait3A_190 : memref<128x16xf32, #tpu.memory_space<vmem_shared>>)
      tpu.yield
    }) : () -> ()
    %mul3A_42 = arith.constant 640 : i32
    %mul3A_43 = arith.muli %arg1, %mul3A_42 : i32
    %add3A_44 = arith.constant 512 : i32
    %add3A_45 = arith.addi %mul3A_43, %add3A_44 : i32
    "tpu.region"() ({
      %run_scoped3A = tpu.sem_alloc : memref<!tpu.dma_semaphore, #tpu.memory_space<semaphore_mem>>
      %dma_start3A_183 = arith.constant 0 : i32
      %dma_start3A_184 = tpu.memref_slice %arg25[%add3A_45, %dma_start3A_183] : memref<10240x64xf32, #tpu.memory_space<vmem_shared>> -> memref<128x64xf32, #tpu.memory_space<vmem_shared>>
      %dma_start3A_185 = arith.constant 0 : i32
      %dma_start3A_186 = tpu.memref_slice %arg25[%add3A_45, %dma_start3A_185] : memref<10240x64xf32, #tpu.memory_space<vmem_shared>> -> memref<128x64xf32, #tpu.memory_space<vmem_shared>>
      tpu.enqueue_dma source(%arg21 : memref<128x64xf32, #tpu.memory_space<vmem>>) target(%dma_start3A_186 : memref<128x64xf32, #tpu.memory_space<vmem_shared>>) target_semaphore(%run_scoped3A : memref<!tpu.dma_semaphore, #tpu.memory_space<semaphore_mem>>)
      %dma_wait3A_187 = arith.constant 0 : i32
      %dma_wait3A_188 = tpu.memref_slice %arg25[%add3A_45, %dma_wait3A_187] : memref<10240x64xf32, #tpu.memory_space<vmem_shared>> -> memref<128x64xf32, #tpu.memory_space<vmem_shared>>
      %dma_wait3A_189 = arith.constant 0 : i32
      %dma_wait3A_190 = tpu.memref_slice %arg25[%add3A_45, %dma_wait3A_189] : memref<10240x64xf32, #tpu.memory_space<vmem_shared>> -> memref<128x64xf32, #tpu.memory_space<vmem_shared>>
      tpu.wait_dma2 semaphore(%run_scoped3A : memref<!tpu.dma_semaphore, #tpu.memory_space<semaphore_mem>>) src(%arg21 : memref<128x64xf32, #tpu.memory_space<vmem>>) dst(%dma_wait3A_190 : memref<128x64xf32, #tpu.memory_space<vmem_shared>>)
      tpu.yield
    }) : () -> ()
    %mul3A_46 = arith.constant 640 : i32
    %mul3A_47 = arith.muli %arg1, %mul3A_46 : i32
    %add3A_48 = arith.constant 512 : i32
    %add3A_49 = arith.addi %mul3A_47, %add3A_48 : i32
    "tpu.region"() ({
      %run_scoped3A = tpu.sem_alloc : memref<!tpu.dma_semaphore, #tpu.memory_space<semaphore_mem>>
      %dma_start3A_183 = arith.constant 0 : i32
      %dma_start3A_184 = tpu.memref_slice %arg26[%add3A_49, %dma_start3A_183] : memref<10240x16xf32, #tpu.memory_space<vmem_shared>> -> memref<128x16xf32, #tpu.memory_space<vmem_shared>>
      %dma_start3A_185 = arith.constant 0 : i32
      %dma_start3A_186 = tpu.memref_slice %arg26[%add3A_49, %dma_start3A_185] : memref<10240x16xf32, #tpu.memory_space<vmem_shared>> -> memref<128x16xf32, #tpu.memory_space<vmem_shared>>
      tpu.enqueue_dma source(%arg24 : memref<128x16xf32, #tpu.memory_space<vmem>>) target(%dma_start3A_186 : memref<128x16xf32, #tpu.memory_space<vmem_shared>>) target_semaphore(%run_scoped3A : memref<!tpu.dma_semaphore, #tpu.memory_space<semaphore_mem>>)
      %dma_wait3A_187 = arith.constant 0 : i32
      %dma_wait3A_188 = tpu.memref_slice %arg26[%add3A_49, %dma_wait3A_187] : memref<10240x16xf32, #tpu.memory_space<vmem_shared>> -> memref<128x16xf32, #tpu.memory_space<vmem_shared>>
      %dma_wait3A_189 = arith.constant 0 : i32
      %dma_wait3A_190 = tpu.memref_slice %arg26[%add3A_49, %dma_wait3A_189] : memref<10240x16xf32, #tpu.memory_space<vmem_shared>> -> memref<128x16xf32, #tpu.memory_space<vmem_shared>>
      tpu.wait_dma2 semaphore(%run_scoped3A : memref<!tpu.dma_semaphore, #tpu.memory_space<semaphore_mem>>) src(%arg24 : memref<128x16xf32, #tpu.memory_space<vmem>>) dst(%dma_wait3A_190 : memref<128x16xf32, #tpu.memory_space<vmem_shared>>)
      tpu.yield
    }) : () -> ()
    %barrier3A = arith.constant 0 : index
    tpu.barrier barrier_id(%barrier3A)
    %add3A_50 = arith.constant 0 : i32
    %add3A_51 = arith.addi %add3A, %add3A_50 : i32
    %mul3A_52 = arith.constant 128 : i32
    %mul3A_53 = arith.muli %add3A_51, %mul3A_52 : i32
    %dma_start3A = arith.constant 0 : i32
    %dma_start3A_54 = tpu.memref_slice %arg5[%mul3A_53] : memref<320000xi32, #tpu.memory_space<hbm>> -> memref<128xi32, #tpu.memory_space<hbm>>
    %dma_start3A_55 = tpu.memref_slice %arg27[%dma_start3A] : memref<2x!tpu.dma_semaphore, #tpu.memory_space<semaphore_mem>> -> memref<1x!tpu.dma_semaphore, #tpu.memory_space<semaphore_mem>>
    %dma_start3A_56 = tpu.memref_squeeze %dma_start3A_55 : memref<1x!tpu.dma_semaphore, #tpu.memory_space<semaphore_mem>> -> memref<!tpu.dma_semaphore, #tpu.memory_space<semaphore_mem>>
    %dma_start3A_57 = tpu.memref_slice %arg5[%mul3A_53] : memref<320000xi32, #tpu.memory_space<hbm>> -> memref<128xi32, #tpu.memory_space<hbm>>
    tpu.enqueue_dma source(%dma_start3A_57 : memref<128xi32, #tpu.memory_space<hbm>>) target(%arg9 : memref<128xi32, #tpu.memory_space<vmem>>) target_semaphore(%dma_start3A_56 : memref<!tpu.dma_semaphore, #tpu.memory_space<semaphore_mem>>)
    %mul3A_58 = arith.constant 128 : i32
    %mul3A_59 = arith.muli %add3A_51, %mul3A_58 : i32
    %dma_start3A_60 = arith.constant 0 : i32
    %dma_start3A_61 = tpu.memref_slice %arg6[%mul3A_59] : memref<320000xi32, #tpu.memory_space<hbm>> -> memref<128xi32, #tpu.memory_space<hbm>>
    %dma_start3A_62 = tpu.memref_slice %arg27[%dma_start3A_60] : memref<2x!tpu.dma_semaphore, #tpu.memory_space<semaphore_mem>> -> memref<1x!tpu.dma_semaphore, #tpu.memory_space<semaphore_mem>>
    %dma_start3A_63 = tpu.memref_squeeze %dma_start3A_62 : memref<1x!tpu.dma_semaphore, #tpu.memory_space<semaphore_mem>> -> memref<!tpu.dma_semaphore, #tpu.memory_space<semaphore_mem>>
    %dma_start3A_64 = tpu.memref_slice %arg6[%mul3A_59] : memref<320000xi32, #tpu.memory_space<hbm>> -> memref<128xi32, #tpu.memory_space<hbm>>
    tpu.enqueue_dma source(%dma_start3A_64 : memref<128xi32, #tpu.memory_space<hbm>>) target(%arg11 : memref<128xi32, #tpu.memory_space<vmem>>) target_semaphore(%dma_start3A_63 : memref<!tpu.dma_semaphore, #tpu.memory_space<semaphore_mem>>)
    %mul3A_65 = arith.constant 64 : i32
    %mul3A_66 = arith.muli %add3A_51, %mul3A_65 : i32
    %mul3A_67 = arith.constant 2 : i32
    %mul3A_68 = arith.muli %mul3A_66, %mul3A_67 : i32
    %mul3A_69 = arith.constant 64 : i32
    %mul3A_70 = arith.muli %mul3A_68, %mul3A_69 : i32
    %dma_start3A_71 = arith.constant 0 : i32
    %dma_start3A_72 = tpu.memref_slice %arg4[%mul3A_70] : memref<20480000xf32, #tpu.memory_space<hbm>> -> memref<8192xf32, #tpu.memory_space<hbm>>
    %dma_start3A_73 = tpu.memref_slice %arg27[%dma_start3A_71] : memref<2x!tpu.dma_semaphore, #tpu.memory_space<semaphore_mem>> -> memref<1x!tpu.dma_semaphore, #tpu.memory_space<semaphore_mem>>
    %dma_start3A_74 = tpu.memref_squeeze %dma_start3A_73 : memref<1x!tpu.dma_semaphore, #tpu.memory_space<semaphore_mem>> -> memref<!tpu.dma_semaphore, #tpu.memory_space<semaphore_mem>>
    %dma_start3A_75 = tpu.memref_slice %arg4[%mul3A_70] : memref<20480000xf32, #tpu.memory_space<hbm>> -> memref<8192xf32, #tpu.memory_space<hbm>>
    tpu.enqueue_dma source(%dma_start3A_75 : memref<8192xf32, #tpu.memory_space<hbm>>) target(%arg19 : memref<8192xf32, #tpu.memory_space<vmem>>) target_semaphore(%dma_start3A_74 : memref<!tpu.dma_semaphore, #tpu.memory_space<semaphore_mem>>)
    %add3A_76 = arith.constant 32 : i32
    %add3A_77 = arith.addi %add3A, %add3A_76 : i32
    %mul3A_78 = arith.constant 128 : i32
    %mul3A_79 = arith.muli %add3A_77, %mul3A_78 : i32
    %dma_start3A_80 = arith.constant 1 : i32
    %dma_start3A_81 = tpu.memref_slice %arg5[%mul3A_79] : memref<320000xi32, #tpu.memory_space<hbm>> -> memref<128xi32, #tpu.memory_space<hbm>>
    %dma_start3A_82 = tpu.memref_slice %arg27[%dma_start3A_80] : memref<2x!tpu.dma_semaphore, #tpu.memory_space<semaphore_mem>> -> memref<1x!tpu.dma_semaphore, #tpu.memory_space<semaphore_mem>>
    %dma_start3A_83 = tpu.memref_squeeze %dma_start3A_82 : memref<1x!tpu.dma_semaphore, #tpu.memory_space<semaphore_mem>> -> memref<!tpu.dma_semaphore, #tpu.memory_space<semaphore_mem>>
    %dma_start3A_84 = tpu.memref_slice %arg5[%mul3A_79] : memref<320000xi32, #tpu.memory_space<hbm>> -> memref<128xi32, #tpu.memory_space<hbm>>
    tpu.enqueue_dma source(%dma_start3A_84 : memref<128xi32, #tpu.memory_space<hbm>>) target(%arg10 : memref<128xi32, #tpu.memory_space<vmem>>) target_semaphore(%dma_start3A_83 : memref<!tpu.dma_semaphore, #tpu.memory_space<semaphore_mem>>)
    %mul3A_85 = arith.constant 128 : i32
    %mul3A_86 = arith.muli %add3A_77, %mul3A_85 : i32
    %dma_start3A_87 = arith.constant 1 : i32
    %dma_start3A_88 = tpu.memref_slice %arg6[%mul3A_86] : memref<320000xi32, #tpu.memory_space<hbm>> -> memref<128xi32, #tpu.memory_space<hbm>>
    %dma_start3A_89 = tpu.memref_slice %arg27[%dma_start3A_87] : memref<2x!tpu.dma_semaphore, #tpu.memory_space<semaphore_mem>> -> memref<1x!tpu.dma_semaphore, #tpu.memory_space<semaphore_mem>>
    %dma_start3A_90 = tpu.memref_squeeze %dma_start3A_89 : memref<1x!tpu.dma_semaphore, #tpu.memory_space<semaphore_mem>> -> memref<!tpu.dma_semaphore, #tpu.memory_space<semaphore_mem>>
    %dma_start3A_91 = tpu.memref_slice %arg6[%mul3A_86] : memref<320000xi32, #tpu.memory_space<hbm>> -> memref<128xi32, #tpu.memory_space<hbm>>
    tpu.enqueue_dma source(%dma_start3A_91 : memref<128xi32, #tpu.memory_space<hbm>>) target(%arg12 : memref<128xi32, #tpu.memory_space<vmem>>) target_semaphore(%dma_start3A_90 : memref<!tpu.dma_semaphore, #tpu.memory_space<semaphore_mem>>)
    %mul3A_92 = arith.constant 64 : i32
    %mul3A_93 = arith.muli %add3A_77, %mul3A_92 : i32
    %mul3A_94 = arith.constant 2 : i32
    %mul3A_95 = arith.muli %mul3A_93, %mul3A_94 : i32
    %mul3A_96 = arith.constant 64 : i32
    %mul3A_97 = arith.muli %mul3A_95, %mul3A_96 : i32
    %dma_start3A_98 = arith.constant 1 : i32
    %dma_start3A_99 = tpu.memref_slice %arg4[%mul3A_97] : memref<20480000xf32, #tpu.memory_space<hbm>> -> memref<8192xf32, #tpu.memory_space<hbm>>
    %dma_start3A_100 = tpu.memref_slice %arg27[%dma_start3A_98] : memref<2x!tpu.dma_semaphore, #tpu.memory_space<semaphore_mem>> -> memref<1x!tpu.dma_semaphore, #tpu.memory_space<semaphore_mem>>
    %dma_start3A_101 = tpu.memref_squeeze %dma_start3A_100 : memref<1x!tpu.dma_semaphore, #tpu.memory_space<semaphore_mem>> -> memref<!tpu.dma_semaphore, #tpu.memory_space<semaphore_mem>>
    %dma_start3A_102 = tpu.memref_slice %arg4[%mul3A_97] : memref<20480000xf32, #tpu.memory_space<hbm>> -> memref<8192xf32, #tpu.memory_space<hbm>>
    tpu.enqueue_dma source(%dma_start3A_102 : memref<8192xf32, #tpu.memory_space<hbm>>) target(%arg20 : memref<8192xf32, #tpu.memory_space<vmem>>) target_semaphore(%dma_start3A_101 : memref<!tpu.dma_semaphore, #tpu.memory_space<semaphore_mem>>)
    %dma_wait3A = arith.constant 0 : i32
    %dma_wait3A_103 = arith.constant 0 : i32
    %dma_wait3A_104 = tpu.memref_slice %arg5[%dma_wait3A_103] : memref<320000xi32, #tpu.memory_space<hbm>> -> memref<128xi32, #tpu.memory_space<hbm>>
    %dma_wait3A_105 = tpu.memref_slice %arg27[%dma_wait3A] : memref<2x!tpu.dma_semaphore, #tpu.memory_space<semaphore_mem>> -> memref<1x!tpu.dma_semaphore, #tpu.memory_space<semaphore_mem>>
    %dma_wait3A_106 = tpu.memref_squeeze %dma_wait3A_105 : memref<1x!tpu.dma_semaphore, #tpu.memory_space<semaphore_mem>> -> memref<!tpu.dma_semaphore, #tpu.memory_space<semaphore_mem>>
    %dma_wait3A_107 = arith.constant 0 : i32
    %dma_wait3A_108 = tpu.memref_slice %arg5[%dma_wait3A_107] : memref<320000xi32, #tpu.memory_space<hbm>> -> memref<128xi32, #tpu.memory_space<hbm>>
    tpu.wait_dma2 semaphore(%dma_wait3A_106 : memref<!tpu.dma_semaphore, #tpu.memory_space<semaphore_mem>>) src(%dma_wait3A_108 : memref<128xi32, #tpu.memory_space<hbm>>) dst(%arg9 : memref<128xi32, #tpu.memory_space<vmem>>)
    %dma_wait3A_109 = arith.constant 0 : i32
    %dma_wait3A_110 = arith.constant 0 : i32
    %dma_wait3A_111 = tpu.memref_slice %arg6[%dma_wait3A_110] : memref<320000xi32, #tpu.memory_space<hbm>> -> memref<128xi32, #tpu.memory_space<hbm>>
    %dma_wait3A_112 = tpu.memref_slice %arg27[%dma_wait3A_109] : memref<2x!tpu.dma_semaphore, #tpu.memory_space<semaphore_mem>> -> memref<1x!tpu.dma_semaphore, #tpu.memory_space<semaphore_mem>>
    %dma_wait3A_113 = tpu.memref_squeeze %dma_wait3A_112 : memref<1x!tpu.dma_semaphore, #tpu.memory_space<semaphore_mem>> -> memref<!tpu.dma_semaphore, #tpu.memory_space<semaphore_mem>>
    %dma_wait3A_114 = arith.constant 0 : i32
    %dma_wait3A_115 = tpu.memref_slice %arg6[%dma_wait3A_114] : memref<320000xi32, #tpu.memory_space<hbm>> -> memref<128xi32, #tpu.memory_space<hbm>>
    tpu.wait_dma2 semaphore(%dma_wait3A_113 : memref<!tpu.dma_semaphore, #tpu.memory_space<semaphore_mem>>) src(%dma_wait3A_115 : memref<128xi32, #tpu.memory_space<hbm>>) dst(%arg11 : memref<128xi32, #tpu.memory_space<vmem>>)
    %dma_wait3A_116 = arith.constant 0 : i32
    %dma_wait3A_117 = arith.constant 0 : i32
    %dma_wait3A_118 = tpu.memref_slice %arg4[%dma_wait3A_117] : memref<20480000xf32, #tpu.memory_space<hbm>> -> memref<8192xf32, #tpu.memory_space<hbm>>
    %dma_wait3A_119 = tpu.memref_slice %arg27[%dma_wait3A_116] : memref<2x!tpu.dma_semaphore, #tpu.memory_space<semaphore_mem>> -> memref<1x!tpu.dma_semaphore, #tpu.memory_space<semaphore_mem>>
    %dma_wait3A_120 = tpu.memref_squeeze %dma_wait3A_119 : memref<1x!tpu.dma_semaphore, #tpu.memory_space<semaphore_mem>> -> memref<!tpu.dma_semaphore, #tpu.memory_space<semaphore_mem>>
    %dma_wait3A_121 = arith.constant 0 : i32
    %dma_wait3A_122 = tpu.memref_slice %arg4[%dma_wait3A_121] : memref<20480000xf32, #tpu.memory_space<hbm>> -> memref<8192xf32, #tpu.memory_space<hbm>>
    tpu.wait_dma2 semaphore(%dma_wait3A_120 : memref<!tpu.dma_semaphore, #tpu.memory_space<semaphore_mem>>) src(%dma_wait3A_122 : memref<8192xf32, #tpu.memory_space<hbm>>) dst(%arg19 : memref<8192xf32, #tpu.memory_space<vmem>>)
    %dma_start3A_123 = arith.constant 0 : i32
    %dma_start3A_124 = arith.constant 0 : i32
    %dma_start3A_125 = arith.constant 0 : i32
    %dma_start3A_126 = tpu.memref_slice %arg2[%dma_start3A_124, %dma_start3A_125] : memref<10000x64xf32, #tpu.memory_space<hbm>> -> memref<10000x64xf32, #tpu.memory_space<hbm>>
    %dma_start3A_127 = tpu.memref_slice %arg28[%dma_start3A_123] : memref<2x!tpu.dma_semaphore, #tpu.memory_space<semaphore_mem>> -> memref<1x!tpu.dma_semaphore, #tpu.memory_space<semaphore_mem>>
    %dma_start3A_128 = tpu.memref_squeeze %dma_start3A_127 : memref<1x!tpu.dma_semaphore, #tpu.memory_space<semaphore_mem>> -> memref<!tpu.dma_semaphore, #tpu.memory_space<semaphore_mem>>
    tpu.enqueue_indirect_dma source(%dma_start3A_126 : memref<10000x64xf32, #tpu.memory_space<hbm>>) target(%arg15 : memref<128x64xf32, #tpu.memory_space<vmem>>) offsets(%arg9 : memref<128xi32, #tpu.memory_space<vmem>>) semaphore(%dma_start3A_128 : memref<!tpu.dma_semaphore, #tpu.memory_space<semaphore_mem>>)
    %dma_start3A_129 = arith.constant 0 : i32
    %dma_start3A_130 = arith.constant 0 : i32
    %dma_start3A_131 = arith.constant 0 : i32
    %dma_start3A_132 = tpu.memref_slice %arg3[%dma_start3A_130, %dma_start3A_131] : memref<10000x64xf32, #tpu.memory_space<hbm>> -> memref<10000x64xf32, #tpu.memory_space<hbm>>
    %dma_start3A_133 = tpu.memref_slice %arg28[%dma_start3A_129] : memref<2x!tpu.dma_semaphore, #tpu.memory_space<semaphore_mem>> -> memref<1x!tpu.dma_semaphore, #tpu.memory_space<semaphore_mem>>
    %dma_start3A_134 = tpu.memref_squeeze %dma_start3A_133 : memref<1x!tpu.dma_semaphore, #tpu.memory_space<semaphore_mem>> -> memref<!tpu.dma_semaphore, #tpu.memory_space<semaphore_mem>>
    tpu.enqueue_indirect_dma source(%dma_start3A_132 : memref<10000x64xf32, #tpu.memory_space<hbm>>) target(%arg17 : memref<128x64xf32, #tpu.memory_space<vmem>>) offsets(%arg11 : memref<128xi32, #tpu.memory_space<vmem>>) semaphore(%dma_start3A_134 : memref<!tpu.dma_semaphore, #tpu.memory_space<semaphore_mem>>)
    %scan3A_135 = arith.constant 0 : i32
    %scan3A_136 = arith.constant 0 : i32
    %scan3A_137 = arith.constant 39 : i32
    %scan3A_138 = arith.addi %scan3A_136, %scan3A_137 : i32
    %scan3A_139 = arith.constant 1 : i32
    %scan3A_140 = scf.for %scan3A_183 = %scan3A_136 to %scan3A_138 step %scan3A_139 iter_args(%scan3A_184 = %scan3A_135) -> (i32)  : i32 {
      %mul3A_185 = arith.constant 2 : i32
      %mul3A_186 = arith.muli %scan3A_183, %mul3A_185 : i32
      %add3A_187 = arith.constant 0 : i32
      %add3A_188 = arith.addi %mul3A_186, %add3A_187 : i32
      %dma_wait3A_189 = arith.constant 0 : i32
      %dma_wait3A_190 = arith.constant 0 : i32
      %dma_wait3A_191 = arith.constant 0 : i32
      %dma_wait3A_192 = tpu.memref_slice %arg2[%dma_wait3A_190, %dma_wait3A_191] : memref<10000x64xf32, #tpu.memory_space<hbm>> -> memref<10000x64xf32, #tpu.memory_space<hbm>>
      %dma_wait3A_193 = tpu.memref_slice %arg28[%dma_wait3A_189] : memref<2x!tpu.dma_semaphore, #tpu.memory_space<semaphore_mem>> -> memref<1x!tpu.dma_semaphore, #tpu.memory_space<semaphore_mem>>
      %dma_wait3A_194 = tpu.memref_squeeze %dma_wait3A_193 : memref<1x!tpu.dma_semaphore, #tpu.memory_space<semaphore_mem>> -> memref<!tpu.dma_semaphore, #tpu.memory_space<semaphore_mem>>
      tpu.wait_indirect_dma semaphore(%dma_wait3A_194 : memref<!tpu.dma_semaphore, #tpu.memory_space<semaphore_mem>>) src(%dma_wait3A_192 : memref<10000x64xf32, #tpu.memory_space<hbm>>) dst(%arg15 : memref<128x64xf32, #tpu.memory_space<vmem>>)
      %dma_wait3A_195 = arith.constant 0 : i32
      %dma_wait3A_196 = arith.constant 0 : i32
      %dma_wait3A_197 = arith.constant 0 : i32
      %dma_wait3A_198 = tpu.memref_slice %arg3[%dma_wait3A_196, %dma_wait3A_197] : memref<10000x64xf32, #tpu.memory_space<hbm>> -> memref<10000x64xf32, #tpu.memory_space<hbm>>
      %dma_wait3A_199 = tpu.memref_slice %arg28[%dma_wait3A_195] : memref<2x!tpu.dma_semaphore, #tpu.memory_space<semaphore_mem>> -> memref<1x!tpu.dma_semaphore, #tpu.memory_space<semaphore_mem>>
      %dma_wait3A_200 = tpu.memref_squeeze %dma_wait3A_199 : memref<1x!tpu.dma_semaphore, #tpu.memory_space<semaphore_mem>> -> memref<!tpu.dma_semaphore, #tpu.memory_space<semaphore_mem>>
      tpu.wait_indirect_dma semaphore(%dma_wait3A_200 : memref<!tpu.dma_semaphore, #tpu.memory_space<semaphore_mem>>) src(%dma_wait3A_198 : memref<10000x64xf32, #tpu.memory_space<hbm>>) dst(%arg17 : memref<128x64xf32, #tpu.memory_space<vmem>>)
      %ge3A = arith.constant 2 : i32
      %ge3A_201 = arith.cmpi sge, %add3A_188, %ge3A : i32
      %convert_element_type3A_202 = arith.extui %ge3A_201 : i1 to i32
      %cond3A_203 = arith.constant 0 : i32
      %cond3A_204 = arith.cmpi ne, %convert_element_type3A_202, %cond3A_203 : i32
      scf.if %cond3A_204 {
        %dma_wait3A_403 = arith.constant 0 : i32
        %dma_wait3A_404 = arith.constant 0 : i32
        %dma_wait3A_405 = arith.constant 0 : i32
        %dma_wait3A_406 = tpu.memref_slice %arg25[%dma_wait3A_404, %dma_wait3A_405] : memref<10240x64xf32, #tpu.memory_space<vmem_shared>> -> memref<10240x64xf32, #tpu.memory_space<vmem_shared>>
        %dma_wait3A_407 = tpu.memref_slice %arg29[%dma_wait3A_403] : memref<2x!tpu.dma_semaphore, #tpu.memory_space<semaphore_mem>> -> memref<1x!tpu.dma_semaphore, #tpu.memory_space<semaphore_mem>>
        %dma_wait3A_408 = tpu.memref_squeeze %dma_wait3A_407 : memref<1x!tpu.dma_semaphore, #tpu.memory_space<semaphore_mem>> -> memref<!tpu.dma_semaphore, #tpu.memory_space<semaphore_mem>>
        tpu.wait_indirect_dma semaphore(%dma_wait3A_408 : memref<!tpu.dma_semaphore, #tpu.memory_space<semaphore_mem>>) src(%arg21 : memref<128x64xf32, #tpu.memory_space<vmem>>) dst(%dma_wait3A_406 : memref<10240x64xf32, #tpu.memory_space<vmem_shared>>)
        %dma_wait3A_409 = arith.constant 0 : i32
        %dma_wait3A_410 = arith.constant 0 : i32
        %dma_wait3A_411 = arith.constant 0 : i32
        %dma_wait3A_412 = tpu.memref_slice %arg26[%dma_wait3A_410, %dma_wait3A_411] : memref<10240x16xf32, #tpu.memory_space<vmem_shared>> -> memref<10240x16xf32, #tpu.memory_space<vmem_shared>>
        %dma_wait3A_413 = tpu.memref_slice %arg30[%dma_wait3A_409] : memref<2x!tpu.dma_semaphore, #tpu.memory_space<semaphore_mem>> -> memref<1x!tpu.dma_semaphore, #tpu.memory_space<semaphore_mem>>
        %dma_wait3A_414 = tpu.memref_squeeze %dma_wait3A_413 : memref<1x!tpu.dma_semaphore, #tpu.memory_space<semaphore_mem>> -> memref<!tpu.dma_semaphore, #tpu.memory_space<semaphore_mem>>
        tpu.wait_indirect_dma semaphore(%dma_wait3A_414 : memref<!tpu.dma_semaphore, #tpu.memory_space<semaphore_mem>>) src(%arg23 : memref<128x16xf32, #tpu.memory_space<vmem>>) dst(%dma_wait3A_412 : memref<10240x16xf32, #tpu.memory_space<vmem_shared>>)
      } else {
      }
      %scan3A_205 = arith.constant 0 : i32
      %scan3A_206 = arith.constant 0 : i32
      %scan3A_207 = arith.constant 64 : i32
      %scan3A_208 = arith.addi %scan3A_206, %scan3A_207 : i32
      %scan3A_209 = arith.constant 1 : i32
      %scan3A_210 = scf.for %scan3A_403 = %scan3A_206 to %scan3A_208 step %scan3A_209 iter_args(%scan3A_404 = %scan3A_205) -> (i32)  : i32 {
        %get3A_405 = arith.index_cast %scan3A_403 : i32 to index
        %get3A_406 = arith.constant 0 : index
        %get3A_407 = tpu.vector_load %arg15[%get3A_405, %get3A_406] {strides = array<i32>} : memref<128x64xf32, #tpu.memory_space<vmem>>, vector<1x16xf32>,
        %get3A_408 = vector.shape_cast %get3A_407 : vector<1x16xf32> to vector<16xf32>
        %get3A_409 = arith.index_cast %scan3A_403 : i32 to index
        %get3A_410 = arith.constant 0 : index
        %get3A_411 = tpu.vector_load %arg17[%get3A_409, %get3A_410] {strides = array<i32>} : memref<128x64xf32, #tpu.memory_space<vmem>>, vector<1x16xf32>,
        %get3A_412 = vector.shape_cast %get3A_411 : vector<1x16xf32> to vector<16xf32>
        %add3A_413 = arith.addf %get3A_408, %get3A_412 : vector<16xf32>
        %mul3A_414 = arith.constant 2 : i32
        %mul3A_415 = arith.muli %scan3A_403, %mul3A_414 : i32
        %mul3A_416 = arith.constant 64 : i32
        %mul3A_417 = arith.muli %mul3A_415, %mul3A_416 : i32
        %add3A_418 = arith.constant 0 : i32
        %add3A_419 = arith.addi %mul3A_417, %add3A_418 : i32
        %get3A_420 = arith.index_cast %add3A_419 : i32 to index
        %get3A_421 = tpu.vector_load %arg19[%get3A_420] {strides = array<i32>} : memref<8192xf32, #tpu.memory_space<vmem>>, vector<16xf32>,
        %get3A_422 = vector.shape_cast %get3A_421 : vector<16xf32> to vector<16xf32>
        %add3A_423 = arith.addf %add3A_413, %get3A_422 : vector<16xf32>
        %max3A = arith.constant 0.000000e+00 : f32
        %max3A_424 = vector.broadcast %max3A : f32 to vector<16xf32>
        %max3A_425 = arith.maximumf %add3A_423, %max3A_424 : vector<16xf32>
        %swap3A_426 = arith.index_cast %scan3A_403 : i32 to index
        %swap3A_427 = arith.constant 0 : index
        %swap3A_428 = tpu.vector_load %arg21[%swap3A_426, %swap3A_427] {strides = array<i32>} : memref<128x64xf32, #tpu.memory_space<vmem>>, vector<1x16xf32>,
        %swap3A_429 = vector.shape_cast %swap3A_428 : vector<1x16xf32> to vector<16xf32>
        %swap3A_430 = vector.shape_cast %max3A_425 : vector<16xf32> to vector<1x16xf32>
        tpu.vector_store %arg21[%swap3A_426, %swap3A_427], %swap3A_430 {strides = array<i32>} : memref<128x64xf32, #tpu.memory_space<vmem>>, vector<1x16xf32>,
        %add3A_431 = arith.constant 64 : i32
        %add3A_432 = arith.addi %add3A_431, %scan3A_403 : i32
        %get3A_433 = arith.index_cast %add3A_432 : i32 to index
        %get3A_434 = arith.constant 0 : index
        %get3A_435 = tpu.vector_load %arg15[%get3A_433, %get3A_434] {strides = array<i32>} : memref<128x64xf32, #tpu.memory_space<vmem>>, vector<1x16xf32>,
        %get3A_436 = vector.shape_cast %get3A_435 : vector<1x16xf32> to vector<16xf32>
        %add3A_437 = arith.constant 64 : i32
        %add3A_438 = arith.addi %add3A_437, %scan3A_403 : i32
        %get3A_439 = arith.index_cast %add3A_438 : i32 to index
        %get3A_440 = arith.constant 0 : index
        %get3A_441 = tpu.vector_load %arg17[%get3A_439, %get3A_440] {strides = array<i32>} : memref<128x64xf32, #tpu.memory_space<vmem>>, vector<1x16xf32>,
        %get3A_442 = vector.shape_cast %get3A_441 : vector<1x16xf32> to vector<16xf32>
        %add3A_443 = arith.addf %get3A_436, %get3A_442 : vector<16xf32>
        %mul3A_444 = arith.constant 2 : i32
        %mul3A_445 = arith.muli %scan3A_403, %mul3A_444 : i32
        %mul3A_446 = arith.constant 64 : i32
        %mul3A_447 = arith.muli %mul3A_445, %mul3A_446 : i32
        %add3A_448 = arith.constant 64 : i32
        %add3A_449 = arith.addi %mul3A_447, %add3A_448 : i32
        %add3A_450 = arith.constant 0 : i32
        %add3A_451 = arith.addi %add3A_449, %add3A_450 : i32
        %get3A_452 = arith.index_cast %add3A_451 : i32 to index
        %get3A_453 = tpu.vector_load %arg19[%get3A_452] {strides = array<i32>} : memref<8192xf32, #tpu.memory_space<vmem>>, vector<16xf32>,
        %get3A_454 = vector.shape_cast %get3A_453 : vector<16xf32> to vector<16xf32>
        %add3A_455 = arith.addf %add3A_443, %get3A_454 : vector<16xf32>
        %max3A_456 = arith.constant 0.000000e+00 : f32
        %max3A_457 = vector.broadcast %max3A_456 : f32 to vector<16xf32>
        %max3A_458 = arith.maximumf %add3A_455, %max3A_457 : vector<16xf32>
        %add3A_459 = arith.constant 64 : i32
        %add3A_460 = arith.addi %add3A_459, %scan3A_403 : i32
        %swap3A_461 = arith.index_cast %add3A_460 : i32 to index
        %swap3A_462 = arith.constant 0 : index
        %swap3A_463 = tpu.vector_load %arg21[%swap3A_461, %swap3A_462] {strides = array<i32>} : memref<128x64xf32, #tpu.memory_space<vmem>>, vector<1x16xf32>,
        %swap3A_464 = vector.shape_cast %swap3A_463 : vector<1x16xf32> to vector<16xf32>
        %swap3A_465 = vector.shape_cast %max3A_458 : vector<16xf32> to vector<1x16xf32>
        tpu.vector_store %arg21[%swap3A_461, %swap3A_462], %swap3A_465 {strides = array<i32>} : memref<128x64xf32, #tpu.memory_space<vmem>>, vector<1x16xf32>,
        %get3A_466 = arith.index_cast %scan3A_403 : i32 to index
        %get3A_467 = arith.constant 16 : index
        %get3A_468 = tpu.vector_load %arg15[%get3A_466, %get3A_467] {strides = array<i32>} : memref<128x64xf32, #tpu.memory_space<vmem>>, vector<1x16xf32>,
        %get3A_469 = vector.shape_cast %get3A_468 : vector<1x16xf32> to vector<16xf32>
        %get3A_470 = arith.index_cast %scan3A_403 : i32 to index
        %get3A_471 = arith.constant 16 : index
        %get3A_472 = tpu.vector_load %arg17[%get3A_470, %get3A_471] {strides = array<i32>} : memref<128x64xf32, #tpu.memory_space<vmem>>, vector<1x16xf32>,
        %get3A_473 = vector.shape_cast %get3A_472 : vector<1x16xf32> to vector<16xf32>
        %add3A_474 = arith.addf %get3A_469, %get3A_473 : vector<16xf32>
        %mul3A_475 = arith.constant 2 : i32
        %mul3A_476 = arith.muli %scan3A_403, %mul3A_475 : i32
        %mul3A_477 = arith.constant 64 : i32
        %mul3A_478 = arith.muli %mul3A_476, %mul3A_477 : i32
        %add3A_479 = arith.constant 16 : i32
        %add3A_480 = arith.addi %mul3A_478, %add3A_479 : i32
        %get3A_481 = arith.index_cast %add3A_480 : i32 to index
        %get3A_482 = tpu.vector_load %arg19[%get3A_481] {strides = array<i32>} : memref<8192xf32, #tpu.memory_space<vmem>>, vector<16xf32>,
        %get3A_483 = vector.shape_cast %get3A_482 : vector<16xf32> to vector<16xf32>
        %add3A_484 = arith.addf %add3A_474, %get3A_483 : vector<16xf32>
        %max3A_485 = arith.constant 0.000000e+00 : f32
        %max3A_486 = vector.broadcast %max3A_485 : f32 to vector<16xf32>
        %max3A_487 = arith.maximumf %add3A_484, %max3A_486 : vector<16xf32>
        %swap3A_488 = arith.index_cast %scan3A_403 : i32 to index
        %swap3A_489 = arith.constant 16 : index
        %swap3A_490 = tpu.vector_load %arg21[%swap3A_488, %swap3A_489] {strides = array<i32>} : memref<128x64xf32, #tpu.memory_space<vmem>>, vector<1x16xf32>,
        %swap3A_491 = vector.shape_cast %swap3A_490 : vector<1x16xf32> to vector<16xf32>
        %swap3A_492 = vector.shape_cast %max3A_487 : vector<16xf32> to vector<1x16xf32>
        tpu.vector_store %arg21[%swap3A_488, %swap3A_489], %swap3A_492 {strides = array<i32>} : memref<128x64xf32, #tpu.memory_space<vmem>>, vector<1x16xf32>,
        %add3A_493 = arith.constant 64 : i32
        %add3A_494 = arith.addi %add3A_493, %scan3A_403 : i32
        %get3A_495 = arith.index_cast %add3A_494 : i32 to index
        %get3A_496 = arith.constant 16 : index
        %get3A_497 = tpu.vector_load %arg15[%get3A_495, %get3A_496] {strides = array<i32>} : memref<128x64xf32, #tpu.memory_space<vmem>>, vector<1x16xf32>,
        %get3A_498 = vector.shape_cast %get3A_497 : vector<1x16xf32> to vector<16xf32>
        %add3A_499 = arith.constant 64 : i32
        %add3A_500 = arith.addi %add3A_499, %scan3A_403 : i32
        %get3A_501 = arith.index_cast %add3A_500 : i32 to index
        %get3A_502 = arith.constant 16 : index
        %get3A_503 = tpu.vector_load %arg17[%get3A_501, %get3A_502] {strides = array<i32>} : memref<128x64xf32, #tpu.memory_space<vmem>>, vector<1x16xf32>,
        %get3A_504 = vector.shape_cast %get3A_503 : vector<1x16xf32> to vector<16xf32>
        %add3A_505 = arith.addf %get3A_498, %get3A_504 : vector<16xf32>
        %mul3A_506 = arith.constant 2 : i32
        %mul3A_507 = arith.muli %scan3A_403, %mul3A_506 : i32
        %mul3A_508 = arith.constant 64 : i32
        %mul3A_509 = arith.muli %mul3A_507, %mul3A_508 : i32
        %add3A_510 = arith.constant 64 : i32
        %add3A_511 = arith.addi %mul3A_509, %add3A_510 : i32
        %add3A_512 = arith.constant 16 : i32
        %add3A_513 = arith.addi %add3A_511, %add3A_512 : i32
        %get3A_514 = arith.index_cast %add3A_513 : i32 to index
        %get3A_515 = tpu.vector_load %arg19[%get3A_514] {strides = array<i32>} : memref<8192xf32, #tpu.memory_space<vmem>>, vector<16xf32>,
        %get3A_516 = vector.shape_cast %get3A_515 : vector<16xf32> to vector<16xf32>
        %add3A_517 = arith.addf %add3A_505, %get3A_516 : vector<16xf32>
        %max3A_518 = arith.constant 0.000000e+00 : f32
        %max3A_519 = vector.broadcast %max3A_518 : f32 to vector<16xf32>
        %max3A_520 = arith.maximumf %add3A_517, %max3A_519 : vector<16xf32>
        %add3A_521 = arith.constant 64 : i32
        %add3A_522 = arith.addi %add3A_521, %scan3A_403 : i32
        %swap3A_523 = arith.index_cast %add3A_522 : i32 to index
        %swap3A_524 = arith.constant 16 : index
        %swap3A_525 = tpu.vector_load %arg21[%swap3A_523, %swap3A_524] {strides = array<i32>} : memref<128x64xf32, #tpu.memory_space<vmem>>, vector<1x16xf32>,
        %swap3A_526 = vector.shape_cast %swap3A_525 : vector<1x16xf32> to vector<16xf32>
        %swap3A_527 = vector.shape_cast %max3A_520 : vector<16xf32> to vector<1x16xf32>
        tpu.vector_store %arg21[%swap3A_523, %swap3A_524], %swap3A_527 {strides = array<i32>} : memref<128x64xf32, #tpu.memory_space<vmem>>, vector<1x16xf32>,
        %get3A_528 = arith.index_cast %scan3A_403 : i32 to index
        %get3A_529 = arith.constant 32 : index
        %get3A_530 = tpu.vector_load %arg15[%get3A_528, %get3A_529] {strides = array<i32>} : memref<128x64xf32, #tpu.memory_space<vmem>>, vector<1x16xf32>,
        %get3A_531 = vector.shape_cast %get3A_530 : vector<1x16xf32> to vector<16xf32>
        %get3A_532 = arith.index_cast %scan3A_403 : i32 to index
        %get3A_533 = arith.constant 32 : index
        %get3A_534 = tpu.vector_load %arg17[%get3A_532, %get3A_533] {strides = array<i32>} : memref<128x64xf32, #tpu.memory_space<vmem>>, vector<1x16xf32>,
        %get3A_535 = vector.shape_cast %get3A_534 : vector<1x16xf32> to vector<16xf32>
        %add3A_536 = arith.addf %get3A_531, %get3A_535 : vector<16xf32>
        %mul3A_537 = arith.constant 2 : i32
        %mul3A_538 = arith.muli %scan3A_403, %mul3A_537 : i32
        %mul3A_539 = arith.constant 64 : i32
        %mul3A_540 = arith.muli %mul3A_538, %mul3A_539 : i32
        %add3A_541 = arith.constant 32 : i32
        %add3A_542 = arith.addi %mul3A_540, %add3A_541 : i32
        %get3A_543 = arith.index_cast %add3A_542 : i32 to index
        %get3A_544 = tpu.vector_load %arg19[%get3A_543] {strides = array<i32>} : memref<8192xf32, #tpu.memory_space<vmem>>, vector<16xf32>,
        %get3A_545 = vector.shape_cast %get3A_544 : vector<16xf32> to vector<16xf32>
        %add3A_546 = arith.addf %add3A_536, %get3A_545 : vector<16xf32>
        %max3A_547 = arith.constant 0.000000e+00 : f32
        %max3A_548 = vector.broadcast %max3A_547 : f32 to vector<16xf32>
        %max3A_549 = arith.maximumf %add3A_546, %max3A_548 : vector<16xf32>
        %swap3A_550 = arith.index_cast %scan3A_403 : i32 to index
        %swap3A_551 = arith.constant 32 : index
        %swap3A_552 = tpu.vector_load %arg21[%swap3A_550, %swap3A_551] {strides = array<i32>} : memref<128x64xf32, #tpu.memory_space<vmem>>, vector<1x16xf32>,
        %swap3A_553 = vector.shape_cast %swap3A_552 : vector<1x16xf32> to vector<16xf32>
        %swap3A_554 = vector.shape_cast %max3A_549 : vector<16xf32> to vector<1x16xf32>
        tpu.vector_store %arg21[%swap3A_550, %swap3A_551], %swap3A_554 {strides = array<i32>} : memref<128x64xf32, #tpu.memory_space<vmem>>, vector<1x16xf32>,
        %add3A_555 = arith.constant 64 : i32
        %add3A_556 = arith.addi %add3A_555, %scan3A_403 : i32
        %get3A_557 = arith.index_cast %add3A_556 : i32 to index
        %get3A_558 = arith.constant 32 : index
        %get3A_559 = tpu.vector_load %arg15[%get3A_557, %get3A_558] {strides = array<i32>} : memref<128x64xf32, #tpu.memory_space<vmem>>, vector<1x16xf32>,
        %get3A_560 = vector.shape_cast %get3A_559 : vector<1x16xf32> to vector<16xf32>
        %add3A_561 = arith.constant 64 : i32
        %add3A_562 = arith.addi %add3A_561, %scan3A_403 : i32
        %get3A_563 = arith.index_cast %add3A_562 : i32 to index
        %get3A_564 = arith.constant 32 : index
        %get3A_565 = tpu.vector_load %arg17[%get3A_563, %get3A_564] {strides = array<i32>} : memref<128x64xf32, #tpu.memory_space<vmem>>, vector<1x16xf32>,
        %get3A_566 = vector.shape_cast %get3A_565 : vector<1x16xf32> to vector<16xf32>
        %add3A_567 = arith.addf %get3A_560, %get3A_566 : vector<16xf32>
        %mul3A_568 = arith.constant 2 : i32
        %mul3A_569 = arith.muli %scan3A_403, %mul3A_568 : i32
        %mul3A_570 = arith.constant 64 : i32
        %mul3A_571 = arith.muli %mul3A_569, %mul3A_570 : i32
        %add3A_572 = arith.constant 64 : i32
        %add3A_573 = arith.addi %mul3A_571, %add3A_572 : i32
        %add3A_574 = arith.constant 32 : i32
        %add3A_575 = arith.addi %add3A_573, %add3A_574 : i32
        %get3A_576 = arith.index_cast %add3A_575 : i32 to index
        %get3A_577 = tpu.vector_load %arg19[%get3A_576] {strides = array<i32>} : memref<8192xf32, #tpu.memory_space<vmem>>, vector<16xf32>,
        %get3A_578 = vector.shape_cast %get3A_577 : vector<16xf32> to vector<16xf32>
        %add3A_579 = arith.addf %add3A_567, %get3A_578 : vector<16xf32>
        %max3A_580 = arith.constant 0.000000e+00 : f32
        %max3A_581 = vector.broadcast %max3A_580 : f32 to vector<16xf32>
        %max3A_582 = arith.maximumf %add3A_579, %max3A_581 : vector<16xf32>
        %add3A_583 = arith.constant 64 : i32
        %add3A_584 = arith.addi %add3A_583, %scan3A_403 : i32
        %swap3A_585 = arith.index_cast %add3A_584 : i32 to index
        %swap3A_586 = arith.constant 32 : index
        %swap3A_587 = tpu.vector_load %arg21[%swap3A_585, %swap3A_586] {strides = array<i32>} : memref<128x64xf32, #tpu.memory_space<vmem>>, vector<1x16xf32>,
        %swap3A_588 = vector.shape_cast %swap3A_587 : vector<1x16xf32> to vector<16xf32>
        %swap3A_589 = vector.shape_cast %max3A_582 : vector<16xf32> to vector<1x16xf32>
        tpu.vector_store %arg21[%swap3A_585, %swap3A_586], %swap3A_589 {strides = array<i32>} : memref<128x64xf32, #tpu.memory_space<vmem>>, vector<1x16xf32>,
        %get3A_590 = arith.index_cast %scan3A_403 : i32 to index
        %get3A_591 = arith.constant 48 : index
        %get3A_592 = tpu.vector_load %arg15[%get3A_590, %get3A_591] {strides = array<i32>} : memref<128x64xf32, #tpu.memory_space<vmem>>, vector<1x16xf32>,
        %get3A_593 = vector.shape_cast %get3A_592 : vector<1x16xf32> to vector<16xf32>
        %get3A_594 = arith.index_cast %scan3A_403 : i32 to index
        %get3A_595 = arith.constant 48 : index
        %get3A_596 = tpu.vector_load %arg17[%get3A_594, %get3A_595] {strides = array<i32>} : memref<128x64xf32, #tpu.memory_space<vmem>>, vector<1x16xf32>,
        %get3A_597 = vector.shape_cast %get3A_596 : vector<1x16xf32> to vector<16xf32>
        %add3A_598 = arith.addf %get3A_593, %get3A_597 : vector<16xf32>
        %mul3A_599 = arith.constant 2 : i32
        %mul3A_600 = arith.muli %scan3A_403, %mul3A_599 : i32
        %mul3A_601 = arith.constant 64 : i32
        %mul3A_602 = arith.muli %mul3A_600, %mul3A_601 : i32
        %add3A_603 = arith.constant 48 : i32
        %add3A_604 = arith.addi %mul3A_602, %add3A_603 : i32
        %get3A_605 = arith.index_cast %add3A_604 : i32 to index
        %get3A_606 = tpu.vector_load %arg19[%get3A_605] {strides = array<i32>} : memref<8192xf32, #tpu.memory_space<vmem>>, vector<16xf32>,
        %get3A_607 = vector.shape_cast %get3A_606 : vector<16xf32> to vector<16xf32>
        %add3A_608 = arith.addf %add3A_598, %get3A_607 : vector<16xf32>
        %max3A_609 = arith.constant 0.000000e+00 : f32
        %max3A_610 = vector.broadcast %max3A_609 : f32 to vector<16xf32>
        %max3A_611 = arith.maximumf %add3A_608, %max3A_610 : vector<16xf32>
        %swap3A_612 = arith.index_cast %scan3A_403 : i32 to index
        %swap3A_613 = arith.constant 48 : index
        %swap3A_614 = tpu.vector_load %arg21[%swap3A_612, %swap3A_613] {strides = array<i32>} : memref<128x64xf32, #tpu.memory_space<vmem>>, vector<1x16xf32>,
        %swap3A_615 = vector.shape_cast %swap3A_614 : vector<1x16xf32> to vector<16xf32>
        %swap3A_616 = vector.shape_cast %max3A_611 : vector<16xf32> to vector<1x16xf32>
        tpu.vector_store %arg21[%swap3A_612, %swap3A_613], %swap3A_616 {strides = array<i32>} : memref<128x64xf32, #tpu.memory_space<vmem>>, vector<1x16xf32>,
        %add3A_617 = arith.constant 64 : i32
        %add3A_618 = arith.addi %add3A_617, %scan3A_403 : i32
        %get3A_619 = arith.index_cast %add3A_618 : i32 to index
        %get3A_620 = arith.constant 48 : index
        %get3A_621 = tpu.vector_load %arg15[%get3A_619, %get3A_620] {strides = array<i32>} : memref<128x64xf32, #tpu.memory_space<vmem>>, vector<1x16xf32>,
        %get3A_622 = vector.shape_cast %get3A_621 : vector<1x16xf32> to vector<16xf32>
        %add3A_623 = arith.constant 64 : i32
        %add3A_624 = arith.addi %add3A_623, %scan3A_403 : i32
        %get3A_625 = arith.index_cast %add3A_624 : i32 to index
        %get3A_626 = arith.constant 48 : index
        %get3A_627 = tpu.vector_load %arg17[%get3A_625, %get3A_626] {strides = array<i32>} : memref<128x64xf32, #tpu.memory_space<vmem>>, vector<1x16xf32>,
        %get3A_628 = vector.shape_cast %get3A_627 : vector<1x16xf32> to vector<16xf32>
        %add3A_629 = arith.addf %get3A_622, %get3A_628 : vector<16xf32>
        %mul3A_630 = arith.constant 2 : i32
        %mul3A_631 = arith.muli %scan3A_403, %mul3A_630 : i32
        %mul3A_632 = arith.constant 64 : i32
        %mul3A_633 = arith.muli %mul3A_631, %mul3A_632 : i32
        %add3A_634 = arith.constant 64 : i32
        %add3A_635 = arith.addi %mul3A_633, %add3A_634 : i32
        %add3A_636 = arith.constant 48 : i32
        %add3A_637 = arith.addi %add3A_635, %add3A_636 : i32
        %get3A_638 = arith.index_cast %add3A_637 : i32 to index
        %get3A_639 = tpu.vector_load %arg19[%get3A_638] {strides = array<i32>} : memref<8192xf32, #tpu.memory_space<vmem>>, vector<16xf32>,
        %get3A_640 = vector.shape_cast %get3A_639 : vector<16xf32> to vector<16xf32>
        %add3A_641 = arith.addf %add3A_629, %get3A_640 : vector<16xf32>
        %max3A_642 = arith.constant 0.000000e+00 : f32
        %max3A_643 = vector.broadcast %max3A_642 : f32 to vector<16xf32>
        %max3A_644 = arith.maximumf %add3A_641, %max3A_643 : vector<16xf32>
        %add3A_645 = arith.constant 64 : i32
        %add3A_646 = arith.addi %add3A_645, %scan3A_403 : i32
        %swap3A_647 = arith.index_cast %add3A_646 : i32 to index
        %swap3A_648 = arith.constant 48 : index
        %swap3A_649 = tpu.vector_load %arg21[%swap3A_647, %swap3A_648] {strides = array<i32>} : memref<128x64xf32, #tpu.memory_space<vmem>>, vector<1x16xf32>,
        %swap3A_650 = vector.shape_cast %swap3A_649 : vector<1x16xf32> to vector<16xf32>
        %swap3A_651 = vector.shape_cast %max3A_644 : vector<16xf32> to vector<1x16xf32>
        tpu.vector_store %arg21[%swap3A_647, %swap3A_648], %swap3A_651 {strides = array<i32>} : memref<128x64xf32, #tpu.memory_space<vmem>>, vector<1x16xf32>,
        %scan3A_652 = arith.constant 0 : i32
        scf.yield %scan3A_652 : i32
      }
      %scan3A_211 = arith.constant 64 : i32
      %get3A = arith.constant 0 : index
      %get3A_212 = tpu.vector_load %arg9[%get3A] {strides = array<i32>} : memref<128xi32, #tpu.memory_space<vmem>>, vector<16xi32>,
      %get3A_213 = vector.shape_cast %get3A_212 : vector<16xi32> to vector<16xi32>
      %swap3A = arith.constant 0 : index
      %swap3A_214 = tpu.vector_load %arg13[%swap3A] {strides = array<i32>} : memref<128xi32, #tpu.memory_space<vmem>>, vector<16xi32>,
      %swap3A_215 = vector.shape_cast %swap3A_214 : vector<16xi32> to vector<16xi32>
      %swap3A_216 = vector.shape_cast %get3A_213 : vector<16xi32> to vector<16xi32>
      tpu.vector_store %arg13[%swap3A], %swap3A_216 {strides = array<i32>} : memref<128xi32, #tpu.memory_space<vmem>>, vector<16xi32>,
      %get3A_217 = arith.constant 16 : index
      %get3A_218 = tpu.vector_load %arg9[%get3A_217] {strides = array<i32>} : memref<128xi32, #tpu.memory_space<vmem>>, vector<16xi32>,
      %get3A_219 = vector.shape_cast %get3A_218 : vector<16xi32> to vector<16xi32>
      %swap3A_220 = arith.constant 16 : index
      %swap3A_221 = tpu.vector_load %arg13[%swap3A_220] {strides = array<i32>} : memref<128xi32, #tpu.memory_space<vmem>>, vector<16xi32>,
      %swap3A_222 = vector.shape_cast %swap3A_221 : vector<16xi32> to vector<16xi32>
      %swap3A_223 = vector.shape_cast %get3A_219 : vector<16xi32> to vector<16xi32>
      tpu.vector_store %arg13[%swap3A_220], %swap3A_223 {strides = array<i32>} : memref<128xi32, #tpu.memory_space<vmem>>, vector<16xi32>,
      %get3A_224 = arith.constant 32 : index
      %get3A_225 = tpu.vector_load %arg9[%get3A_224] {strides = array<i32>} : memref<128xi32, #tpu.memory_space<vmem>>, vector<16xi32>,
      %get3A_226 = vector.shape_cast %get3A_225 : vector<16xi32> to vector<16xi32>
      %swap3A_227 = arith.constant 32 : index
      %swap3A_228 = tpu.vector_load %arg13[%swap3A_227] {strides = array<i32>} : memref<128xi32, #tpu.memory_space<vmem>>, vector<16xi32>,
      %swap3A_229 = vector.shape_cast %swap3A_228 : vector<16xi32> to vector<16xi32>
      %swap3A_230 = vector.shape_cast %get3A_226 : vector<16xi32> to vector<16xi32>
      tpu.vector_store %arg13[%swap3A_227], %swap3A_230 {strides = array<i32>} : memref<128xi32, #tpu.memory_space<vmem>>, vector<16xi32>,
      %get3A_231 = arith.constant 48 : index
      %get3A_232 = tpu.vector_load %arg9[%get3A_231] {strides = array<i32>} : memref<128xi32, #tpu.memory_space<vmem>>, vector<16xi32>,
      %get3A_233 = vector.shape_cast %get3A_232 : vector<16xi32> to vector<16xi32>
      %swap3A_234 = arith.constant 48 : index
      %swap3A_235 = tpu.vector_load %arg13[%swap3A_234] {strides = array<i32>} : memref<128xi32, #tpu.memory_space<vmem>>, vector<16xi32>,
      %swap3A_236 = vector.shape_cast %swap3A_235 : vector<16xi32> to vector<16xi32>
      %swap3A_237 = vector.shape_cast %get3A_233 : vector<16xi32> to vector<16xi32>
      tpu.vector_store %arg13[%swap3A_234], %swap3A_237 {strides = array<i32>} : memref<128xi32, #tpu.memory_space<vmem>>, vector<16xi32>,
      %get3A_238 = arith.constant 64 : index
      %get3A_239 = tpu.vector_load %arg9[%get3A_238] {strides = array<i32>} : memref<128xi32, #tpu.memory_space<vmem>>, vector<16xi32>,
      %get3A_240 = vector.shape_cast %get3A_239 : vector<16xi32> to vector<16xi32>
      %swap3A_241 = arith.constant 64 : index
      %swap3A_242 = tpu.vector_load %arg13[%swap3A_241] {strides = array<i32>} : memref<128xi32, #tpu.memory_space<vmem>>, vector<16xi32>,
      %swap3A_243 = vector.shape_cast %swap3A_242 : vector<16xi32> to vector<16xi32>
      %swap3A_244 = vector.shape_cast %get3A_240 : vector<16xi32> to vector<16xi32>
      tpu.vector_store %arg13[%swap3A_241], %swap3A_244 {strides = array<i32>} : memref<128xi32, #tpu.memory_space<vmem>>, vector<16xi32>,
      %get3A_245 = arith.constant 80 : index
      %get3A_246 = tpu.vector_load %arg9[%get3A_245] {strides = array<i32>} : memref<128xi32, #tpu.memory_space<vmem>>, vector<16xi32>,
      %get3A_247 = vector.shape_cast %get3A_246 : vector<16xi32> to vector<16xi32>
      %swap3A_248 = arith.constant 80 : index
      %swap3A_249 = tpu.vector_load %arg13[%swap3A_248] {strides = array<i32>} : memref<128xi32, #tpu.memory_space<vmem>>, vector<16xi32>,
      %swap3A_250 = vector.shape_cast %swap3A_249 : vector<16xi32> to vector<16xi32>
      %swap3A_251 = vector.shape_cast %get3A_247 : vector<16xi32> to vector<16xi32>
      tpu.vector_store %arg13[%swap3A_248], %swap3A_251 {strides = array<i32>} : memref<128xi32, #tpu.memory_space<vmem>>, vector<16xi32>,
      %get3A_252 = arith.constant 96 : index
      %get3A_253 = tpu.vector_load %arg9[%get3A_252] {strides = array<i32>} : memref<128xi32, #tpu.memory_space<vmem>>, vector<16xi32>,
      %get3A_254 = vector.shape_cast %get3A_253 : vector<16xi32> to vector<16xi32>
      %swap3A_255 = arith.constant 96 : index
      %swap3A_256 = tpu.vector_load %arg13[%swap3A_255] {strides = array<i32>} : memref<128xi32, #tpu.memory_space<vmem>>, vector<16xi32>,
      %swap3A_257 = vector.shape_cast %swap3A_256 : vector<16xi32> to vector<16xi32>
      %swap3A_258 = vector.shape_cast %get3A_254 : vector<16xi32> to vector<16xi32>
      tpu.vector_store %arg13[%swap3A_255], %swap3A_258 {strides = array<i32>} : memref<128xi32, #tpu.memory_space<vmem>>, vector<16xi32>,
      %get3A_259 = arith.constant 112 : index
      %get3A_260 = tpu.vector_load %arg9[%get3A_259] {strides = array<i32>} : memref<128xi32, #tpu.memory_space<vmem>>, vector<16xi32>,
      %get3A_261 = vector.shape_cast %get3A_260 : vector<16xi32> to vector<16xi32>
      %swap3A_262 = arith.constant 112 : index
      %swap3A_263 = tpu.vector_load %arg13[%swap3A_262] {strides = array<i32>} : memref<128xi32, #tpu.memory_space<vmem>>, vector<16xi32>,
      %swap3A_264 = vector.shape_cast %swap3A_263 : vector<16xi32> to vector<16xi32>
      %swap3A_265 = vector.shape_cast %get3A_261 : vector<16xi32> to vector<16xi32>
      tpu.vector_store %arg13[%swap3A_262], %swap3A_265 {strides = array<i32>} : memref<128xi32, #tpu.memory_space<vmem>>, vector<16xi32>,
      %dma_start3A_266 = arith.constant 0 : i32
      %dma_start3A_267 = arith.constant 0 : i32
      %dma_start3A_268 = arith.constant 0 : i32
      %dma_start3A_269 = tpu.memref_slice %arg25[%dma_start3A_267, %dma_start3A_268] : memref<10240x64xf32, #tpu.memory_space<vmem_shared>> -> memref<10240x64xf32, #tpu.memory_space<vmem_shared>>
      %dma_start3A_270 = tpu.memref_slice %arg29[%dma_start3A_266] : memref<2x!tpu.dma_semaphore, #tpu.memory_space<semaphore_mem>> -> memref<1x!tpu.dma_semaphore, #tpu.memory_space<semaphore_mem>>
      %dma_start3A_271 = tpu.memref_squeeze %dma_start3A_270 : memref<1x!tpu.dma_semaphore, #tpu.memory_space<semaphore_mem>> -> memref<!tpu.dma_semaphore, #tpu.memory_space<semaphore_mem>>
      tpu.enqueue_indirect_dma source(%arg21 : memref<128x64xf32, #tpu.memory_space<vmem>>) target(%dma_start3A_269 : memref<10240x64xf32, #tpu.memory_space<vmem_shared>>) offsets(%arg13 : memref<128xi32, #tpu.memory_space<vmem>>) semaphore(%dma_start3A_271 : memref<!tpu.dma_semaphore, #tpu.memory_space<semaphore_mem>>) {add = true}
      %dma_start3A_272 = arith.constant 0 : i32
      %dma_start3A_273 = arith.constant 0 : i32
      %dma_start3A_274 = arith.constant 0 : i32
      %dma_start3A_275 = tpu.memref_slice %arg26[%dma_start3A_273, %dma_start3A_274] : memref<10240x16xf32, #tpu.memory_space<vmem_shared>> -> memref<10240x16xf32, #tpu.memory_space<vmem_shared>>
      %dma_start3A_276 = tpu.memref_slice %arg30[%dma_start3A_272] : memref<2x!tpu.dma_semaphore, #tpu.memory_space<semaphore_mem>> -> memref<1x!tpu.dma_semaphore, #tpu.memory_space<semaphore_mem>>
      %dma_start3A_277 = tpu.memref_squeeze %dma_start3A_276 : memref<1x!tpu.dma_semaphore, #tpu.memory_space<semaphore_mem>> -> memref<!tpu.dma_semaphore, #tpu.memory_space<semaphore_mem>>
      tpu.enqueue_indirect_dma source(%arg23 : memref<128x16xf32, #tpu.memory_space<vmem>>) target(%dma_start3A_275 : memref<10240x16xf32, #tpu.memory_space<vmem_shared>>) offsets(%arg13 : memref<128xi32, #tpu.memory_space<vmem>>) semaphore(%dma_start3A_277 : memref<!tpu.dma_semaphore, #tpu.memory_space<semaphore_mem>>) {add = true}
      %add3A_278 = arith.constant 2 : i32
      %add3A_279 = arith.addi %add3A_188, %add3A_278 : i32
      %lt3A_280 = arith.constant 78 : i32
      %lt3A_281 = arith.cmpi slt, %add3A_279, %lt3A_280 : i32
      %convert_element_type3A_282 = arith.extui %lt3A_281 : i1 to i32
      %cond3A_283 = arith.constant 0 : i32
      %cond3A_284 = arith.cmpi ne, %convert_element_type3A_282, %cond3A_283 : i32
      scf.if %cond3A_284 {
        %add3A_403 = arith.constant 2 : i32
        %add3A_404 = arith.addi %add3A_188, %add3A_403 : i32
        %mul3A_405 = arith.constant 32 : i32
        %mul3A_406 = arith.muli %add3A_404, %mul3A_405 : i32
        %add3A_407 = arith.addi %add3A, %mul3A_406 : i32
        %mul3A_408 = arith.constant 128 : i32
        %mul3A_409 = arith.muli %add3A_407, %mul3A_408 : i32
        %dma_start3A_410 = arith.constant 0 : i32
        %dma_start3A_411 = tpu.memref_slice %arg5[%mul3A_409] : memref<320000xi32, #tpu.memory_space<hbm>> -> memref<128xi32, #tpu.memory_space<hbm>>
        %dma_start3A_412 = tpu.memref_slice %arg27[%dma_start3A_410] : memref<2x!tpu.dma_semaphore, #tpu.memory_space<semaphore_mem>> -> memref<1x!tpu.dma_semaphore, #tpu.memory_space<semaphore_mem>>
        %dma_start3A_413 = tpu.memref_squeeze %dma_start3A_412 : memref<1x!tpu.dma_semaphore, #tpu.memory_space<semaphore_mem>> -> memref<!tpu.dma_semaphore, #tpu.memory_space<semaphore_mem>>
        %dma_start3A_414 = tpu.memref_slice %arg5[%mul3A_409] : memref<320000xi32, #tpu.memory_space<hbm>> -> memref<128xi32, #tpu.memory_space<hbm>>
        tpu.enqueue_dma source(%dma_start3A_414 : memref<128xi32, #tpu.memory_space<hbm>>) target(%arg9 : memref<128xi32, #tpu.memory_space<vmem>>) target_semaphore(%dma_start3A_413 : memref<!tpu.dma_semaphore, #tpu.memory_space<semaphore_mem>>)
        %mul3A_415 = arith.constant 128 : i32
        %mul3A_416 = arith.muli %add3A_407, %mul3A_415 : i32
        %dma_start3A_417 = arith.constant 0 : i32
        %dma_start3A_418 = tpu.memref_slice %arg6[%mul3A_416] : memref<320000xi32, #tpu.memory_space<hbm>> -> memref<128xi32, #tpu.memory_space<hbm>>
        %dma_start3A_419 = tpu.memref_slice %arg27[%dma_start3A_417] : memref<2x!tpu.dma_semaphore, #tpu.memory_space<semaphore_mem>> -> memref<1x!tpu.dma_semaphore, #tpu.memory_space<semaphore_mem>>
        %dma_start3A_420 = tpu.memref_squeeze %dma_start3A_419 : memref<1x!tpu.dma_semaphore, #tpu.memory_space<semaphore_mem>> -> memref<!tpu.dma_semaphore, #tpu.memory_space<semaphore_mem>>
        %dma_start3A_421 = tpu.memref_slice %arg6[%mul3A_416] : memref<320000xi32, #tpu.memory_space<hbm>> -> memref<128xi32, #tpu.memory_space<hbm>>
        tpu.enqueue_dma source(%dma_start3A_421 : memref<128xi32, #tpu.memory_space<hbm>>) target(%arg11 : memref<128xi32, #tpu.memory_space<vmem>>) target_semaphore(%dma_start3A_420 : memref<!tpu.dma_semaphore, #tpu.memory_space<semaphore_mem>>)
        %mul3A_422 = arith.constant 64 : i32
        %mul3A_423 = arith.muli %add3A_407, %mul3A_422 : i32
        %mul3A_424 = arith.constant 2 : i32
        %mul3A_425 = arith.muli %mul3A_423, %mul3A_424 : i32
        %mul3A_426 = arith.constant 64 : i32
        %mul3A_427 = arith.muli %mul3A_425, %mul3A_426 : i32
        %dma_start3A_428 = arith.constant 0 : i32
        %dma_start3A_429 = tpu.memref_slice %arg4[%mul3A_427] : memref<20480000xf32, #tpu.memory_space<hbm>> -> memref<8192xf32, #tpu.memory_space<hbm>>
        %dma_start3A_430 = tpu.memref_slice %arg27[%dma_start3A_428] : memref<2x!tpu.dma_semaphore, #tpu.memory_space<semaphore_mem>> -> memref<1x!tpu.dma_semaphore, #tpu.memory_space<semaphore_mem>>
        %dma_start3A_431 = tpu.memref_squeeze %dma_start3A_430 : memref<1x!tpu.dma_semaphore, #tpu.memory_space<semaphore_mem>> -> memref<!tpu.dma_semaphore, #tpu.memory_space<semaphore_mem>>
        %dma_start3A_432 = tpu.memref_slice %arg4[%mul3A_427] : memref<20480000xf32, #tpu.memory_space<hbm>> -> memref<8192xf32, #tpu.memory_space<hbm>>
        tpu.enqueue_dma source(%dma_start3A_432 : memref<8192xf32, #tpu.memory_space<hbm>>) target(%arg19 : memref<8192xf32, #tpu.memory_space<vmem>>) target_semaphore(%dma_start3A_431 : memref<!tpu.dma_semaphore, #tpu.memory_space<semaphore_mem>>)
      } else {
      }
      %add3A_285 = arith.constant 1 : i32
      %add3A_286 = arith.addi %add3A_188, %add3A_285 : i32
      %lt3A_287 = arith.constant 78 : i32
      %lt3A_288 = arith.cmpi slt, %add3A_286, %lt3A_287 : i32
      %convert_element_type3A_289 = arith.extui %lt3A_288 : i1 to i32
      %cond3A_290 = arith.constant 0 : i32
      %cond3A_291 = arith.cmpi ne, %convert_element_type3A_289, %cond3A_290 : i32
      scf.if %cond3A_291 {
        %dma_wait3A_403 = arith.constant 1 : i32
        %dma_wait3A_404 = arith.constant 0 : i32
        %dma_wait3A_405 = tpu.memref_slice %arg5[%dma_wait3A_404] : memref<320000xi32, #tpu.memory_space<hbm>> -> memref<128xi32, #tpu.memory_space<hbm>>
        %dma_wait3A_406 = tpu.memref_slice %arg27[%dma_wait3A_403] : memref<2x!tpu.dma_semaphore, #tpu.memory_space<semaphore_mem>> -> memref<1x!tpu.dma_semaphore, #tpu.memory_space<semaphore_mem>>
        %dma_wait3A_407 = tpu.memref_squeeze %dma_wait3A_406 : memref<1x!tpu.dma_semaphore, #tpu.memory_space<semaphore_mem>> -> memref<!tpu.dma_semaphore, #tpu.memory_space<semaphore_mem>>
        %dma_wait3A_408 = arith.constant 0 : i32
        %dma_wait3A_409 = tpu.memref_slice %arg5[%dma_wait3A_408] : memref<320000xi32, #tpu.memory_space<hbm>> -> memref<128xi32, #tpu.memory_space<hbm>>
        tpu.wait_dma2 semaphore(%dma_wait3A_407 : memref<!tpu.dma_semaphore, #tpu.memory_space<semaphore_mem>>) src(%dma_wait3A_409 : memref<128xi32, #tpu.memory_space<hbm>>) dst(%arg10 : memref<128xi32, #tpu.memory_space<vmem>>)
        %dma_wait3A_410 = arith.constant 1 : i32
        %dma_wait3A_411 = arith.constant 0 : i32
        %dma_wait3A_412 = tpu.memref_slice %arg6[%dma_wait3A_411] : memref<320000xi32, #tpu.memory_space<hbm>> -> memref<128xi32, #tpu.memory_space<hbm>>
        %dma_wait3A_413 = tpu.memref_slice %arg27[%dma_wait3A_410] : memref<2x!tpu.dma_semaphore, #tpu.memory_space<semaphore_mem>> -> memref<1x!tpu.dma_semaphore, #tpu.memory_space<semaphore_mem>>
        %dma_wait3A_414 = tpu.memref_squeeze %dma_wait3A_413 : memref<1x!tpu.dma_semaphore, #tpu.memory_space<semaphore_mem>> -> memref<!tpu.dma_semaphore, #tpu.memory_space<semaphore_mem>>
        %dma_wait3A_415 = arith.constant 0 : i32
        %dma_wait3A_416 = tpu.memref_slice %arg6[%dma_wait3A_415] : memref<320000xi32, #tpu.memory_space<hbm>> -> memref<128xi32, #tpu.memory_space<hbm>>
        tpu.wait_dma2 semaphore(%dma_wait3A_414 : memref<!tpu.dma_semaphore, #tpu.memory_space<semaphore_mem>>) src(%dma_wait3A_416 : memref<128xi32, #tpu.memory_space<hbm>>) dst(%arg12 : memref<128xi32, #tpu.memory_space<vmem>>)
        %dma_wait3A_417 = arith.constant 1 : i32
        %dma_wait3A_418 = arith.constant 0 : i32
        %dma_wait3A_419 = tpu.memref_slice %arg4[%dma_wait3A_418] : memref<20480000xf32, #tpu.memory_space<hbm>> -> memref<8192xf32, #tpu.memory_space<hbm>>
        %dma_wait3A_420 = tpu.memref_slice %arg27[%dma_wait3A_417] : memref<2x!tpu.dma_semaphore, #tpu.memory_space<semaphore_mem>> -> memref<1x!tpu.dma_semaphore, #tpu.memory_space<semaphore_mem>>
        %dma_wait3A_421 = tpu.memref_squeeze %dma_wait3A_420 : memref<1x!tpu.dma_semaphore, #tpu.memory_space<semaphore_mem>> -> memref<!tpu.dma_semaphore, #tpu.memory_space<semaphore_mem>>
        %dma_wait3A_422 = arith.constant 0 : i32
        %dma_wait3A_423 = tpu.memref_slice %arg4[%dma_wait3A_422] : memref<20480000xf32, #tpu.memory_space<hbm>> -> memref<8192xf32, #tpu.memory_space<hbm>>
        tpu.wait_dma2 semaphore(%dma_wait3A_421 : memref<!tpu.dma_semaphore, #tpu.memory_space<semaphore_mem>>) src(%dma_wait3A_423 : memref<8192xf32, #tpu.memory_space<hbm>>) dst(%arg20 : memref<8192xf32, #tpu.memory_space<vmem>>)
        %dma_start3A_424 = arith.constant 1 : i32
        %dma_start3A_425 = arith.constant 0 : i32
        %dma_start3A_426 = arith.constant 0 : i32
        %dma_start3A_427 = tpu.memref_slice %arg2[%dma_start3A_425, %dma_start3A_426] : memref<10000x64xf32, #tpu.memory_space<hbm>> -> memref<10000x64xf32, #tpu.memory_space<hbm>>
        %dma_start3A_428 = tpu.memref_slice %arg28[%dma_start3A_424] : memref<2x!tpu.dma_semaphore, #tpu.memory_space<semaphore_mem>> -> memref<1x!tpu.dma_semaphore, #tpu.memory_space<semaphore_mem>>
        %dma_start3A_429 = tpu.memref_squeeze %dma_start3A_428 : memref<1x!tpu.dma_semaphore, #tpu.memory_space<semaphore_mem>> -> memref<!tpu.dma_semaphore, #tpu.memory_space<semaphore_mem>>
        tpu.enqueue_indirect_dma source(%dma_start3A_427 : memref<10000x64xf32, #tpu.memory_space<hbm>>) target(%arg16 : memref<128x64xf32, #tpu.memory_space<vmem>>) offsets(%arg10 : memref<128xi32, #tpu.memory_space<vmem>>) semaphore(%dma_start3A_429 : memref<!tpu.dma_semaphore, #tpu.memory_space<semaphore_mem>>)
        %dma_start3A_430 = arith.constant 1 : i32
        %dma_start3A_431 = arith.constant 0 : i32
        %dma_start3A_432 = arith.constant 0 : i32
        %dma_start3A_433 = tpu.memref_slice %arg3[%dma_start3A_431, %dma_start3A_432] : memref<10000x64xf32, #tpu.memory_space<hbm>> -> memref<10000x64xf32, #tpu.memory_space<hbm>>
        %dma_start3A_434 = tpu.memref_slice %arg28[%dma_start3A_430] : memref<2x!tpu.dma_semaphore, #tpu.memory_space<semaphore_mem>> -> memref<1x!tpu.dma_semaphore, #tpu.memory_space<semaphore_mem>>
        %dma_start3A_435 = tpu.memref_squeeze %dma_start3A_434 : memref<1x!tpu.dma_semaphore, #tpu.memory_space<semaphore_mem>> -> memref<!tpu.dma_semaphore, #tpu.memory_space<semaphore_mem>>
        tpu.enqueue_indirect_dma source(%dma_start3A_433 : memref<10000x64xf32, #tpu.memory_space<hbm>>) target(%arg18 : memref<128x64xf32, #tpu.memory_space<vmem>>) offsets(%arg12 : memref<128xi32, #tpu.memory_space<vmem>>) semaphore(%dma_start3A_435 : memref<!tpu.dma_semaphore, #tpu.memory_space<semaphore_mem>>)
      } else {
      }
      %mul3A_292 = arith.constant 2 : i32
      %mul3A_293 = arith.muli %scan3A_183, %mul3A_292 : i32
      %add3A_294 = arith.constant 1 : i32
      %add3A_295 = arith.addi %mul3A_293, %add3A_294 : i32
      %dma_wait3A_296 = arith.constant 1 : i32
      %dma_wait3A_297 = arith.constant 0 : i32
      %dma_wait3A_298 = arith.constant 0 : i32
      %dma_wait3A_299 = tpu.memref_slice %arg2[%dma_wait3A_297, %dma_wait3A_298] : memref<10000x64xf32, #tpu.memory_space<hbm>> -> memref<10000x64xf32, #tpu.memory_space<hbm>>
      %dma_wait3A_300 = tpu.memref_slice %arg28[%dma_wait3A_296] : memref<2x!tpu.dma_semaphore, #tpu.memory_space<semaphore_mem>> -> memref<1x!tpu.dma_semaphore, #tpu.memory_space<semaphore_mem>>
      %dma_wait3A_301 = tpu.memref_squeeze %dma_wait3A_300 : memref<1x!tpu.dma_semaphore, #tpu.memory_space<semaphore_mem>> -> memref<!tpu.dma_semaphore, #tpu.memory_space<semaphore_mem>>
      tpu.wait_indirect_dma semaphore(%dma_wait3A_301 : memref<!tpu.dma_semaphore, #tpu.memory_space<semaphore_mem>>) src(%dma_wait3A_299 : memref<10000x64xf32, #tpu.memory_space<hbm>>) dst(%arg16 : memref<128x64xf32, #tpu.memory_space<vmem>>)
      %dma_wait3A_302 = arith.constant 1 : i32
      %dma_wait3A_303 = arith.constant 0 : i32
      %dma_wait3A_304 = arith.constant 0 : i32
      %dma_wait3A_305 = tpu.memref_slice %arg3[%dma_wait3A_303, %dma_wait3A_304] : memref<10000x64xf32, #tpu.memory_space<hbm>> -> memref<10000x64xf32, #tpu.memory_space<hbm>>
      %dma_wait3A_306 = tpu.memref_slice %arg28[%dma_wait3A_302] : memref<2x!tpu.dma_semaphore, #tpu.memory_space<semaphore_mem>> -> memref<1x!tpu.dma_semaphore, #tpu.memory_space<semaphore_mem>>
      %dma_wait3A_307 = tpu.memref_squeeze %dma_wait3A_306 : memref<1x!tpu.dma_semaphore, #tpu.memory_space<semaphore_mem>> -> memref<!tpu.dma_semaphore, #tpu.memory_space<semaphore_mem>>
      tpu.wait_indirect_dma semaphore(%dma_wait3A_307 : memref<!tpu.dma_semaphore, #tpu.memory_space<semaphore_mem>>) src(%dma_wait3A_305 : memref<10000x64xf32, #tpu.memory_space<hbm>>) dst(%arg18 : memref<128x64xf32, #tpu.memory_space<vmem>>)
      %ge3A_308 = arith.constant 2 : i32
      %ge3A_309 = arith.cmpi sge, %add3A_295, %ge3A_308 : i32
      %convert_element_type3A_310 = arith.extui %ge3A_309 : i1 to i32
      %cond3A_311 = arith.constant 0 : i32
      %cond3A_312 = arith.cmpi ne, %convert_element_type3A_310, %cond3A_311 : i32
      scf.if %cond3A_312 {
        %dma_wait3A_403 = arith.constant 1 : i32
        %dma_wait3A_404 = arith.constant 0 : i32
        %dma_wait3A_405 = arith.constant 0 : i32
        %dma_wait3A_406 = tpu.memref_slice %arg25[%dma_wait3A_404, %dma_wait3A_405] : memref<10240x64xf32, #tpu.memory_space<vmem_shared>> -> memref<10240x64xf32, #tpu.memory_space<vmem_shared>>
        %dma_wait3A_407 = tpu.memref_slice %arg29[%dma_wait3A_403] : memref<2x!tpu.dma_semaphore, #tpu.memory_space<semaphore_mem>> -> memref<1x!tpu.dma_semaphore, #tpu.memory_space<semaphore_mem>>
        %dma_wait3A_408 = tpu.memref_squeeze %dma_wait3A_407 : memref<1x!tpu.dma_semaphore, #tpu.memory_space<semaphore_mem>> -> memref<!tpu.dma_semaphore, #tpu.memory_space<semaphore_mem>>
        tpu.wait_indirect_dma semaphore(%dma_wait3A_408 : memref<!tpu.dma_semaphore, #tpu.memory_space<semaphore_mem>>) src(%arg22 : memref<128x64xf32, #tpu.memory_space<vmem>>) dst(%dma_wait3A_406 : memref<10240x64xf32, #tpu.memory_space<vmem_shared>>)
        %dma_wait3A_409 = arith.constant 1 : i32
        %dma_wait3A_410 = arith.constant 0 : i32
        %dma_wait3A_411 = arith.constant 0 : i32
        %dma_wait3A_412 = tpu.memref_slice %arg26[%dma_wait3A_410, %dma_wait3A_411] : memref<10240x16xf32, #tpu.memory_space<vmem_shared>> -> memref<10240x16xf32, #tpu.memory_space<vmem_shared>>
        %dma_wait3A_413 = tpu.memref_slice %arg30[%dma_wait3A_409] : memref<2x!tpu.dma_semaphore, #tpu.memory_space<semaphore_mem>> -> memref<1x!tpu.dma_semaphore, #tpu.memory_space<semaphore_mem>>
        %dma_wait3A_414 = tpu.memref_squeeze %dma_wait3A_413 : memref<1x!tpu.dma_semaphore, #tpu.memory_space<semaphore_mem>> -> memref<!tpu.dma_semaphore, #tpu.memory_space<semaphore_mem>>
        tpu.wait_indirect_dma semaphore(%dma_wait3A_414 : memref<!tpu.dma_semaphore, #tpu.memory_space<semaphore_mem>>) src(%arg23 : memref<128x16xf32, #tpu.memory_space<vmem>>) dst(%dma_wait3A_412 : memref<10240x16xf32, #tpu.memory_space<vmem_shared>>)
      } else {
      }
      %scan3A_313 = arith.constant 0 : i32
      %scan3A_314 = arith.constant 0 : i32
      %scan3A_315 = arith.constant 64 : i32
      %scan3A_316 = arith.addi %scan3A_314, %scan3A_315 : i32
      %scan3A_317 = arith.constant 1 : i32
      %scan3A_318 = scf.for %scan3A_403 = %scan3A_314 to %scan3A_316 step %scan3A_317 iter_args(%scan3A_404 = %scan3A_313) -> (i32)  : i32 {
        %get3A_405 = arith.index_cast %scan3A_403 : i32 to index
        %get3A_406 = arith.constant 0 : index
        %get3A_407 = tpu.vector_load %arg16[%get3A_405, %get3A_406] {strides = array<i32>} : memref<128x64xf32, #tpu.memory_space<vmem>>, vector<1x16xf32>,
        %get3A_408 = vector.shape_cast %get3A_407 : vector<1x16xf32> to vector<16xf32>
        %get3A_409 = arith.index_cast %scan3A_403 : i32 to index
        %get3A_410 = arith.constant 0 : index
        %get3A_411 = tpu.vector_load %arg18[%get3A_409, %get3A_410] {strides = array<i32>} : memref<128x64xf32, #tpu.memory_space<vmem>>, vector<1x16xf32>,
        %get3A_412 = vector.shape_cast %get3A_411 : vector<1x16xf32> to vector<16xf32>
        %add3A_413 = arith.addf %get3A_408, %get3A_412 : vector<16xf32>
        %mul3A_414 = arith.constant 2 : i32
        %mul3A_415 = arith.muli %scan3A_403, %mul3A_414 : i32
        %mul3A_416 = arith.constant 64 : i32
        %mul3A_417 = arith.muli %mul3A_415, %mul3A_416 : i32
        %add3A_418 = arith.constant 0 : i32
        %add3A_419 = arith.addi %mul3A_417, %add3A_418 : i32
        %get3A_420 = arith.index_cast %add3A_419 : i32 to index
        %get3A_421 = tpu.vector_load %arg20[%get3A_420] {strides = array<i32>} : memref<8192xf32, #tpu.memory_space<vmem>>, vector<16xf32>,
        %get3A_422 = vector.shape_cast %get3A_421 : vector<16xf32> to vector<16xf32>
        %add3A_423 = arith.addf %add3A_413, %get3A_422 : vector<16xf32>
        %max3A = arith.constant 0.000000e+00 : f32
        %max3A_424 = vector.broadcast %max3A : f32 to vector<16xf32>
        %max3A_425 = arith.maximumf %add3A_423, %max3A_424 : vector<16xf32>
        %swap3A_426 = arith.index_cast %scan3A_403 : i32 to index
        %swap3A_427 = arith.constant 0 : index
        %swap3A_428 = tpu.vector_load %arg22[%swap3A_426, %swap3A_427] {strides = array<i32>} : memref<128x64xf32, #tpu.memory_space<vmem>>, vector<1x16xf32>,
        %swap3A_429 = vector.shape_cast %swap3A_428 : vector<1x16xf32> to vector<16xf32>
        %swap3A_430 = vector.shape_cast %max3A_425 : vector<16xf32> to vector<1x16xf32>
        tpu.vector_store %arg22[%swap3A_426, %swap3A_427], %swap3A_430 {strides = array<i32>} : memref<128x64xf32, #tpu.memory_space<vmem>>, vector<1x16xf32>,
        %add3A_431 = arith.constant 64 : i32
        %add3A_432 = arith.addi %add3A_431, %scan3A_403 : i32
        %get3A_433 = arith.index_cast %add3A_432 : i32 to index
        %get3A_434 = arith.constant 0 : index
        %get3A_435 = tpu.vector_load %arg16[%get3A_433, %get3A_434] {strides = array<i32>} : memref<128x64xf32, #tpu.memory_space<vmem>>, vector<1x16xf32>,
        %get3A_436 = vector.shape_cast %get3A_435 : vector<1x16xf32> to vector<16xf32>
        %add3A_437 = arith.constant 64 : i32
        %add3A_438 = arith.addi %add3A_437, %scan3A_403 : i32
        %get3A_439 = arith.index_cast %add3A_438 : i32 to index
        %get3A_440 = arith.constant 0 : index
        %get3A_441 = tpu.vector_load %arg18[%get3A_439, %get3A_440] {strides = array<i32>} : memref<128x64xf32, #tpu.memory_space<vmem>>, vector<1x16xf32>,
        %get3A_442 = vector.shape_cast %get3A_441 : vector<1x16xf32> to vector<16xf32>
        %add3A_443 = arith.addf %get3A_436, %get3A_442 : vector<16xf32>
        %mul3A_444 = arith.constant 2 : i32
        %mul3A_445 = arith.muli %scan3A_403, %mul3A_444 : i32
        %mul3A_446 = arith.constant 64 : i32
        %mul3A_447 = arith.muli %mul3A_445, %mul3A_446 : i32
        %add3A_448 = arith.constant 64 : i32
        %add3A_449 = arith.addi %mul3A_447, %add3A_448 : i32
        %add3A_450 = arith.constant 0 : i32
        %add3A_451 = arith.addi %add3A_449, %add3A_450 : i32
        %get3A_452 = arith.index_cast %add3A_451 : i32 to index
        %get3A_453 = tpu.vector_load %arg20[%get3A_452] {strides = array<i32>} : memref<8192xf32, #tpu.memory_space<vmem>>, vector<16xf32>,
        %get3A_454 = vector.shape_cast %get3A_453 : vector<16xf32> to vector<16xf32>
        %add3A_455 = arith.addf %add3A_443, %get3A_454 : vector<16xf32>
        %max3A_456 = arith.constant 0.000000e+00 : f32
        %max3A_457 = vector.broadcast %max3A_456 : f32 to vector<16xf32>
        %max3A_458 = arith.maximumf %add3A_455, %max3A_457 : vector<16xf32>
        %add3A_459 = arith.constant 64 : i32
        %add3A_460 = arith.addi %add3A_459, %scan3A_403 : i32
        %swap3A_461 = arith.index_cast %add3A_460 : i32 to index
        %swap3A_462 = arith.constant 0 : index
        %swap3A_463 = tpu.vector_load %arg22[%swap3A_461, %swap3A_462] {strides = array<i32>} : memref<128x64xf32, #tpu.memory_space<vmem>>, vector<1x16xf32>,
        %swap3A_464 = vector.shape_cast %swap3A_463 : vector<1x16xf32> to vector<16xf32>
        %swap3A_465 = vector.shape_cast %max3A_458 : vector<16xf32> to vector<1x16xf32>
        tpu.vector_store %arg22[%swap3A_461, %swap3A_462], %swap3A_465 {strides = array<i32>} : memref<128x64xf32, #tpu.memory_space<vmem>>, vector<1x16xf32>,
        %get3A_466 = arith.index_cast %scan3A_403 : i32 to index
        %get3A_467 = arith.constant 16 : index
        %get3A_468 = tpu.vector_load %arg16[%get3A_466, %get3A_467] {strides = array<i32>} : memref<128x64xf32, #tpu.memory_space<vmem>>, vector<1x16xf32>,
        %get3A_469 = vector.shape_cast %get3A_468 : vector<1x16xf32> to vector<16xf32>
        %get3A_470 = arith.index_cast %scan3A_403 : i32 to index
        %get3A_471 = arith.constant 16 : index
        %get3A_472 = tpu.vector_load %arg18[%get3A_470, %get3A_471] {strides = array<i32>} : memref<128x64xf32, #tpu.memory_space<vmem>>, vector<1x16xf32>,
        %get3A_473 = vector.shape_cast %get3A_472 : vector<1x16xf32> to vector<16xf32>
        %add3A_474 = arith.addf %get3A_469, %get3A_473 : vector<16xf32>
        %mul3A_475 = arith.constant 2 : i32
        %mul3A_476 = arith.muli %scan3A_403, %mul3A_475 : i32
        %mul3A_477 = arith.constant 64 : i32
        %mul3A_478 = arith.muli %mul3A_476, %mul3A_477 : i32
        %add3A_479 = arith.constant 16 : i32
        %add3A_480 = arith.addi %mul3A_478, %add3A_479 : i32
        %get3A_481 = arith.index_cast %add3A_480 : i32 to index
        %get3A_482 = tpu.vector_load %arg20[%get3A_481] {strides = array<i32>} : memref<8192xf32, #tpu.memory_space<vmem>>, vector<16xf32>,
        %get3A_483 = vector.shape_cast %get3A_482 : vector<16xf32> to vector<16xf32>
        %add3A_484 = arith.addf %add3A_474, %get3A_483 : vector<16xf32>
        %max3A_485 = arith.constant 0.000000e+00 : f32
        %max3A_486 = vector.broadcast %max3A_485 : f32 to vector<16xf32>
        %max3A_487 = arith.maximumf %add3A_484, %max3A_486 : vector<16xf32>
        %swap3A_488 = arith.index_cast %scan3A_403 : i32 to index
        %swap3A_489 = arith.constant 16 : index
        %swap3A_490 = tpu.vector_load %arg22[%swap3A_488, %swap3A_489] {strides = array<i32>} : memref<128x64xf32, #tpu.memory_space<vmem>>, vector<1x16xf32>,
        %swap3A_491 = vector.shape_cast %swap3A_490 : vector<1x16xf32> to vector<16xf32>
        %swap3A_492 = vector.shape_cast %max3A_487 : vector<16xf32> to vector<1x16xf32>
        tpu.vector_store %arg22[%swap3A_488, %swap3A_489], %swap3A_492 {strides = array<i32>} : memref<128x64xf32, #tpu.memory_space<vmem>>, vector<1x16xf32>,
        %add3A_493 = arith.constant 64 : i32
        %add3A_494 = arith.addi %add3A_493, %scan3A_403 : i32
        %get3A_495 = arith.index_cast %add3A_494 : i32 to index
        %get3A_496 = arith.constant 16 : index
        %get3A_497 = tpu.vector_load %arg16[%get3A_495, %get3A_496] {strides = array<i32>} : memref<128x64xf32, #tpu.memory_space<vmem>>, vector<1x16xf32>,
        %get3A_498 = vector.shape_cast %get3A_497 : vector<1x16xf32> to vector<16xf32>
        %add3A_499 = arith.constant 64 : i32
        %add3A_500 = arith.addi %add3A_499, %scan3A_403 : i32
        %get3A_501 = arith.index_cast %add3A_500 : i32 to index
        %get3A_502 = arith.constant 16 : index
        %get3A_503 = tpu.vector_load %arg18[%get3A_501, %get3A_502] {strides = array<i32>} : memref<128x64xf32, #tpu.memory_space<vmem>>, vector<1x16xf32>,
        %get3A_504 = vector.shape_cast %get3A_503 : vector<1x16xf32> to vector<16xf32>
        %add3A_505 = arith.addf %get3A_498, %get3A_504 : vector<16xf32>
        %mul3A_506 = arith.constant 2 : i32
        %mul3A_507 = arith.muli %scan3A_403, %mul3A_506 : i32
        %mul3A_508 = arith.constant 64 : i32
        %mul3A_509 = arith.muli %mul3A_507, %mul3A_508 : i32
        %add3A_510 = arith.constant 64 : i32
        %add3A_511 = arith.addi %mul3A_509, %add3A_510 : i32
        %add3A_512 = arith.constant 16 : i32
        %add3A_513 = arith.addi %add3A_511, %add3A_512 : i32
        %get3A_514 = arith.index_cast %add3A_513 : i32 to index
        %get3A_515 = tpu.vector_load %arg20[%get3A_514] {strides = array<i32>} : memref<8192xf32, #tpu.memory_space<vmem>>, vector<16xf32>,
        %get3A_516 = vector.shape_cast %get3A_515 : vector<16xf32> to vector<16xf32>
        %add3A_517 = arith.addf %add3A_505, %get3A_516 : vector<16xf32>
        %max3A_518 = arith.constant 0.000000e+00 : f32
        %max3A_519 = vector.broadcast %max3A_518 : f32 to vector<16xf32>
        %max3A_520 = arith.maximumf %add3A_517, %max3A_519 : vector<16xf32>
        %add3A_521 = arith.constant 64 : i32
        %add3A_522 = arith.addi %add3A_521, %scan3A_403 : i32
        %swap3A_523 = arith.index_cast %add3A_522 : i32 to index
        %swap3A_524 = arith.constant 16 : index
        %swap3A_525 = tpu.vector_load %arg22[%swap3A_523, %swap3A_524] {strides = array<i32>} : memref<128x64xf32, #tpu.memory_space<vmem>>, vector<1x16xf32>,
        %swap3A_526 = vector.shape_cast %swap3A_525 : vector<1x16xf32> to vector<16xf32>
        %swap3A_527 = vector.shape_cast %max3A_520 : vector<16xf32> to vector<1x16xf32>
        tpu.vector_store %arg22[%swap3A_523, %swap3A_524], %swap3A_527 {strides = array<i32>} : memref<128x64xf32, #tpu.memory_space<vmem>>, vector<1x16xf32>,
        %get3A_528 = arith.index_cast %scan3A_403 : i32 to index
        %get3A_529 = arith.constant 32 : index
        %get3A_530 = tpu.vector_load %arg16[%get3A_528, %get3A_529] {strides = array<i32>} : memref<128x64xf32, #tpu.memory_space<vmem>>, vector<1x16xf32>,
        %get3A_531 = vector.shape_cast %get3A_530 : vector<1x16xf32> to vector<16xf32>
        %get3A_532 = arith.index_cast %scan3A_403 : i32 to index
        %get3A_533 = arith.constant 32 : index
        %get3A_534 = tpu.vector_load %arg18[%get3A_532, %get3A_533] {strides = array<i32>} : memref<128x64xf32, #tpu.memory_space<vmem>>, vector<1x16xf32>,
        %get3A_535 = vector.shape_cast %get3A_534 : vector<1x16xf32> to vector<16xf32>
        %add3A_536 = arith.addf %get3A_531, %get3A_535 : vector<16xf32>
        %mul3A_537 = arith.constant 2 : i32
        %mul3A_538 = arith.muli %scan3A_403, %mul3A_537 : i32
        %mul3A_539 = arith.constant 64 : i32
        %mul3A_540 = arith.muli %mul3A_538, %mul3A_539 : i32
        %add3A_541 = arith.constant 32 : i32
        %add3A_542 = arith.addi %mul3A_540, %add3A_541 : i32
        %get3A_543 = arith.index_cast %add3A_542 : i32 to index
        %get3A_544 = tpu.vector_load %arg20[%get3A_543] {strides = array<i32>} : memref<8192xf32, #tpu.memory_space<vmem>>, vector<16xf32>,
        %get3A_545 = vector.shape_cast %get3A_544 : vector<16xf32> to vector<16xf32>
        %add3A_546 = arith.addf %add3A_536, %get3A_545 : vector<16xf32>
        %max3A_547 = arith.constant 0.000000e+00 : f32
        %max3A_548 = vector.broadcast %max3A_547 : f32 to vector<16xf32>
        %max3A_549 = arith.maximumf %add3A_546, %max3A_548 : vector<16xf32>
        %swap3A_550 = arith.index_cast %scan3A_403 : i32 to index
        %swap3A_551 = arith.constant 32 : index
        %swap3A_552 = tpu.vector_load %arg22[%swap3A_550, %swap3A_551] {strides = array<i32>} : memref<128x64xf32, #tpu.memory_space<vmem>>, vector<1x16xf32>,
        %swap3A_553 = vector.shape_cast %swap3A_552 : vector<1x16xf32> to vector<16xf32>
        %swap3A_554 = vector.shape_cast %max3A_549 : vector<16xf32> to vector<1x16xf32>
        tpu.vector_store %arg22[%swap3A_550, %swap3A_551], %swap3A_554 {strides = array<i32>} : memref<128x64xf32, #tpu.memory_space<vmem>>, vector<1x16xf32>,
        %add3A_555 = arith.constant 64 : i32
        %add3A_556 = arith.addi %add3A_555, %scan3A_403 : i32
        %get3A_557 = arith.index_cast %add3A_556 : i32 to index
        %get3A_558 = arith.constant 32 : index
        %get3A_559 = tpu.vector_load %arg16[%get3A_557, %get3A_558] {strides = array<i32>} : memref<128x64xf32, #tpu.memory_space<vmem>>, vector<1x16xf32>,
        %get3A_560 = vector.shape_cast %get3A_559 : vector<1x16xf32> to vector<16xf32>
        %add3A_561 = arith.constant 64 : i32
        %add3A_562 = arith.addi %add3A_561, %scan3A_403 : i32
        %get3A_563 = arith.index_cast %add3A_562 : i32 to index
        %get3A_564 = arith.constant 32 : index
        %get3A_565 = tpu.vector_load %arg18[%get3A_563, %get3A_564] {strides = array<i32>} : memref<128x64xf32, #tpu.memory_space<vmem>>, vector<1x16xf32>,
        %get3A_566 = vector.shape_cast %get3A_565 : vector<1x16xf32> to vector<16xf32>
        %add3A_567 = arith.addf %get3A_560, %get3A_566 : vector<16xf32>
        %mul3A_568 = arith.constant 2 : i32
        %mul3A_569 = arith.muli %scan3A_403, %mul3A_568 : i32
        %mul3A_570 = arith.constant 64 : i32
        %mul3A_571 = arith.muli %mul3A_569, %mul3A_570 : i32
        %add3A_572 = arith.constant 64 : i32
        %add3A_573 = arith.addi %mul3A_571, %add3A_572 : i32
        %add3A_574 = arith.constant 32 : i32
        %add3A_575 = arith.addi %add3A_573, %add3A_574 : i32
        %get3A_576 = arith.index_cast %add3A_575 : i32 to index
        %get3A_577 = tpu.vector_load %arg20[%get3A_576] {strides = array<i32>} : memref<8192xf32, #tpu.memory_space<vmem>>, vector<16xf32>,
        %get3A_578 = vector.shape_cast %get3A_577 : vector<16xf32> to vector<16xf32>
        %add3A_579 = arith.addf %add3A_567, %get3A_578 : vector<16xf32>
        %max3A_580 = arith.constant 0.000000e+00 : f32
        %max3A_581 = vector.broadcast %max3A_580 : f32 to vector<16xf32>
        %max3A_582 = arith.maximumf %add3A_579, %max3A_581 : vector<16xf32>
        %add3A_583 = arith.constant 64 : i32
        %add3A_584 = arith.addi %add3A_583, %scan3A_403 : i32
        %swap3A_585 = arith.index_cast %add3A_584 : i32 to index
        %swap3A_586 = arith.constant 32 : index
        %swap3A_587 = tpu.vector_load %arg22[%swap3A_585, %swap3A_586] {strides = array<i32>} : memref<128x64xf32, #tpu.memory_space<vmem>>, vector<1x16xf32>,
        %swap3A_588 = vector.shape_cast %swap3A_587 : vector<1x16xf32> to vector<16xf32>
        %swap3A_589 = vector.shape_cast %max3A_582 : vector<16xf32> to vector<1x16xf32>
        tpu.vector_store %arg22[%swap3A_585, %swap3A_586], %swap3A_589 {strides = array<i32>} : memref<128x64xf32, #tpu.memory_space<vmem>>, vector<1x16xf32>,
        %get3A_590 = arith.index_cast %scan3A_403 : i32 to index
        %get3A_591 = arith.constant 48 : index
        %get3A_592 = tpu.vector_load %arg16[%get3A_590, %get3A_591] {strides = array<i32>} : memref<128x64xf32, #tpu.memory_space<vmem>>, vector<1x16xf32>,
        %get3A_593 = vector.shape_cast %get3A_592 : vector<1x16xf32> to vector<16xf32>
        %get3A_594 = arith.index_cast %scan3A_403 : i32 to index
        %get3A_595 = arith.constant 48 : index
        %get3A_596 = tpu.vector_load %arg18[%get3A_594, %get3A_595] {strides = array<i32>} : memref<128x64xf32, #tpu.memory_space<vmem>>, vector<1x16xf32>,
        %get3A_597 = vector.shape_cast %get3A_596 : vector<1x16xf32> to vector<16xf32>
        %add3A_598 = arith.addf %get3A_593, %get3A_597 : vector<16xf32>
        %mul3A_599 = arith.constant 2 : i32
        %mul3A_600 = arith.muli %scan3A_403, %mul3A_599 : i32
        %mul3A_601 = arith.constant 64 : i32
        %mul3A_602 = arith.muli %mul3A_600, %mul3A_601 : i32
        %add3A_603 = arith.constant 48 : i32
        %add3A_604 = arith.addi %mul3A_602, %add3A_603 : i32
        %get3A_605 = arith.index_cast %add3A_604 : i32 to index
        %get3A_606 = tpu.vector_load %arg20[%get3A_605] {strides = array<i32>} : memref<8192xf32, #tpu.memory_space<vmem>>, vector<16xf32>,
        %get3A_607 = vector.shape_cast %get3A_606 : vector<16xf32> to vector<16xf32>
        %add3A_608 = arith.addf %add3A_598, %get3A_607 : vector<16xf32>
        %max3A_609 = arith.constant 0.000000e+00 : f32
        %max3A_610 = vector.broadcast %max3A_609 : f32 to vector<16xf32>
        %max3A_611 = arith.maximumf %add3A_608, %max3A_610 : vector<16xf32>
        %swap3A_612 = arith.index_cast %scan3A_403 : i32 to index
        %swap3A_613 = arith.constant 48 : index
        %swap3A_614 = tpu.vector_load %arg22[%swap3A_612, %swap3A_613] {strides = array<i32>} : memref<128x64xf32, #tpu.memory_space<vmem>>, vector<1x16xf32>,
        %swap3A_615 = vector.shape_cast %swap3A_614 : vector<1x16xf32> to vector<16xf32>
        %swap3A_616 = vector.shape_cast %max3A_611 : vector<16xf32> to vector<1x16xf32>
        tpu.vector_store %arg22[%swap3A_612, %swap3A_613], %swap3A_616 {strides = array<i32>} : memref<128x64xf32, #tpu.memory_space<vmem>>, vector<1x16xf32>,
        %add3A_617 = arith.constant 64 : i32
        %add3A_618 = arith.addi %add3A_617, %scan3A_403 : i32
        %get3A_619 = arith.index_cast %add3A_618 : i32 to index
        %get3A_620 = arith.constant 48 : index
        %get3A_621 = tpu.vector_load %arg16[%get3A_619, %get3A_620] {strides = array<i32>} : memref<128x64xf32, #tpu.memory_space<vmem>>, vector<1x16xf32>,
        %get3A_622 = vector.shape_cast %get3A_621 : vector<1x16xf32> to vector<16xf32>
        %add3A_623 = arith.constant 64 : i32
        %add3A_624 = arith.addi %add3A_623, %scan3A_403 : i32
        %get3A_625 = arith.index_cast %add3A_624 : i32 to index
        %get3A_626 = arith.constant 48 : index
        %get3A_627 = tpu.vector_load %arg18[%get3A_625, %get3A_626] {strides = array<i32>} : memref<128x64xf32, #tpu.memory_space<vmem>>, vector<1x16xf32>,
        %get3A_628 = vector.shape_cast %get3A_627 : vector<1x16xf32> to vector<16xf32>
        %add3A_629 = arith.addf %get3A_622, %get3A_628 : vector<16xf32>
        %mul3A_630 = arith.constant 2 : i32
        %mul3A_631 = arith.muli %scan3A_403, %mul3A_630 : i32
        %mul3A_632 = arith.constant 64 : i32
        %mul3A_633 = arith.muli %mul3A_631, %mul3A_632 : i32
        %add3A_634 = arith.constant 64 : i32
        %add3A_635 = arith.addi %mul3A_633, %add3A_634 : i32
        %add3A_636 = arith.constant 48 : i32
        %add3A_637 = arith.addi %add3A_635, %add3A_636 : i32
        %get3A_638 = arith.index_cast %add3A_637 : i32 to index
        %get3A_639 = tpu.vector_load %arg20[%get3A_638] {strides = array<i32>} : memref<8192xf32, #tpu.memory_space<vmem>>, vector<16xf32>,
        %get3A_640 = vector.shape_cast %get3A_639 : vector<16xf32> to vector<16xf32>
        %add3A_641 = arith.addf %add3A_629, %get3A_640 : vector<16xf32>
        %max3A_642 = arith.constant 0.000000e+00 : f32
        %max3A_643 = vector.broadcast %max3A_642 : f32 to vector<16xf32>
        %max3A_644 = arith.maximumf %add3A_641, %max3A_643 : vector<16xf32>
        %add3A_645 = arith.constant 64 : i32
        %add3A_646 = arith.addi %add3A_645, %scan3A_403 : i32
        %swap3A_647 = arith.index_cast %add3A_646 : i32 to index
        %swap3A_648 = arith.constant 48 : index
        %swap3A_649 = tpu.vector_load %arg22[%swap3A_647, %swap3A_648] {strides = array<i32>} : memref<128x64xf32, #tpu.memory_space<vmem>>, vector<1x16xf32>,
        %swap3A_650 = vector.shape_cast %swap3A_649 : vector<1x16xf32> to vector<16xf32>
        %swap3A_651 = vector.shape_cast %max3A_644 : vector<16xf32> to vector<1x16xf32>
        tpu.vector_store %arg22[%swap3A_647, %swap3A_648], %swap3A_651 {strides = array<i32>} : memref<128x64xf32, #tpu.memory_space<vmem>>, vector<1x16xf32>,
        %scan3A_652 = arith.constant 0 : i32
        scf.yield %scan3A_652 : i32
      }
      %scan3A_319 = arith.constant 64 : i32
      %get3A_320 = arith.constant 0 : index
      %get3A_321 = tpu.vector_load %arg10[%get3A_320] {strides = array<i32>} : memref<128xi32, #tpu.memory_space<vmem>>, vector<16xi32>,
      %get3A_322 = vector.shape_cast %get3A_321 : vector<16xi32> to vector<16xi32>
      %swap3A_323 = arith.constant 0 : index
      %swap3A_324 = tpu.vector_load %arg14[%swap3A_323] {strides = array<i32>} : memref<128xi32, #tpu.memory_space<vmem>>, vector<16xi32>,
      %swap3A_325 = vector.shape_cast %swap3A_324 : vector<16xi32> to vector<16xi32>
      %swap3A_326 = vector.shape_cast %get3A_322 : vector<16xi32> to vector<16xi32>
      tpu.vector_store %arg14[%swap3A_323], %swap3A_326 {strides = array<i32>} : memref<128xi32, #tpu.memory_space<vmem>>, vector<16xi32>,
      %get3A_327 = arith.constant 16 : index
      %get3A_328 = tpu.vector_load %arg10[%get3A_327] {strides = array<i32>} : memref<128xi32, #tpu.memory_space<vmem>>, vector<16xi32>,
      %get3A_329 = vector.shape_cast %get3A_328 : vector<16xi32> to vector<16xi32>
      %swap3A_330 = arith.constant 16 : index
      %swap3A_331 = tpu.vector_load %arg14[%swap3A_330] {strides = array<i32>} : memref<128xi32, #tpu.memory_space<vmem>>, vector<16xi32>,
      %swap3A_332 = vector.shape_cast %swap3A_331 : vector<16xi32> to vector<16xi32>
      %swap3A_333 = vector.shape_cast %get3A_329 : vector<16xi32> to vector<16xi32>
      tpu.vector_store %arg14[%swap3A_330], %swap3A_333 {strides = array<i32>} : memref<128xi32, #tpu.memory_space<vmem>>, vector<16xi32>,
      %get3A_334 = arith.constant 32 : index
      %get3A_335 = tpu.vector_load %arg10[%get3A_334] {strides = array<i32>} : memref<128xi32, #tpu.memory_space<vmem>>, vector<16xi32>,
      %get3A_336 = vector.shape_cast %get3A_335 : vector<16xi32> to vector<16xi32>
      %swap3A_337 = arith.constant 32 : index
      %swap3A_338 = tpu.vector_load %arg14[%swap3A_337] {strides = array<i32>} : memref<128xi32, #tpu.memory_space<vmem>>, vector<16xi32>,
      %swap3A_339 = vector.shape_cast %swap3A_338 : vector<16xi32> to vector<16xi32>
      %swap3A_340 = vector.shape_cast %get3A_336 : vector<16xi32> to vector<16xi32>
      tpu.vector_store %arg14[%swap3A_337], %swap3A_340 {strides = array<i32>} : memref<128xi32, #tpu.memory_space<vmem>>, vector<16xi32>,
      %get3A_341 = arith.constant 48 : index
      %get3A_342 = tpu.vector_load %arg10[%get3A_341] {strides = array<i32>} : memref<128xi32, #tpu.memory_space<vmem>>, vector<16xi32>,
      %get3A_343 = vector.shape_cast %get3A_342 : vector<16xi32> to vector<16xi32>
      %swap3A_344 = arith.constant 48 : index
      %swap3A_345 = tpu.vector_load %arg14[%swap3A_344] {strides = array<i32>} : memref<128xi32, #tpu.memory_space<vmem>>, vector<16xi32>,
      %swap3A_346 = vector.shape_cast %swap3A_345 : vector<16xi32> to vector<16xi32>
      %swap3A_347 = vector.shape_cast %get3A_343 : vector<16xi32> to vector<16xi32>
      tpu.vector_store %arg14[%swap3A_344], %swap3A_347 {strides = array<i32>} : memref<128xi32, #tpu.memory_space<vmem>>, vector<16xi32>,
      %get3A_348 = arith.constant 64 : index
      %get3A_349 = tpu.vector_load %arg10[%get3A_348] {strides = array<i32>} : memref<128xi32, #tpu.memory_space<vmem>>, vector<16xi32>,
      %get3A_350 = vector.shape_cast %get3A_349 : vector<16xi32> to vector<16xi32>
      %swap3A_351 = arith.constant 64 : index
      %swap3A_352 = tpu.vector_load %arg14[%swap3A_351] {strides = array<i32>} : memref<128xi32, #tpu.memory_space<vmem>>, vector<16xi32>,
      %swap3A_353 = vector.shape_cast %swap3A_352 : vector<16xi32> to vector<16xi32>
      %swap3A_354 = vector.shape_cast %get3A_350 : vector<16xi32> to vector<16xi32>
      tpu.vector_store %arg14[%swap3A_351], %swap3A_354 {strides = array<i32>} : memref<128xi32, #tpu.memory_space<vmem>>, vector<16xi32>,
      %get3A_355 = arith.constant 80 : index
      %get3A_356 = tpu.vector_load %arg10[%get3A_355] {strides = array<i32>} : memref<128xi32, #tpu.memory_space<vmem>>, vector<16xi32>,
      %get3A_357 = vector.shape_cast %get3A_356 : vector<16xi32> to vector<16xi32>
      %swap3A_358 = arith.constant 80 : index
      %swap3A_359 = tpu.vector_load %arg14[%swap3A_358] {strides = array<i32>} : memref<128xi32, #tpu.memory_space<vmem>>, vector<16xi32>,
      %swap3A_360 = vector.shape_cast %swap3A_359 : vector<16xi32> to vector<16xi32>
      %swap3A_361 = vector.shape_cast %get3A_357 : vector<16xi32> to vector<16xi32>
      tpu.vector_store %arg14[%swap3A_358], %swap3A_361 {strides = array<i32>} : memref<128xi32, #tpu.memory_space<vmem>>, vector<16xi32>,
      %get3A_362 = arith.constant 96 : index
      %get3A_363 = tpu.vector_load %arg10[%get3A_362] {strides = array<i32>} : memref<128xi32, #tpu.memory_space<vmem>>, vector<16xi32>,
      %get3A_364 = vector.shape_cast %get3A_363 : vector<16xi32> to vector<16xi32>
      %swap3A_365 = arith.constant 96 : index
      %swap3A_366 = tpu.vector_load %arg14[%swap3A_365] {strides = array<i32>} : memref<128xi32, #tpu.memory_space<vmem>>, vector<16xi32>,
      %swap3A_367 = vector.shape_cast %swap3A_366 : vector<16xi32> to vector<16xi32>
      %swap3A_368 = vector.shape_cast %get3A_364 : vector<16xi32> to vector<16xi32>
      tpu.vector_store %arg14[%swap3A_365], %swap3A_368 {strides = array<i32>} : memref<128xi32, #tpu.memory_space<vmem>>, vector<16xi32>,
      %get3A_369 = arith.constant 112 : index
      %get3A_370 = tpu.vector_load %arg10[%get3A_369] {strides = array<i32>} : memref<128xi32, #tpu.memory_space<vmem>>, vector<16xi32>,
      %get3A_371 = vector.shape_cast %get3A_370 : vector<16xi32> to vector<16xi32>
      %swap3A_372 = arith.constant 112 : index
      %swap3A_373 = tpu.vector_load %arg14[%swap3A_372] {strides = array<i32>} : memref<128xi32, #tpu.memory_space<vmem>>, vector<16xi32>,
      %swap3A_374 = vector.shape_cast %swap3A_373 : vector<16xi32> to vector<16xi32>
      %swap3A_375 = vector.shape_cast %get3A_371 : vector<16xi32> to vector<16xi32>
      tpu.vector_store %arg14[%swap3A_372], %swap3A_375 {strides = array<i32>} : memref<128xi32, #tpu.memory_space<vmem>>, vector<16xi32>,
      %dma_start3A_376 = arith.constant 1 : i32
      %dma_start3A_377 = arith.constant 0 : i32
      %dma_start3A_378 = arith.constant 0 : i32
      %dma_start3A_379 = tpu.memref_slice %arg25[%dma_start3A_377, %dma_start3A_378] : memref<10240x64xf32, #tpu.memory_space<vmem_shared>> -> memref<10240x64xf32, #tpu.memory_space<vmem_shared>>
      %dma_start3A_380 = tpu.memref_slice %arg29[%dma_start3A_376] : memref<2x!tpu.dma_semaphore, #tpu.memory_space<semaphore_mem>> -> memref<1x!tpu.dma_semaphore, #tpu.memory_space<semaphore_mem>>
      %dma_start3A_381 = tpu.memref_squeeze %dma_start3A_380 : memref<1x!tpu.dma_semaphore, #tpu.memory_space<semaphore_mem>> -> memref<!tpu.dma_semaphore, #tpu.memory_space<semaphore_mem>>
      tpu.enqueue_indirect_dma source(%arg22 : memref<128x64xf32, #tpu.memory_space<vmem>>) target(%dma_start3A_379 : memref<10240x64xf32, #tpu.memory_space<vmem_shared>>) offsets(%arg14 : memref<128xi32, #tpu.memory_space<vmem>>) semaphore(%dma_start3A_381 : memref<!tpu.dma_semaphore, #tpu.memory_space<semaphore_mem>>) {add = true}
      %dma_start3A_382 = arith.constant 1 : i32
      %dma_start3A_383 = arith.constant 0 : i32
      %dma_start3A_384 = arith.constant 0 : i32
      %dma_start3A_385 = tpu.memref_slice %arg26[%dma_start3A_383, %dma_start3A_384] : memref<10240x16xf32, #tpu.memory_space<vmem_shared>> -> memref<10240x16xf32, #tpu.memory_space<vmem_shared>>
      %dma_start3A_386 = tpu.memref_slice %arg30[%dma_start3A_382] : memref<2x!tpu.dma_semaphore, #tpu.memory_space<semaphore_mem>> -> memref<1x!tpu.dma_semaphore, #tpu.memory_space<semaphore_mem>>
      %dma_start3A_387 = tpu.memref_squeeze %dma_start3A_386 : memref<1x!tpu.dma_semaphore, #tpu.memory_space<semaphore_mem>> -> memref<!tpu.dma_semaphore, #tpu.memory_space<semaphore_mem>>
      tpu.enqueue_indirect_dma source(%arg23 : memref<128x16xf32, #tpu.memory_space<vmem>>) target(%dma_start3A_385 : memref<10240x16xf32, #tpu.memory_space<vmem_shared>>) offsets(%arg14 : memref<128xi32, #tpu.memory_space<vmem>>) semaphore(%dma_start3A_387 : memref<!tpu.dma_semaphore, #tpu.memory_space<semaphore_mem>>) {add = true}
      %add3A_388 = arith.constant 2 : i32
      %add3A_389 = arith.addi %add3A_295, %add3A_388 : i32
      %lt3A_390 = arith.constant 78 : i32
      %lt3A_391 = arith.cmpi slt, %add3A_389, %lt3A_390 : i32
      %convert_element_type3A_392 = arith.extui %lt3A_391 : i1 to i32
      %cond3A_393 = arith.constant 0 : i32
      %cond3A_394 = arith.cmpi ne, %convert_element_type3A_392, %cond3A_393 : i32
      scf.if %cond3A_394 {
        %add3A_403 = arith.constant 2 : i32
        %add3A_404 = arith.addi %add3A_295, %add3A_403 : i32
        %mul3A_405 = arith.constant 32 : i32
        %mul3A_406 = arith.muli %add3A_404, %mul3A_405 : i32
        %add3A_407 = arith.addi %add3A, %mul3A_406 : i32
        %mul3A_408 = arith.constant 128 : i32
        %mul3A_409 = arith.muli %add3A_407, %mul3A_408 : i32
        %dma_start3A_410 = arith.constant 1 : i32
        %dma_start3A_411 = tpu.memref_slice %arg5[%mul3A_409] : memref<320000xi32, #tpu.memory_space<hbm>> -> memref<128xi32, #tpu.memory_space<hbm>>
        %dma_start3A_412 = tpu.memref_slice %arg27[%dma_start3A_410] : memref<2x!tpu.dma_semaphore, #tpu.memory_space<semaphore_mem>> -> memref<1x!tpu.dma_semaphore, #tpu.memory_space<semaphore_mem>>
        %dma_start3A_413 = tpu.memref_squeeze %dma_start3A_412 : memref<1x!tpu.dma_semaphore, #tpu.memory_space<semaphore_mem>> -> memref<!tpu.dma_semaphore, #tpu.memory_space<semaphore_mem>>
        %dma_start3A_414 = tpu.memref_slice %arg5[%mul3A_409] : memref<320000xi32, #tpu.memory_space<hbm>> -> memref<128xi32, #tpu.memory_space<hbm>>
        tpu.enqueue_dma source(%dma_start3A_414 : memref<128xi32, #tpu.memory_space<hbm>>) target(%arg10 : memref<128xi32, #tpu.memory_space<vmem>>) target_semaphore(%dma_start3A_413 : memref<!tpu.dma_semaphore, #tpu.memory_space<semaphore_mem>>)
        %mul3A_415 = arith.constant 128 : i32
        %mul3A_416 = arith.muli %add3A_407, %mul3A_415 : i32
        %dma_start3A_417 = arith.constant 1 : i32
        %dma_start3A_418 = tpu.memref_slice %arg6[%mul3A_416] : memref<320000xi32, #tpu.memory_space<hbm>> -> memref<128xi32, #tpu.memory_space<hbm>>
        %dma_start3A_419 = tpu.memref_slice %arg27[%dma_start3A_417] : memref<2x!tpu.dma_semaphore, #tpu.memory_space<semaphore_mem>> -> memref<1x!tpu.dma_semaphore, #tpu.memory_space<semaphore_mem>>
        %dma_start3A_420 = tpu.memref_squeeze %dma_start3A_419 : memref<1x!tpu.dma_semaphore, #tpu.memory_space<semaphore_mem>> -> memref<!tpu.dma_semaphore, #tpu.memory_space<semaphore_mem>>
        %dma_start3A_421 = tpu.memref_slice %arg6[%mul3A_416] : memref<320000xi32, #tpu.memory_space<hbm>> -> memref<128xi32, #tpu.memory_space<hbm>>
        tpu.enqueue_dma source(%dma_start3A_421 : memref<128xi32, #tpu.memory_space<hbm>>) target(%arg12 : memref<128xi32, #tpu.memory_space<vmem>>) target_semaphore(%dma_start3A_420 : memref<!tpu.dma_semaphore, #tpu.memory_space<semaphore_mem>>)
        %mul3A_422 = arith.constant 64 : i32
        %mul3A_423 = arith.muli %add3A_407, %mul3A_422 : i32
        %mul3A_424 = arith.constant 2 : i32
        %mul3A_425 = arith.muli %mul3A_423, %mul3A_424 : i32
        %mul3A_426 = arith.constant 64 : i32
        %mul3A_427 = arith.muli %mul3A_425, %mul3A_426 : i32
        %dma_start3A_428 = arith.constant 1 : i32
        %dma_start3A_429 = tpu.memref_slice %arg4[%mul3A_427] : memref<20480000xf32, #tpu.memory_space<hbm>> -> memref<8192xf32, #tpu.memory_space<hbm>>
        %dma_start3A_430 = tpu.memref_slice %arg27[%dma_start3A_428] : memref<2x!tpu.dma_semaphore, #tpu.memory_space<semaphore_mem>> -> memref<1x!tpu.dma_semaphore, #tpu.memory_space<semaphore_mem>>
        %dma_start3A_431 = tpu.memref_squeeze %dma_start3A_430 : memref<1x!tpu.dma_semaphore, #tpu.memory_space<semaphore_mem>> -> memref<!tpu.dma_semaphore, #tpu.memory_space<semaphore_mem>>
        %dma_start3A_432 = tpu.memref_slice %arg4[%mul3A_427] : memref<20480000xf32, #tpu.memory_space<hbm>> -> memref<8192xf32, #tpu.memory_space<hbm>>
        tpu.enqueue_dma source(%dma_start3A_432 : memref<8192xf32, #tpu.memory_space<hbm>>) target(%arg20 : memref<8192xf32, #tpu.memory_space<vmem>>) target_semaphore(%dma_start3A_431 : memref<!tpu.dma_semaphore, #tpu.memory_space<semaphore_mem>>)
      } else {
      }
      %add3A_395 = arith.constant 1 : i32
      %add3A_396 = arith.addi %add3A_295, %add3A_395 : i32
      %lt3A_397 = arith.constant 78 : i32
      %lt3A_398 = arith.cmpi slt, %add3A_396, %lt3A_397 : i32
      %convert_element_type3A_399 = arith.extui %lt3A_398 : i1 to i32
      %cond3A_400 = arith.constant 0 : i32
      %cond3A_401 = arith.cmpi ne, %convert_element_type3A_399, %cond3A_400 : i32
      scf.if %cond3A_401 {
        %dma_wait3A_403 = arith.constant 0 : i32
        %dma_wait3A_404 = arith.constant 0 : i32
        %dma_wait3A_405 = tpu.memref_slice %arg5[%dma_wait3A_404] : memref<320000xi32, #tpu.memory_space<hbm>> -> memref<128xi32, #tpu.memory_space<hbm>>
        %dma_wait3A_406 = tpu.memref_slice %arg27[%dma_wait3A_403] : memref<2x!tpu.dma_semaphore, #tpu.memory_space<semaphore_mem>> -> memref<1x!tpu.dma_semaphore, #tpu.memory_space<semaphore_mem>>
        %dma_wait3A_407 = tpu.memref_squeeze %dma_wait3A_406 : memref<1x!tpu.dma_semaphore, #tpu.memory_space<semaphore_mem>> -> memref<!tpu.dma_semaphore, #tpu.memory_space<semaphore_mem>>
        %dma_wait3A_408 = arith.constant 0 : i32
        %dma_wait3A_409 = tpu.memref_slice %arg5[%dma_wait3A_408] : memref<320000xi32, #tpu.memory_space<hbm>> -> memref<128xi32, #tpu.memory_space<hbm>>
        tpu.wait_dma2 semaphore(%dma_wait3A_407 : memref<!tpu.dma_semaphore, #tpu.memory_space<semaphore_mem>>) src(%dma_wait3A_409 : memref<128xi32, #tpu.memory_space<hbm>>) dst(%arg9 : memref<128xi32, #tpu.memory_space<vmem>>)
        %dma_wait3A_410 = arith.constant 0 : i32
        %dma_wait3A_411 = arith.constant 0 : i32
        %dma_wait3A_412 = tpu.memref_slice %arg6[%dma_wait3A_411] : memref<320000xi32, #tpu.memory_space<hbm>> -> memref<128xi32, #tpu.memory_space<hbm>>
        %dma_wait3A_413 = tpu.memref_slice %arg27[%dma_wait3A_410] : memref<2x!tpu.dma_semaphore, #tpu.memory_space<semaphore_mem>> -> memref<1x!tpu.dma_semaphore, #tpu.memory_space<semaphore_mem>>
        %dma_wait3A_414 = tpu.memref_squeeze %dma_wait3A_413 : memref<1x!tpu.dma_semaphore, #tpu.memory_space<semaphore_mem>> -> memref<!tpu.dma_semaphore, #tpu.memory_space<semaphore_mem>>
        %dma_wait3A_415 = arith.constant 0 : i32
        %dma_wait3A_416 = tpu.memref_slice %arg6[%dma_wait3A_415] : memref<320000xi32, #tpu.memory_space<hbm>> -> memref<128xi32, #tpu.memory_space<hbm>>
        tpu.wait_dma2 semaphore(%dma_wait3A_414 : memref<!tpu.dma_semaphore, #tpu.memory_space<semaphore_mem>>) src(%dma_wait3A_416 : memref<128xi32, #tpu.memory_space<hbm>>) dst(%arg11 : memref<128xi32, #tpu.memory_space<vmem>>)
        %dma_wait3A_417 = arith.constant 0 : i32
        %dma_wait3A_418 = arith.constant 0 : i32
        %dma_wait3A_419 = tpu.memref_slice %arg4[%dma_wait3A_418] : memref<20480000xf32, #tpu.memory_space<hbm>> -> memref<8192xf32, #tpu.memory_space<hbm>>
        %dma_wait3A_420 = tpu.memref_slice %arg27[%dma_wait3A_417] : memref<2x!tpu.dma_semaphore, #tpu.memory_space<semaphore_mem>> -> memref<1x!tpu.dma_semaphore, #tpu.memory_space<semaphore_mem>>
        %dma_wait3A_421 = tpu.memref_squeeze %dma_wait3A_420 : memref<1x!tpu.dma_semaphore, #tpu.memory_space<semaphore_mem>> -> memref<!tpu.dma_semaphore, #tpu.memory_space<semaphore_mem>>
        %dma_wait3A_422 = arith.constant 0 : i32
        %dma_wait3A_423 = tpu.memref_slice %arg4[%dma_wait3A_422] : memref<20480000xf32, #tpu.memory_space<hbm>> -> memref<8192xf32, #tpu.memory_space<hbm>>
        tpu.wait_dma2 semaphore(%dma_wait3A_421 : memref<!tpu.dma_semaphore, #tpu.memory_space<semaphore_mem>>) src(%dma_wait3A_423 : memref<8192xf32, #tpu.memory_space<hbm>>) dst(%arg19 : memref<8192xf32, #tpu.memory_space<vmem>>)
        %dma_start3A_424 = arith.constant 0 : i32
        %dma_start3A_425 = arith.constant 0 : i32
        %dma_start3A_426 = arith.constant 0 : i32
        %dma_start3A_427 = tpu.memref_slice %arg2[%dma_start3A_425, %dma_start3A_426] : memref<10000x64xf32, #tpu.memory_space<hbm>> -> memref<10000x64xf32, #tpu.memory_space<hbm>>
        %dma_start3A_428 = tpu.memref_slice %arg28[%dma_start3A_424] : memref<2x!tpu.dma_semaphore, #tpu.memory_space<semaphore_mem>> -> memref<1x!tpu.dma_semaphore, #tpu.memory_space<semaphore_mem>>
        %dma_start3A_429 = tpu.memref_squeeze %dma_start3A_428 : memref<1x!tpu.dma_semaphore, #tpu.memory_space<semaphore_mem>> -> memref<!tpu.dma_semaphore, #tpu.memory_space<semaphore_mem>>
        tpu.enqueue_indirect_dma source(%dma_start3A_427 : memref<10000x64xf32, #tpu.memory_space<hbm>>) target(%arg15 : memref<128x64xf32, #tpu.memory_space<vmem>>) offsets(%arg9 : memref<128xi32, #tpu.memory_space<vmem>>) semaphore(%dma_start3A_429 : memref<!tpu.dma_semaphore, #tpu.memory_space<semaphore_mem>>)
        %dma_start3A_430 = arith.constant 0 : i32
        %dma_start3A_431 = arith.constant 0 : i32
        %dma_start3A_432 = arith.constant 0 : i32
        %dma_start3A_433 = tpu.memref_slice %arg3[%dma_start3A_431, %dma_start3A_432] : memref<10000x64xf32, #tpu.memory_space<hbm>> -> memref<10000x64xf32, #tpu.memory_space<hbm>>
        %dma_start3A_434 = tpu.memref_slice %arg28[%dma_start3A_430] : memref<2x!tpu.dma_semaphore, #tpu.memory_space<semaphore_mem>> -> memref<1x!tpu.dma_semaphore, #tpu.memory_space<semaphore_mem>>
        %dma_start3A_435 = tpu.memref_squeeze %dma_start3A_434 : memref<1x!tpu.dma_semaphore, #tpu.memory_space<semaphore_mem>> -> memref<!tpu.dma_semaphore, #tpu.memory_space<semaphore_mem>>
        tpu.enqueue_indirect_dma source(%dma_start3A_433 : memref<10000x64xf32, #tpu.memory_space<hbm>>) target(%arg17 : memref<128x64xf32, #tpu.memory_space<vmem>>) offsets(%arg11 : memref<128xi32, #tpu.memory_space<vmem>>) semaphore(%dma_start3A_435 : memref<!tpu.dma_semaphore, #tpu.memory_space<semaphore_mem>>)
      } else {
      }
      %scan3A_402 = arith.constant 0 : i32
      scf.yield %scan3A_402 : i32
    }
    %scan3A_141 = arith.constant 39 : i32
    %dma_wait3A_142 = arith.constant 0 : i32
    %dma_wait3A_143 = arith.constant 0 : i32
    %dma_wait3A_144 = arith.constant 0 : i32
    %dma_wait3A_145 = tpu.memref_slice %arg25[%dma_wait3A_143, %dma_wait3A_144] : memref<10240x64xf32, #tpu.memory_space<vmem_shared>> -> memref<10240x64xf32, #tpu.memory_space<vmem_shared>>
    %dma_wait3A_146 = tpu.memref_slice %arg29[%dma_wait3A_142] : memref<2x!tpu.dma_semaphore, #tpu.memory_space<semaphore_mem>> -> memref<1x!tpu.dma_semaphore, #tpu.memory_space<semaphore_mem>>
    %dma_wait3A_147 = tpu.memref_squeeze %dma_wait3A_146 : memref<1x!tpu.dma_semaphore, #tpu.memory_space<semaphore_mem>> -> memref<!tpu.dma_semaphore, #tpu.memory_space<semaphore_mem>>
    tpu.wait_indirect_dma semaphore(%dma_wait3A_147 : memref<!tpu.dma_semaphore, #tpu.memory_space<semaphore_mem>>) src(%arg21 : memref<128x64xf32, #tpu.memory_space<vmem>>) dst(%dma_wait3A_145 : memref<10240x64xf32, #tpu.memory_space<vmem_shared>>)
    %dma_wait3A_148 = arith.constant 0 : i32
    %dma_wait3A_149 = arith.constant 0 : i32
    %dma_wait3A_150 = arith.constant 0 : i32
    %dma_wait3A_151 = tpu.memref_slice %arg26[%dma_wait3A_149, %dma_wait3A_150] : memref<10240x16xf32, #tpu.memory_space<vmem_shared>> -> memref<10240x16xf32, #tpu.memory_space<vmem_shared>>
    %dma_wait3A_152 = tpu.memref_slice %arg30[%dma_wait3A_148] : memref<2x!tpu.dma_semaphore, #tpu.memory_space<semaphore_mem>> -> memref<1x!tpu.dma_semaphore, #tpu.memory_space<semaphore_mem>>
    %dma_wait3A_153 = tpu.memref_squeeze %dma_wait3A_152 : memref<1x!tpu.dma_semaphore, #tpu.memory_space<semaphore_mem>> -> memref<!tpu.dma_semaphore, #tpu.memory_space<semaphore_mem>>
    tpu.wait_indirect_dma semaphore(%dma_wait3A_153 : memref<!tpu.dma_semaphore, #tpu.memory_space<semaphore_mem>>) src(%arg23 : memref<128x16xf32, #tpu.memory_space<vmem>>) dst(%dma_wait3A_151 : memref<10240x16xf32, #tpu.memory_space<vmem_shared>>)
    %dma_wait3A_154 = arith.constant 1 : i32
    %dma_wait3A_155 = arith.constant 0 : i32
    %dma_wait3A_156 = arith.constant 0 : i32
    %dma_wait3A_157 = tpu.memref_slice %arg25[%dma_wait3A_155, %dma_wait3A_156] : memref<10240x64xf32, #tpu.memory_space<vmem_shared>> -> memref<10240x64xf32, #tpu.memory_space<vmem_shared>>
    %dma_wait3A_158 = tpu.memref_slice %arg29[%dma_wait3A_154] : memref<2x!tpu.dma_semaphore, #tpu.memory_space<semaphore_mem>> -> memref<1x!tpu.dma_semaphore, #tpu.memory_space<semaphore_mem>>
    %dma_wait3A_159 = tpu.memref_squeeze %dma_wait3A_158 : memref<1x!tpu.dma_semaphore, #tpu.memory_space<semaphore_mem>> -> memref<!tpu.dma_semaphore, #tpu.memory_space<semaphore_mem>>
    tpu.wait_indirect_dma semaphore(%dma_wait3A_159 : memref<!tpu.dma_semaphore, #tpu.memory_space<semaphore_mem>>) src(%arg22 : memref<128x64xf32, #tpu.memory_space<vmem>>) dst(%dma_wait3A_157 : memref<10240x64xf32, #tpu.memory_space<vmem_shared>>)
    %dma_wait3A_160 = arith.constant 1 : i32
    %dma_wait3A_161 = arith.constant 0 : i32
    %dma_wait3A_162 = arith.constant 0 : i32
    %dma_wait3A_163 = tpu.memref_slice %arg26[%dma_wait3A_161, %dma_wait3A_162] : memref<10240x16xf32, #tpu.memory_space<vmem_shared>> -> memref<10240x16xf32, #tpu.memory_space<vmem_shared>>
    %dma_wait3A_164 = tpu.memref_slice %arg30[%dma_wait3A_160] : memref<2x!tpu.dma_semaphore, #tpu.memory_space<semaphore_mem>> -> memref<1x!tpu.dma_semaphore, #tpu.memory_space<semaphore_mem>>
    %dma_wait3A_165 = tpu.memref_squeeze %dma_wait3A_164 : memref<1x!tpu.dma_semaphore, #tpu.memory_space<semaphore_mem>> -> memref<!tpu.dma_semaphore, #tpu.memory_space<semaphore_mem>>
    tpu.wait_indirect_dma semaphore(%dma_wait3A_165 : memref<!tpu.dma_semaphore, #tpu.memory_space<semaphore_mem>>) src(%arg23 : memref<128x16xf32, #tpu.memory_space<vmem>>) dst(%dma_wait3A_163 : memref<10240x16xf32, #tpu.memory_space<vmem_shared>>)
    %lt3A = arith.constant 4 : i32
    %lt3A_166 = arith.cmpi slt, %add3A, %lt3A : i32
    %convert_element_type3A = arith.extui %lt3A_166 : i1 to i32
    %cond3A = arith.constant 0 : i32
    %cond3A_167 = arith.cmpi ne, %convert_element_type3A, %cond3A : i32
    scf.if %cond3A_167 {
      %add3A_183 = arith.constant 2496 : i32
      %add3A_184 = arith.addi %add3A, %add3A_183 : i32
      %mul3A_185 = arith.constant 128 : i32
      %mul3A_186 = arith.muli %add3A_184, %mul3A_185 : i32
      %dma_start3A_187 = arith.constant 0 : i32
      %dma_start3A_188 = tpu.memref_slice %arg5[%mul3A_186] : memref<320000xi32, #tpu.memory_space<hbm>> -> memref<128xi32, #tpu.memory_space<hbm>>
      %dma_start3A_189 = tpu.memref_slice %arg27[%dma_start3A_187] : memref<2x!tpu.dma_semaphore, #tpu.memory_space<semaphore_mem>> -> memref<1x!tpu.dma_semaphore, #tpu.memory_space<semaphore_mem>>
      %dma_start3A_190 = tpu.memref_squeeze %dma_start3A_189 : memref<1x!tpu.dma_semaphore, #tpu.memory_space<semaphore_mem>> -> memref<!tpu.dma_semaphore, #tpu.memory_space<semaphore_mem>>
      %dma_start3A_191 = tpu.memref_slice %arg5[%mul3A_186] : memref<320000xi32, #tpu.memory_space<hbm>> -> memref<128xi32, #tpu.memory_space<hbm>>
      tpu.enqueue_dma source(%dma_start3A_191 : memref<128xi32, #tpu.memory_space<hbm>>) target(%arg9 : memref<128xi32, #tpu.memory_space<vmem>>) target_semaphore(%dma_start3A_190 : memref<!tpu.dma_semaphore, #tpu.memory_space<semaphore_mem>>)
      %mul3A_192 = arith.constant 128 : i32
      %mul3A_193 = arith.muli %add3A_184, %mul3A_192 : i32
      %dma_start3A_194 = arith.constant 0 : i32
      %dma_start3A_195 = tpu.memref_slice %arg6[%mul3A_193] : memref<320000xi32, #tpu.memory_space<hbm>> -> memref<128xi32, #tpu.memory_space<hbm>>
      %dma_start3A_196 = tpu.memref_slice %arg27[%dma_start3A_194] : memref<2x!tpu.dma_semaphore, #tpu.memory_space<semaphore_mem>> -> memref<1x!tpu.dma_semaphore, #tpu.memory_space<semaphore_mem>>
      %dma_start3A_197 = tpu.memref_squeeze %dma_start3A_196 : memref<1x!tpu.dma_semaphore, #tpu.memory_space<semaphore_mem>> -> memref<!tpu.dma_semaphore, #tpu.memory_space<semaphore_mem>>
      %dma_start3A_198 = tpu.memref_slice %arg6[%mul3A_193] : memref<320000xi32, #tpu.memory_space<hbm>> -> memref<128xi32, #tpu.memory_space<hbm>>
      tpu.enqueue_dma source(%dma_start3A_198 : memref<128xi32, #tpu.memory_space<hbm>>) target(%arg11 : memref<128xi32, #tpu.memory_space<vmem>>) target_semaphore(%dma_start3A_197 : memref<!tpu.dma_semaphore, #tpu.memory_space<semaphore_mem>>)
      %mul3A_199 = arith.constant 64 : i32
      %mul3A_200 = arith.muli %add3A_184, %mul3A_199 : i32
      %mul3A_201 = arith.constant 2 : i32
      %mul3A_202 = arith.muli %mul3A_200, %mul3A_201 : i32
      %mul3A_203 = arith.constant 64 : i32
      %mul3A_204 = arith.muli %mul3A_202, %mul3A_203 : i32
      %dma_start3A_205 = arith.constant 0 : i32
      %dma_start3A_206 = tpu.memref_slice %arg4[%mul3A_204] : memref<20480000xf32, #tpu.memory_space<hbm>> -> memref<8192xf32, #tpu.memory_space<hbm>>
      %dma_start3A_207 = tpu.memref_slice %arg27[%dma_start3A_205] : memref<2x!tpu.dma_semaphore, #tpu.memory_space<semaphore_mem>> -> memref<1x!tpu.dma_semaphore, #tpu.memory_space<semaphore_mem>>
      %dma_start3A_208 = tpu.memref_squeeze %dma_start3A_207 : memref<1x!tpu.dma_semaphore, #tpu.memory_space<semaphore_mem>> -> memref<!tpu.dma_semaphore, #tpu.memory_space<semaphore_mem>>
      %dma_start3A_209 = tpu.memref_slice %arg4[%mul3A_204] : memref<20480000xf32, #tpu.memory_space<hbm>> -> memref<8192xf32, #tpu.memory_space<hbm>>
      tpu.enqueue_dma source(%dma_start3A_209 : memref<8192xf32, #tpu.memory_space<hbm>>) target(%arg19 : memref<8192xf32, #tpu.memory_space<vmem>>) target_semaphore(%dma_start3A_208 : memref<!tpu.dma_semaphore, #tpu.memory_space<semaphore_mem>>)
      %dma_wait3A_210 = arith.constant 0 : i32
      %dma_wait3A_211 = arith.constant 0 : i32
      %dma_wait3A_212 = tpu.memref_slice %arg5[%dma_wait3A_211] : memref<320000xi32, #tpu.memory_space<hbm>> -> memref<128xi32, #tpu.memory_space<hbm>>
      %dma_wait3A_213 = tpu.memref_slice %arg27[%dma_wait3A_210] : memref<2x!tpu.dma_semaphore, #tpu.memory_space<semaphore_mem>> -> memref<1x!tpu.dma_semaphore, #tpu.memory_space<semaphore_mem>>
      %dma_wait3A_214 = tpu.memref_squeeze %dma_wait3A_213 : memref<1x!tpu.dma_semaphore, #tpu.memory_space<semaphore_mem>> -> memref<!tpu.dma_semaphore, #tpu.memory_space<semaphore_mem>>
      %dma_wait3A_215 = arith.constant 0 : i32
      %dma_wait3A_216 = tpu.memref_slice %arg5[%dma_wait3A_215] : memref<320000xi32, #tpu.memory_space<hbm>> -> memref<128xi32, #tpu.memory_space<hbm>>
      tpu.wait_dma2 semaphore(%dma_wait3A_214 : memref<!tpu.dma_semaphore, #tpu.memory_space<semaphore_mem>>) src(%dma_wait3A_216 : memref<128xi32, #tpu.memory_space<hbm>>) dst(%arg9 : memref<128xi32, #tpu.memory_space<vmem>>)
      %dma_wait3A_217 = arith.constant 0 : i32
      %dma_wait3A_218 = arith.constant 0 : i32
      %dma_wait3A_219 = tpu.memref_slice %arg6[%dma_wait3A_218] : memref<320000xi32, #tpu.memory_space<hbm>> -> memref<128xi32, #tpu.memory_space<hbm>>
      %dma_wait3A_220 = tpu.memref_slice %arg27[%dma_wait3A_217] : memref<2x!tpu.dma_semaphore, #tpu.memory_space<semaphore_mem>> -> memref<1x!tpu.dma_semaphore, #tpu.memory_space<semaphore_mem>>
      %dma_wait3A_221 = tpu.memref_squeeze %dma_wait3A_220 : memref<1x!tpu.dma_semaphore, #tpu.memory_space<semaphore_mem>> -> memref<!tpu.dma_semaphore, #tpu.memory_space<semaphore_mem>>
      %dma_wait3A_222 = arith.constant 0 : i32
      %dma_wait3A_223 = tpu.memref_slice %arg6[%dma_wait3A_222] : memref<320000xi32, #tpu.memory_space<hbm>> -> memref<128xi32, #tpu.memory_space<hbm>>
      tpu.wait_dma2 semaphore(%dma_wait3A_221 : memref<!tpu.dma_semaphore, #tpu.memory_space<semaphore_mem>>) src(%dma_wait3A_223 : memref<128xi32, #tpu.memory_space<hbm>>) dst(%arg11 : memref<128xi32, #tpu.memory_space<vmem>>)
      %dma_wait3A_224 = arith.constant 0 : i32
      %dma_wait3A_225 = arith.constant 0 : i32
      %dma_wait3A_226 = tpu.memref_slice %arg4[%dma_wait3A_225] : memref<20480000xf32, #tpu.memory_space<hbm>> -> memref<8192xf32, #tpu.memory_space<hbm>>
      %dma_wait3A_227 = tpu.memref_slice %arg27[%dma_wait3A_224] : memref<2x!tpu.dma_semaphore, #tpu.memory_space<semaphore_mem>> -> memref<1x!tpu.dma_semaphore, #tpu.memory_space<semaphore_mem>>
      %dma_wait3A_228 = tpu.memref_squeeze %dma_wait3A_227 : memref<1x!tpu.dma_semaphore, #tpu.memory_space<semaphore_mem>> -> memref<!tpu.dma_semaphore, #tpu.memory_space<semaphore_mem>>
      %dma_wait3A_229 = arith.constant 0 : i32
      %dma_wait3A_230 = tpu.memref_slice %arg4[%dma_wait3A_229] : memref<20480000xf32, #tpu.memory_space<hbm>> -> memref<8192xf32, #tpu.memory_space<hbm>>
      tpu.wait_dma2 semaphore(%dma_wait3A_228 : memref<!tpu.dma_semaphore, #tpu.memory_space<semaphore_mem>>) src(%dma_wait3A_230 : memref<8192xf32, #tpu.memory_space<hbm>>) dst(%arg19 : memref<8192xf32, #tpu.memory_space<vmem>>)
      %dma_start3A_231 = arith.constant 0 : i32
      %dma_start3A_232 = arith.constant 0 : i32
      %dma_start3A_233 = arith.constant 0 : i32
      %dma_start3A_234 = tpu.memref_slice %arg2[%dma_start3A_232, %dma_start3A_233] : memref<10000x64xf32, #tpu.memory_space<hbm>> -> memref<10000x64xf32, #tpu.memory_space<hbm>>
      %dma_start3A_235 = tpu.memref_slice %arg28[%dma_start3A_231] : memref<2x!tpu.dma_semaphore, #tpu.memory_space<semaphore_mem>> -> memref<1x!tpu.dma_semaphore, #tpu.memory_space<semaphore_mem>>
      %dma_start3A_236 = tpu.memref_squeeze %dma_start3A_235 : memref<1x!tpu.dma_semaphore, #tpu.memory_space<semaphore_mem>> -> memref<!tpu.dma_semaphore, #tpu.memory_space<semaphore_mem>>
      tpu.enqueue_indirect_dma source(%dma_start3A_234 : memref<10000x64xf32, #tpu.memory_space<hbm>>) target(%arg15 : memref<128x64xf32, #tpu.memory_space<vmem>>) offsets(%arg9 : memref<128xi32, #tpu.memory_space<vmem>>) semaphore(%dma_start3A_236 : memref<!tpu.dma_semaphore, #tpu.memory_space<semaphore_mem>>)
      %dma_start3A_237 = arith.constant 0 : i32
      %dma_start3A_238 = arith.constant 0 : i32
      %dma_start3A_239 = arith.constant 0 : i32
      %dma_start3A_240 = tpu.memref_slice %arg3[%dma_start3A_238, %dma_start3A_239] : memref<10000x64xf32, #tpu.memory_space<hbm>> -> memref<10000x64xf32, #tpu.memory_space<hbm>>
      %dma_start3A_241 = tpu.memref_slice %arg28[%dma_start3A_237] : memref<2x!tpu.dma_semaphore, #tpu.memory_space<semaphore_mem>> -> memref<1x!tpu.dma_semaphore, #tpu.memory_space<semaphore_mem>>
      %dma_start3A_242 = tpu.memref_squeeze %dma_start3A_241 : memref<1x!tpu.dma_semaphore, #tpu.memory_space<semaphore_mem>> -> memref<!tpu.dma_semaphore, #tpu.memory_space<semaphore_mem>>
      tpu.enqueue_indirect_dma source(%dma_start3A_240 : memref<10000x64xf32, #tpu.memory_space<hbm>>) target(%arg17 : memref<128x64xf32, #tpu.memory_space<vmem>>) offsets(%arg11 : memref<128xi32, #tpu.memory_space<vmem>>) semaphore(%dma_start3A_242 : memref<!tpu.dma_semaphore, #tpu.memory_space<semaphore_mem>>)
      %dma_wait3A_243 = arith.constant 0 : i32
      %dma_wait3A_244 = arith.constant 0 : i32
      %dma_wait3A_245 = arith.constant 0 : i32
      %dma_wait3A_246 = tpu.memref_slice %arg2[%dma_wait3A_244, %dma_wait3A_245] : memref<10000x64xf32, #tpu.memory_space<hbm>> -> memref<10000x64xf32, #tpu.memory_space<hbm>>
      %dma_wait3A_247 = tpu.memref_slice %arg28[%dma_wait3A_243] : memref<2x!tpu.dma_semaphore, #tpu.memory_space<semaphore_mem>> -> memref<1x!tpu.dma_semaphore, #tpu.memory_space<semaphore_mem>>
      %dma_wait3A_248 = tpu.memref_squeeze %dma_wait3A_247 : memref<1x!tpu.dma_semaphore, #tpu.memory_space<semaphore_mem>> -> memref<!tpu.dma_semaphore, #tpu.memory_space<semaphore_mem>>
      tpu.wait_indirect_dma semaphore(%dma_wait3A_248 : memref<!tpu.dma_semaphore, #tpu.memory_space<semaphore_mem>>) src(%dma_wait3A_246 : memref<10000x64xf32, #tpu.memory_space<hbm>>) dst(%arg15 : memref<128x64xf32, #tpu.memory_space<vmem>>)
      %dma_wait3A_249 = arith.constant 0 : i32
      %dma_wait3A_250 = arith.constant 0 : i32
      %dma_wait3A_251 = arith.constant 0 : i32
      %dma_wait3A_252 = tpu.memref_slice %arg3[%dma_wait3A_250, %dma_wait3A_251] : memref<10000x64xf32, #tpu.memory_space<hbm>> -> memref<10000x64xf32, #tpu.memory_space<hbm>>
      %dma_wait3A_253 = tpu.memref_slice %arg28[%dma_wait3A_249] : memref<2x!tpu.dma_semaphore, #tpu.memory_space<semaphore_mem>> -> memref<1x!tpu.dma_semaphore, #tpu.memory_space<semaphore_mem>>
      %dma_wait3A_254 = tpu.memref_squeeze %dma_wait3A_253 : memref<1x!tpu.dma_semaphore, #tpu.memory_space<semaphore_mem>> -> memref<!tpu.dma_semaphore, #tpu.memory_space<semaphore_mem>>
      tpu.wait_indirect_dma semaphore(%dma_wait3A_254 : memref<!tpu.dma_semaphore, #tpu.memory_space<semaphore_mem>>) src(%dma_wait3A_252 : memref<10000x64xf32, #tpu.memory_space<hbm>>) dst(%arg17 : memref<128x64xf32, #tpu.memory_space<vmem>>)
      %scan3A_255 = arith.constant 0 : i32
      %scan3A_256 = arith.constant 0 : i32
      %scan3A_257 = arith.constant 64 : i32
      %scan3A_258 = arith.addi %scan3A_256, %scan3A_257 : i32
      %scan3A_259 = arith.constant 1 : i32
      %scan3A_260 = scf.for %scan3A_340 = %scan3A_256 to %scan3A_258 step %scan3A_259 iter_args(%scan3A_341 = %scan3A_255) -> (i32)  : i32 {
        %get3A_342 = arith.index_cast %scan3A_340 : i32 to index
        %get3A_343 = arith.constant 0 : index
        %get3A_344 = tpu.vector_load %arg15[%get3A_342, %get3A_343] {strides = array<i32>} : memref<128x64xf32, #tpu.memory_space<vmem>>, vector<1x16xf32>,
        %get3A_345 = vector.shape_cast %get3A_344 : vector<1x16xf32> to vector<16xf32>
        %get3A_346 = arith.index_cast %scan3A_340 : i32 to index
        %get3A_347 = arith.constant 0 : index
        %get3A_348 = tpu.vector_load %arg17[%get3A_346, %get3A_347] {strides = array<i32>} : memref<128x64xf32, #tpu.memory_space<vmem>>, vector<1x16xf32>,
        %get3A_349 = vector.shape_cast %get3A_348 : vector<1x16xf32> to vector<16xf32>
        %add3A_350 = arith.addf %get3A_345, %get3A_349 : vector<16xf32>
        %mul3A_351 = arith.constant 2 : i32
        %mul3A_352 = arith.muli %scan3A_340, %mul3A_351 : i32
        %mul3A_353 = arith.constant 64 : i32
        %mul3A_354 = arith.muli %mul3A_352, %mul3A_353 : i32
        %add3A_355 = arith.constant 0 : i32
        %add3A_356 = arith.addi %mul3A_354, %add3A_355 : i32
        %get3A_357 = arith.index_cast %add3A_356 : i32 to index
        %get3A_358 = tpu.vector_load %arg19[%get3A_357] {strides = array<i32>} : memref<8192xf32, #tpu.memory_space<vmem>>, vector<16xf32>,
        %get3A_359 = vector.shape_cast %get3A_358 : vector<16xf32> to vector<16xf32>
        %add3A_360 = arith.addf %add3A_350, %get3A_359 : vector<16xf32>
        %max3A = arith.constant 0.000000e+00 : f32
        %max3A_361 = vector.broadcast %max3A : f32 to vector<16xf32>
        %max3A_362 = arith.maximumf %add3A_360, %max3A_361 : vector<16xf32>
        %swap3A_363 = arith.index_cast %scan3A_340 : i32 to index
        %swap3A_364 = arith.constant 0 : index
        %swap3A_365 = tpu.vector_load %arg21[%swap3A_363, %swap3A_364] {strides = array<i32>} : memref<128x64xf32, #tpu.memory_space<vmem>>, vector<1x16xf32>,
        %swap3A_366 = vector.shape_cast %swap3A_365 : vector<1x16xf32> to vector<16xf32>
        %swap3A_367 = vector.shape_cast %max3A_362 : vector<16xf32> to vector<1x16xf32>
        tpu.vector_store %arg21[%swap3A_363, %swap3A_364], %swap3A_367 {strides = array<i32>} : memref<128x64xf32, #tpu.memory_space<vmem>>, vector<1x16xf32>,
        %add3A_368 = arith.constant 64 : i32
        %add3A_369 = arith.addi %add3A_368, %scan3A_340 : i32
        %get3A_370 = arith.index_cast %add3A_369 : i32 to index
        %get3A_371 = arith.constant 0 : index
        %get3A_372 = tpu.vector_load %arg15[%get3A_370, %get3A_371] {strides = array<i32>} : memref<128x64xf32, #tpu.memory_space<vmem>>, vector<1x16xf32>,
        %get3A_373 = vector.shape_cast %get3A_372 : vector<1x16xf32> to vector<16xf32>
        %add3A_374 = arith.constant 64 : i32
        %add3A_375 = arith.addi %add3A_374, %scan3A_340 : i32
        %get3A_376 = arith.index_cast %add3A_375 : i32 to index
        %get3A_377 = arith.constant 0 : index
        %get3A_378 = tpu.vector_load %arg17[%get3A_376, %get3A_377] {strides = array<i32>} : memref<128x64xf32, #tpu.memory_space<vmem>>, vector<1x16xf32>,
        %get3A_379 = vector.shape_cast %get3A_378 : vector<1x16xf32> to vector<16xf32>
        %add3A_380 = arith.addf %get3A_373, %get3A_379 : vector<16xf32>
        %mul3A_381 = arith.constant 2 : i32
        %mul3A_382 = arith.muli %scan3A_340, %mul3A_381 : i32
        %mul3A_383 = arith.constant 64 : i32
        %mul3A_384 = arith.muli %mul3A_382, %mul3A_383 : i32
        %add3A_385 = arith.constant 64 : i32
        %add3A_386 = arith.addi %mul3A_384, %add3A_385 : i32
        %add3A_387 = arith.constant 0 : i32
        %add3A_388 = arith.addi %add3A_386, %add3A_387 : i32
        %get3A_389 = arith.index_cast %add3A_388 : i32 to index
        %get3A_390 = tpu.vector_load %arg19[%get3A_389] {strides = array<i32>} : memref<8192xf32, #tpu.memory_space<vmem>>, vector<16xf32>,
        %get3A_391 = vector.shape_cast %get3A_390 : vector<16xf32> to vector<16xf32>
        %add3A_392 = arith.addf %add3A_380, %get3A_391 : vector<16xf32>
        %max3A_393 = arith.constant 0.000000e+00 : f32
        %max3A_394 = vector.broadcast %max3A_393 : f32 to vector<16xf32>
        %max3A_395 = arith.maximumf %add3A_392, %max3A_394 : vector<16xf32>
        %add3A_396 = arith.constant 64 : i32
        %add3A_397 = arith.addi %add3A_396, %scan3A_340 : i32
        %swap3A_398 = arith.index_cast %add3A_397 : i32 to index
        %swap3A_399 = arith.constant 0 : index
        %swap3A_400 = tpu.vector_load %arg21[%swap3A_398, %swap3A_399] {strides = array<i32>} : memref<128x64xf32, #tpu.memory_space<vmem>>, vector<1x16xf32>,
        %swap3A_401 = vector.shape_cast %swap3A_400 : vector<1x16xf32> to vector<16xf32>
        %swap3A_402 = vector.shape_cast %max3A_395 : vector<16xf32> to vector<1x16xf32>
        tpu.vector_store %arg21[%swap3A_398, %swap3A_399], %swap3A_402 {strides = array<i32>} : memref<128x64xf32, #tpu.memory_space<vmem>>, vector<1x16xf32>,
        %get3A_403 = arith.index_cast %scan3A_340 : i32 to index
        %get3A_404 = arith.constant 16 : index
        %get3A_405 = tpu.vector_load %arg15[%get3A_403, %get3A_404] {strides = array<i32>} : memref<128x64xf32, #tpu.memory_space<vmem>>, vector<1x16xf32>,
        %get3A_406 = vector.shape_cast %get3A_405 : vector<1x16xf32> to vector<16xf32>
        %get3A_407 = arith.index_cast %scan3A_340 : i32 to index
        %get3A_408 = arith.constant 16 : index
        %get3A_409 = tpu.vector_load %arg17[%get3A_407, %get3A_408] {strides = array<i32>} : memref<128x64xf32, #tpu.memory_space<vmem>>, vector<1x16xf32>,
        %get3A_410 = vector.shape_cast %get3A_409 : vector<1x16xf32> to vector<16xf32>
        %add3A_411 = arith.addf %get3A_406, %get3A_410 : vector<16xf32>
        %mul3A_412 = arith.constant 2 : i32
        %mul3A_413 = arith.muli %scan3A_340, %mul3A_412 : i32
        %mul3A_414 = arith.constant 64 : i32
        %mul3A_415 = arith.muli %mul3A_413, %mul3A_414 : i32
        %add3A_416 = arith.constant 16 : i32
        %add3A_417 = arith.addi %mul3A_415, %add3A_416 : i32
        %get3A_418 = arith.index_cast %add3A_417 : i32 to index
        %get3A_419 = tpu.vector_load %arg19[%get3A_418] {strides = array<i32>} : memref<8192xf32, #tpu.memory_space<vmem>>, vector<16xf32>,
        %get3A_420 = vector.shape_cast %get3A_419 : vector<16xf32> to vector<16xf32>
        %add3A_421 = arith.addf %add3A_411, %get3A_420 : vector<16xf32>
        %max3A_422 = arith.constant 0.000000e+00 : f32
        %max3A_423 = vector.broadcast %max3A_422 : f32 to vector<16xf32>
        %max3A_424 = arith.maximumf %add3A_421, %max3A_423 : vector<16xf32>
        %swap3A_425 = arith.index_cast %scan3A_340 : i32 to index
        %swap3A_426 = arith.constant 16 : index
        %swap3A_427 = tpu.vector_load %arg21[%swap3A_425, %swap3A_426] {strides = array<i32>} : memref<128x64xf32, #tpu.memory_space<vmem>>, vector<1x16xf32>,
        %swap3A_428 = vector.shape_cast %swap3A_427 : vector<1x16xf32> to vector<16xf32>
        %swap3A_429 = vector.shape_cast %max3A_424 : vector<16xf32> to vector<1x16xf32>
        tpu.vector_store %arg21[%swap3A_425, %swap3A_426], %swap3A_429 {strides = array<i32>} : memref<128x64xf32, #tpu.memory_space<vmem>>, vector<1x16xf32>,
        %add3A_430 = arith.constant 64 : i32
        %add3A_431 = arith.addi %add3A_430, %scan3A_340 : i32
        %get3A_432 = arith.index_cast %add3A_431 : i32 to index
        %get3A_433 = arith.constant 16 : index
        %get3A_434 = tpu.vector_load %arg15[%get3A_432, %get3A_433] {strides = array<i32>} : memref<128x64xf32, #tpu.memory_space<vmem>>, vector<1x16xf32>,
        %get3A_435 = vector.shape_cast %get3A_434 : vector<1x16xf32> to vector<16xf32>
        %add3A_436 = arith.constant 64 : i32
        %add3A_437 = arith.addi %add3A_436, %scan3A_340 : i32
        %get3A_438 = arith.index_cast %add3A_437 : i32 to index
        %get3A_439 = arith.constant 16 : index
        %get3A_440 = tpu.vector_load %arg17[%get3A_438, %get3A_439] {strides = array<i32>} : memref<128x64xf32, #tpu.memory_space<vmem>>, vector<1x16xf32>,
        %get3A_441 = vector.shape_cast %get3A_440 : vector<1x16xf32> to vector<16xf32>
        %add3A_442 = arith.addf %get3A_435, %get3A_441 : vector<16xf32>
        %mul3A_443 = arith.constant 2 : i32
        %mul3A_444 = arith.muli %scan3A_340, %mul3A_443 : i32
        %mul3A_445 = arith.constant 64 : i32
        %mul3A_446 = arith.muli %mul3A_444, %mul3A_445 : i32
        %add3A_447 = arith.constant 64 : i32
        %add3A_448 = arith.addi %mul3A_446, %add3A_447 : i32
        %add3A_449 = arith.constant 16 : i32
        %add3A_450 = arith.addi %add3A_448, %add3A_449 : i32
        %get3A_451 = arith.index_cast %add3A_450 : i32 to index
        %get3A_452 = tpu.vector_load %arg19[%get3A_451] {strides = array<i32>} : memref<8192xf32, #tpu.memory_space<vmem>>, vector<16xf32>,
        %get3A_453 = vector.shape_cast %get3A_452 : vector<16xf32> to vector<16xf32>
        %add3A_454 = arith.addf %add3A_442, %get3A_453 : vector<16xf32>
        %max3A_455 = arith.constant 0.000000e+00 : f32
        %max3A_456 = vector.broadcast %max3A_455 : f32 to vector<16xf32>
        %max3A_457 = arith.maximumf %add3A_454, %max3A_456 : vector<16xf32>
        %add3A_458 = arith.constant 64 : i32
        %add3A_459 = arith.addi %add3A_458, %scan3A_340 : i32
        %swap3A_460 = arith.index_cast %add3A_459 : i32 to index
        %swap3A_461 = arith.constant 16 : index
        %swap3A_462 = tpu.vector_load %arg21[%swap3A_460, %swap3A_461] {strides = array<i32>} : memref<128x64xf32, #tpu.memory_space<vmem>>, vector<1x16xf32>,
        %swap3A_463 = vector.shape_cast %swap3A_462 : vector<1x16xf32> to vector<16xf32>
        %swap3A_464 = vector.shape_cast %max3A_457 : vector<16xf32> to vector<1x16xf32>
        tpu.vector_store %arg21[%swap3A_460, %swap3A_461], %swap3A_464 {strides = array<i32>} : memref<128x64xf32, #tpu.memory_space<vmem>>, vector<1x16xf32>,
        %get3A_465 = arith.index_cast %scan3A_340 : i32 to index
        %get3A_466 = arith.constant 32 : index
        %get3A_467 = tpu.vector_load %arg15[%get3A_465, %get3A_466] {strides = array<i32>} : memref<128x64xf32, #tpu.memory_space<vmem>>, vector<1x16xf32>,
        %get3A_468 = vector.shape_cast %get3A_467 : vector<1x16xf32> to vector<16xf32>
        %get3A_469 = arith.index_cast %scan3A_340 : i32 to index
        %get3A_470 = arith.constant 32 : index
        %get3A_471 = tpu.vector_load %arg17[%get3A_469, %get3A_470] {strides = array<i32>} : memref<128x64xf32, #tpu.memory_space<vmem>>, vector<1x16xf32>,
        %get3A_472 = vector.shape_cast %get3A_471 : vector<1x16xf32> to vector<16xf32>
        %add3A_473 = arith.addf %get3A_468, %get3A_472 : vector<16xf32>
        %mul3A_474 = arith.constant 2 : i32
        %mul3A_475 = arith.muli %scan3A_340, %mul3A_474 : i32
        %mul3A_476 = arith.constant 64 : i32
        %mul3A_477 = arith.muli %mul3A_475, %mul3A_476 : i32
        %add3A_478 = arith.constant 32 : i32
        %add3A_479 = arith.addi %mul3A_477, %add3A_478 : i32
        %get3A_480 = arith.index_cast %add3A_479 : i32 to index
        %get3A_481 = tpu.vector_load %arg19[%get3A_480] {strides = array<i32>} : memref<8192xf32, #tpu.memory_space<vmem>>, vector<16xf32>,
        %get3A_482 = vector.shape_cast %get3A_481 : vector<16xf32> to vector<16xf32>
        %add3A_483 = arith.addf %add3A_473, %get3A_482 : vector<16xf32>
        %max3A_484 = arith.constant 0.000000e+00 : f32
        %max3A_485 = vector.broadcast %max3A_484 : f32 to vector<16xf32>
        %max3A_486 = arith.maximumf %add3A_483, %max3A_485 : vector<16xf32>
        %swap3A_487 = arith.index_cast %scan3A_340 : i32 to index
        %swap3A_488 = arith.constant 32 : index
        %swap3A_489 = tpu.vector_load %arg21[%swap3A_487, %swap3A_488] {strides = array<i32>} : memref<128x64xf32, #tpu.memory_space<vmem>>, vector<1x16xf32>,
        %swap3A_490 = vector.shape_cast %swap3A_489 : vector<1x16xf32> to vector<16xf32>
        %swap3A_491 = vector.shape_cast %max3A_486 : vector<16xf32> to vector<1x16xf32>
        tpu.vector_store %arg21[%swap3A_487, %swap3A_488], %swap3A_491 {strides = array<i32>} : memref<128x64xf32, #tpu.memory_space<vmem>>, vector<1x16xf32>,
        %add3A_492 = arith.constant 64 : i32
        %add3A_493 = arith.addi %add3A_492, %scan3A_340 : i32
        %get3A_494 = arith.index_cast %add3A_493 : i32 to index
        %get3A_495 = arith.constant 32 : index
        %get3A_496 = tpu.vector_load %arg15[%get3A_494, %get3A_495] {strides = array<i32>} : memref<128x64xf32, #tpu.memory_space<vmem>>, vector<1x16xf32>,
        %get3A_497 = vector.shape_cast %get3A_496 : vector<1x16xf32> to vector<16xf32>
        %add3A_498 = arith.constant 64 : i32
        %add3A_499 = arith.addi %add3A_498, %scan3A_340 : i32
        %get3A_500 = arith.index_cast %add3A_499 : i32 to index
        %get3A_501 = arith.constant 32 : index
        %get3A_502 = tpu.vector_load %arg17[%get3A_500, %get3A_501] {strides = array<i32>} : memref<128x64xf32, #tpu.memory_space<vmem>>, vector<1x16xf32>,
        %get3A_503 = vector.shape_cast %get3A_502 : vector<1x16xf32> to vector<16xf32>
        %add3A_504 = arith.addf %get3A_497, %get3A_503 : vector<16xf32>
        %mul3A_505 = arith.constant 2 : i32
        %mul3A_506 = arith.muli %scan3A_340, %mul3A_505 : i32
        %mul3A_507 = arith.constant 64 : i32
        %mul3A_508 = arith.muli %mul3A_506, %mul3A_507 : i32
        %add3A_509 = arith.constant 64 : i32
        %add3A_510 = arith.addi %mul3A_508, %add3A_509 : i32
        %add3A_511 = arith.constant 32 : i32
        %add3A_512 = arith.addi %add3A_510, %add3A_511 : i32
        %get3A_513 = arith.index_cast %add3A_512 : i32 to index
        %get3A_514 = tpu.vector_load %arg19[%get3A_513] {strides = array<i32>} : memref<8192xf32, #tpu.memory_space<vmem>>, vector<16xf32>,
        %get3A_515 = vector.shape_cast %get3A_514 : vector<16xf32> to vector<16xf32>
        %add3A_516 = arith.addf %add3A_504, %get3A_515 : vector<16xf32>
        %max3A_517 = arith.constant 0.000000e+00 : f32
        %max3A_518 = vector.broadcast %max3A_517 : f32 to vector<16xf32>
        %max3A_519 = arith.maximumf %add3A_516, %max3A_518 : vector<16xf32>
        %add3A_520 = arith.constant 64 : i32
        %add3A_521 = arith.addi %add3A_520, %scan3A_340 : i32
        %swap3A_522 = arith.index_cast %add3A_521 : i32 to index
        %swap3A_523 = arith.constant 32 : index
        %swap3A_524 = tpu.vector_load %arg21[%swap3A_522, %swap3A_523] {strides = array<i32>} : memref<128x64xf32, #tpu.memory_space<vmem>>, vector<1x16xf32>,
        %swap3A_525 = vector.shape_cast %swap3A_524 : vector<1x16xf32> to vector<16xf32>
        %swap3A_526 = vector.shape_cast %max3A_519 : vector<16xf32> to vector<1x16xf32>
        tpu.vector_store %arg21[%swap3A_522, %swap3A_523], %swap3A_526 {strides = array<i32>} : memref<128x64xf32, #tpu.memory_space<vmem>>, vector<1x16xf32>,
        %get3A_527 = arith.index_cast %scan3A_340 : i32 to index
        %get3A_528 = arith.constant 48 : index
        %get3A_529 = tpu.vector_load %arg15[%get3A_527, %get3A_528] {strides = array<i32>} : memref<128x64xf32, #tpu.memory_space<vmem>>, vector<1x16xf32>,
        %get3A_530 = vector.shape_cast %get3A_529 : vector<1x16xf32> to vector<16xf32>
        %get3A_531 = arith.index_cast %scan3A_340 : i32 to index
        %get3A_532 = arith.constant 48 : index
        %get3A_533 = tpu.vector_load %arg17[%get3A_531, %get3A_532] {strides = array<i32>} : memref<128x64xf32, #tpu.memory_space<vmem>>, vector<1x16xf32>,
        %get3A_534 = vector.shape_cast %get3A_533 : vector<1x16xf32> to vector<16xf32>
        %add3A_535 = arith.addf %get3A_530, %get3A_534 : vector<16xf32>
        %mul3A_536 = arith.constant 2 : i32
        %mul3A_537 = arith.muli %scan3A_340, %mul3A_536 : i32
        %mul3A_538 = arith.constant 64 : i32
        %mul3A_539 = arith.muli %mul3A_537, %mul3A_538 : i32
        %add3A_540 = arith.constant 48 : i32
        %add3A_541 = arith.addi %mul3A_539, %add3A_540 : i32
        %get3A_542 = arith.index_cast %add3A_541 : i32 to index
        %get3A_543 = tpu.vector_load %arg19[%get3A_542] {strides = array<i32>} : memref<8192xf32, #tpu.memory_space<vmem>>, vector<16xf32>,
        %get3A_544 = vector.shape_cast %get3A_543 : vector<16xf32> to vector<16xf32>
        %add3A_545 = arith.addf %add3A_535, %get3A_544 : vector<16xf32>
        %max3A_546 = arith.constant 0.000000e+00 : f32
        %max3A_547 = vector.broadcast %max3A_546 : f32 to vector<16xf32>
        %max3A_548 = arith.maximumf %add3A_545, %max3A_547 : vector<16xf32>
        %swap3A_549 = arith.index_cast %scan3A_340 : i32 to index
        %swap3A_550 = arith.constant 48 : index
        %swap3A_551 = tpu.vector_load %arg21[%swap3A_549, %swap3A_550] {strides = array<i32>} : memref<128x64xf32, #tpu.memory_space<vmem>>, vector<1x16xf32>,
        %swap3A_552 = vector.shape_cast %swap3A_551 : vector<1x16xf32> to vector<16xf32>
        %swap3A_553 = vector.shape_cast %max3A_548 : vector<16xf32> to vector<1x16xf32>
        tpu.vector_store %arg21[%swap3A_549, %swap3A_550], %swap3A_553 {strides = array<i32>} : memref<128x64xf32, #tpu.memory_space<vmem>>, vector<1x16xf32>,
        %add3A_554 = arith.constant 64 : i32
        %add3A_555 = arith.addi %add3A_554, %scan3A_340 : i32
        %get3A_556 = arith.index_cast %add3A_555 : i32 to index
        %get3A_557 = arith.constant 48 : index
        %get3A_558 = tpu.vector_load %arg15[%get3A_556, %get3A_557] {strides = array<i32>} : memref<128x64xf32, #tpu.memory_space<vmem>>, vector<1x16xf32>,
        %get3A_559 = vector.shape_cast %get3A_558 : vector<1x16xf32> to vector<16xf32>
        %add3A_560 = arith.constant 64 : i32
        %add3A_561 = arith.addi %add3A_560, %scan3A_340 : i32
        %get3A_562 = arith.index_cast %add3A_561 : i32 to index
        %get3A_563 = arith.constant 48 : index
        %get3A_564 = tpu.vector_load %arg17[%get3A_562, %get3A_563] {strides = array<i32>} : memref<128x64xf32, #tpu.memory_space<vmem>>, vector<1x16xf32>,
        %get3A_565 = vector.shape_cast %get3A_564 : vector<1x16xf32> to vector<16xf32>
        %add3A_566 = arith.addf %get3A_559, %get3A_565 : vector<16xf32>
        %mul3A_567 = arith.constant 2 : i32
        %mul3A_568 = arith.muli %scan3A_340, %mul3A_567 : i32
        %mul3A_569 = arith.constant 64 : i32
        %mul3A_570 = arith.muli %mul3A_568, %mul3A_569 : i32
        %add3A_571 = arith.constant 64 : i32
        %add3A_572 = arith.addi %mul3A_570, %add3A_571 : i32
        %add3A_573 = arith.constant 48 : i32
        %add3A_574 = arith.addi %add3A_572, %add3A_573 : i32
        %get3A_575 = arith.index_cast %add3A_574 : i32 to index
        %get3A_576 = tpu.vector_load %arg19[%get3A_575] {strides = array<i32>} : memref<8192xf32, #tpu.memory_space<vmem>>, vector<16xf32>,
        %get3A_577 = vector.shape_cast %get3A_576 : vector<16xf32> to vector<16xf32>
        %add3A_578 = arith.addf %add3A_566, %get3A_577 : vector<16xf32>
        %max3A_579 = arith.constant 0.000000e+00 : f32
        %max3A_580 = vector.broadcast %max3A_579 : f32 to vector<16xf32>
        %max3A_581 = arith.maximumf %add3A_578, %max3A_580 : vector<16xf32>
        %add3A_582 = arith.constant 64 : i32
        %add3A_583 = arith.addi %add3A_582, %scan3A_340 : i32
        %swap3A_584 = arith.index_cast %add3A_583 : i32 to index
        %swap3A_585 = arith.constant 48 : index
        %swap3A_586 = tpu.vector_load %arg21[%swap3A_584, %swap3A_585] {strides = array<i32>} : memref<128x64xf32, #tpu.memory_space<vmem>>, vector<1x16xf32>,
        %swap3A_587 = vector.shape_cast %swap3A_586 : vector<1x16xf32> to vector<16xf32>
        %swap3A_588 = vector.shape_cast %max3A_581 : vector<16xf32> to vector<1x16xf32>
        tpu.vector_store %arg21[%swap3A_584, %swap3A_585], %swap3A_588 {strides = array<i32>} : memref<128x64xf32, #tpu.memory_space<vmem>>, vector<1x16xf32>,
        %scan3A_589 = arith.constant 0 : i32
        scf.yield %scan3A_589 : i32
      }
      %scan3A_261 = arith.constant 64 : i32
      %get3A = arith.constant 0 : index
      %get3A_262 = tpu.vector_load %arg9[%get3A] {strides = array<i32>} : memref<128xi32, #tpu.memory_space<vmem>>, vector<16xi32>,
      %get3A_263 = vector.shape_cast %get3A_262 : vector<16xi32> to vector<16xi32>
      %swap3A = arith.constant 0 : index
      %swap3A_264 = tpu.vector_load %arg13[%swap3A] {strides = array<i32>} : memref<128xi32, #tpu.memory_space<vmem>>, vector<16xi32>,
      %swap3A_265 = vector.shape_cast %swap3A_264 : vector<16xi32> to vector<16xi32>
      %swap3A_266 = vector.shape_cast %get3A_263 : vector<16xi32> to vector<16xi32>
      tpu.vector_store %arg13[%swap3A], %swap3A_266 {strides = array<i32>} : memref<128xi32, #tpu.memory_space<vmem>>, vector<16xi32>,
      %get3A_267 = arith.constant 16 : index
      %get3A_268 = tpu.vector_load %arg9[%get3A_267] {strides = array<i32>} : memref<128xi32, #tpu.memory_space<vmem>>, vector<16xi32>,
      %get3A_269 = vector.shape_cast %get3A_268 : vector<16xi32> to vector<16xi32>
      %swap3A_270 = arith.constant 16 : index
      %swap3A_271 = tpu.vector_load %arg13[%swap3A_270] {strides = array<i32>} : memref<128xi32, #tpu.memory_space<vmem>>, vector<16xi32>,
      %swap3A_272 = vector.shape_cast %swap3A_271 : vector<16xi32> to vector<16xi32>
      %swap3A_273 = vector.shape_cast %get3A_269 : vector<16xi32> to vector<16xi32>
      tpu.vector_store %arg13[%swap3A_270], %swap3A_273 {strides = array<i32>} : memref<128xi32, #tpu.memory_space<vmem>>, vector<16xi32>,
      %get3A_274 = arith.constant 32 : index
      %get3A_275 = tpu.vector_load %arg9[%get3A_274] {strides = array<i32>} : memref<128xi32, #tpu.memory_space<vmem>>, vector<16xi32>,
      %get3A_276 = vector.shape_cast %get3A_275 : vector<16xi32> to vector<16xi32>
      %swap3A_277 = arith.constant 32 : index
      %swap3A_278 = tpu.vector_load %arg13[%swap3A_277] {strides = array<i32>} : memref<128xi32, #tpu.memory_space<vmem>>, vector<16xi32>,
      %swap3A_279 = vector.shape_cast %swap3A_278 : vector<16xi32> to vector<16xi32>
      %swap3A_280 = vector.shape_cast %get3A_276 : vector<16xi32> to vector<16xi32>
      tpu.vector_store %arg13[%swap3A_277], %swap3A_280 {strides = array<i32>} : memref<128xi32, #tpu.memory_space<vmem>>, vector<16xi32>,
      %get3A_281 = arith.constant 48 : index
      %get3A_282 = tpu.vector_load %arg9[%get3A_281] {strides = array<i32>} : memref<128xi32, #tpu.memory_space<vmem>>, vector<16xi32>,
      %get3A_283 = vector.shape_cast %get3A_282 : vector<16xi32> to vector<16xi32>
      %swap3A_284 = arith.constant 48 : index
      %swap3A_285 = tpu.vector_load %arg13[%swap3A_284] {strides = array<i32>} : memref<128xi32, #tpu.memory_space<vmem>>, vector<16xi32>,
      %swap3A_286 = vector.shape_cast %swap3A_285 : vector<16xi32> to vector<16xi32>
      %swap3A_287 = vector.shape_cast %get3A_283 : vector<16xi32> to vector<16xi32>
      tpu.vector_store %arg13[%swap3A_284], %swap3A_287 {strides = array<i32>} : memref<128xi32, #tpu.memory_space<vmem>>, vector<16xi32>,
      %get3A_288 = arith.constant 64 : index
      %get3A_289 = tpu.vector_load %arg9[%get3A_288] {strides = array<i32>} : memref<128xi32, #tpu.memory_space<vmem>>, vector<16xi32>,
      %get3A_290 = vector.shape_cast %get3A_289 : vector<16xi32> to vector<16xi32>
      %swap3A_291 = arith.constant 64 : index
      %swap3A_292 = tpu.vector_load %arg13[%swap3A_291] {strides = array<i32>} : memref<128xi32, #tpu.memory_space<vmem>>, vector<16xi32>,
      %swap3A_293 = vector.shape_cast %swap3A_292 : vector<16xi32> to vector<16xi32>
      %swap3A_294 = vector.shape_cast %get3A_290 : vector<16xi32> to vector<16xi32>
      tpu.vector_store %arg13[%swap3A_291], %swap3A_294 {strides = array<i32>} : memref<128xi32, #tpu.memory_space<vmem>>, vector<16xi32>,
      %get3A_295 = arith.constant 80 : index
      %get3A_296 = tpu.vector_load %arg9[%get3A_295] {strides = array<i32>} : memref<128xi32, #tpu.memory_space<vmem>>, vector<16xi32>,
      %get3A_297 = vector.shape_cast %get3A_296 : vector<16xi32> to vector<16xi32>
      %swap3A_298 = arith.constant 80 : index
      %swap3A_299 = tpu.vector_load %arg13[%swap3A_298] {strides = array<i32>} : memref<128xi32, #tpu.memory_space<vmem>>, vector<16xi32>,
      %swap3A_300 = vector.shape_cast %swap3A_299 : vector<16xi32> to vector<16xi32>
      %swap3A_301 = vector.shape_cast %get3A_297 : vector<16xi32> to vector<16xi32>
      tpu.vector_store %arg13[%swap3A_298], %swap3A_301 {strides = array<i32>} : memref<128xi32, #tpu.memory_space<vmem>>, vector<16xi32>,
      %get3A_302 = arith.constant 96 : index
      %get3A_303 = tpu.vector_load %arg9[%get3A_302] {strides = array<i32>} : memref<128xi32, #tpu.memory_space<vmem>>, vector<16xi32>,
      %get3A_304 = vector.shape_cast %get3A_303 : vector<16xi32> to vector<16xi32>
      %swap3A_305 = arith.constant 96 : index
      %swap3A_306 = tpu.vector_load %arg13[%swap3A_305] {strides = array<i32>} : memref<128xi32, #tpu.memory_space<vmem>>, vector<16xi32>,
      %swap3A_307 = vector.shape_cast %swap3A_306 : vector<16xi32> to vector<16xi32>
      %swap3A_308 = vector.shape_cast %get3A_304 : vector<16xi32> to vector<16xi32>
      tpu.vector_store %arg13[%swap3A_305], %swap3A_308 {strides = array<i32>} : memref<128xi32, #tpu.memory_space<vmem>>, vector<16xi32>,
      %get3A_309 = arith.constant 112 : index
      %get3A_310 = tpu.vector_load %arg9[%get3A_309] {strides = array<i32>} : memref<128xi32, #tpu.memory_space<vmem>>, vector<16xi32>,
      %get3A_311 = vector.shape_cast %get3A_310 : vector<16xi32> to vector<16xi32>
      %swap3A_312 = arith.constant 112 : index
      %swap3A_313 = tpu.vector_load %arg13[%swap3A_312] {strides = array<i32>} : memref<128xi32, #tpu.memory_space<vmem>>, vector<16xi32>,
      %swap3A_314 = vector.shape_cast %swap3A_313 : vector<16xi32> to vector<16xi32>
      %swap3A_315 = vector.shape_cast %get3A_311 : vector<16xi32> to vector<16xi32>
      tpu.vector_store %arg13[%swap3A_312], %swap3A_315 {strides = array<i32>} : memref<128xi32, #tpu.memory_space<vmem>>, vector<16xi32>,
      %dma_start3A_316 = arith.constant 0 : i32
      %dma_start3A_317 = arith.constant 0 : i32
      %dma_start3A_318 = arith.constant 0 : i32
      %dma_start3A_319 = tpu.memref_slice %arg25[%dma_start3A_317, %dma_start3A_318] : memref<10240x64xf32, #tpu.memory_space<vmem_shared>> -> memref<10240x64xf32, #tpu.memory_space<vmem_shared>>
      %dma_start3A_320 = tpu.memref_slice %arg29[%dma_start3A_316] : memref<2x!tpu.dma_semaphore, #tpu.memory_space<semaphore_mem>> -> memref<1x!tpu.dma_semaphore, #tpu.memory_space<semaphore_mem>>
      %dma_start3A_321 = tpu.memref_squeeze %dma_start3A_320 : memref<1x!tpu.dma_semaphore, #tpu.memory_space<semaphore_mem>> -> memref<!tpu.dma_semaphore, #tpu.memory_space<semaphore_mem>>
      tpu.enqueue_indirect_dma source(%arg21 : memref<128x64xf32, #tpu.memory_space<vmem>>) target(%dma_start3A_319 : memref<10240x64xf32, #tpu.memory_space<vmem_shared>>) offsets(%arg13 : memref<128xi32, #tpu.memory_space<vmem>>) semaphore(%dma_start3A_321 : memref<!tpu.dma_semaphore, #tpu.memory_space<semaphore_mem>>) {add = true}
      %dma_start3A_322 = arith.constant 0 : i32
      %dma_start3A_323 = arith.constant 0 : i32
      %dma_start3A_324 = arith.constant 0 : i32
      %dma_start3A_325 = tpu.memref_slice %arg26[%dma_start3A_323, %dma_start3A_324] : memref<10240x16xf32, #tpu.memory_space<vmem_shared>> -> memref<10240x16xf32, #tpu.memory_space<vmem_shared>>
      %dma_start3A_326 = tpu.memref_slice %arg30[%dma_start3A_322] : memref<2x!tpu.dma_semaphore, #tpu.memory_space<semaphore_mem>> -> memref<1x!tpu.dma_semaphore, #tpu.memory_space<semaphore_mem>>
      %dma_start3A_327 = tpu.memref_squeeze %dma_start3A_326 : memref<1x!tpu.dma_semaphore, #tpu.memory_space<semaphore_mem>> -> memref<!tpu.dma_semaphore, #tpu.memory_space<semaphore_mem>>
      tpu.enqueue_indirect_dma source(%arg23 : memref<128x16xf32, #tpu.memory_space<vmem>>) target(%dma_start3A_325 : memref<10240x16xf32, #tpu.memory_space<vmem_shared>>) offsets(%arg13 : memref<128xi32, #tpu.memory_space<vmem>>) semaphore(%dma_start3A_327 : memref<!tpu.dma_semaphore, #tpu.memory_space<semaphore_mem>>) {add = true}
      %dma_wait3A_328 = arith.constant 0 : i32
      %dma_wait3A_329 = arith.constant 0 : i32
      %dma_wait3A_330 = arith.constant 0 : i32
      %dma_wait3A_331 = tpu.memref_slice %arg25[%dma_wait3A_329, %dma_wait3A_330] : memref<10240x64xf32, #tpu.memory_space<vmem_shared>> -> memref<10240x64xf32, #tpu.memory_space<vmem_shared>>
      %dma_wait3A_332 = tpu.memref_slice %arg29[%dma_wait3A_328] : memref<2x!tpu.dma_semaphore, #tpu.memory_space<semaphore_mem>> -> memref<1x!tpu.dma_semaphore, #tpu.memory_space<semaphore_mem>>
      %dma_wait3A_333 = tpu.memref_squeeze %dma_wait3A_332 : memref<1x!tpu.dma_semaphore, #tpu.memory_space<semaphore_mem>> -> memref<!tpu.dma_semaphore, #tpu.memory_space<semaphore_mem>>
      tpu.wait_indirect_dma semaphore(%dma_wait3A_333 : memref<!tpu.dma_semaphore, #tpu.memory_space<semaphore_mem>>) src(%arg21 : memref<128x64xf32, #tpu.memory_space<vmem>>) dst(%dma_wait3A_331 : memref<10240x64xf32, #tpu.memory_space<vmem_shared>>)
      %dma_wait3A_334 = arith.constant 0 : i32
      %dma_wait3A_335 = arith.constant 0 : i32
      %dma_wait3A_336 = arith.constant 0 : i32
      %dma_wait3A_337 = tpu.memref_slice %arg26[%dma_wait3A_335, %dma_wait3A_336] : memref<10240x16xf32, #tpu.memory_space<vmem_shared>> -> memref<10240x16xf32, #tpu.memory_space<vmem_shared>>
      %dma_wait3A_338 = tpu.memref_slice %arg30[%dma_wait3A_334] : memref<2x!tpu.dma_semaphore, #tpu.memory_space<semaphore_mem>> -> memref<1x!tpu.dma_semaphore, #tpu.memory_space<semaphore_mem>>
      %dma_wait3A_339 = tpu.memref_squeeze %dma_wait3A_338 : memref<1x!tpu.dma_semaphore, #tpu.memory_space<semaphore_mem>> -> memref<!tpu.dma_semaphore, #tpu.memory_space<semaphore_mem>>
      tpu.wait_indirect_dma semaphore(%dma_wait3A_339 : memref<!tpu.dma_semaphore, #tpu.memory_space<semaphore_mem>>) src(%arg23 : memref<128x16xf32, #tpu.memory_space<vmem>>) dst(%dma_wait3A_337 : memref<10240x16xf32, #tpu.memory_space<vmem_shared>>)
    } else {
    }
    %barrier3A_168 = arith.constant 0 : index
    tpu.barrier barrier_id(%barrier3A_168)
    %mul3A_169 = arith.constant 640 : i32
    %mul3A_170 = arith.muli %arg1, %mul3A_169 : i32
    %mul3A_171 = arith.constant 10240 : i32
    %mul3A_172 = arith.muli %arg0, %mul3A_171 : i32
    %mul3A_173 = arith.constant 640 : i32
    %mul3A_174 = arith.muli %arg1, %mul3A_173 : i32
    %add3A_175 = arith.addi %mul3A_172, %mul3A_174 : i32
    "tpu.region"() ({
      %run_scoped3A = tpu.sem_alloc : memref<!tpu.dma_semaphore, #tpu.memory_space<semaphore_mem>>
      %dma_start3A_183 = arith.constant 0 : i32
      %dma_start3A_184 = tpu.memref_slice %arg7[%add3A_175, %dma_start3A_183] : memref<20480x64xf32, #tpu.memory_space<hbm>> -> memref<640x64xf32, #tpu.memory_space<hbm>>
      %dma_start3A_185 = arith.constant 0 : i32
      %dma_start3A_186 = tpu.memref_slice %arg25[%mul3A_170, %dma_start3A_185] : memref<10240x64xf32, #tpu.memory_space<vmem_shared>> -> memref<640x64xf32, #tpu.memory_space<vmem_shared>>
      tpu.enqueue_dma source(%dma_start3A_186 : memref<640x64xf32, #tpu.memory_space<vmem_shared>>) target(%dma_start3A_184 : memref<640x64xf32, #tpu.memory_space<hbm>>) target_semaphore(%run_scoped3A : memref<!tpu.dma_semaphore, #tpu.memory_space<semaphore_mem>>)
      %dma_wait3A_187 = arith.constant 0 : i32
      %dma_wait3A_188 = tpu.memref_slice %arg7[%add3A_175, %dma_wait3A_187] : memref<20480x64xf32, #tpu.memory_space<hbm>> -> memref<640x64xf32, #tpu.memory_space<hbm>>
      %dma_wait3A_189 = arith.constant 0 : i32
      %dma_wait3A_190 = tpu.memref_slice %arg25[%mul3A_170, %dma_wait3A_189] : memref<10240x64xf32, #tpu.memory_space<vmem_shared>> -> memref<640x64xf32, #tpu.memory_space<vmem_shared>>
      tpu.wait_dma2 semaphore(%run_scoped3A : memref<!tpu.dma_semaphore, #tpu.memory_space<semaphore_mem>>) src(%dma_wait3A_190 : memref<640x64xf32, #tpu.memory_space<vmem_shared>>) dst(%dma_wait3A_188 : memref<640x64xf32, #tpu.memory_space<hbm>>)
      tpu.yield
    }) : () -> ()
    %mul3A_176 = arith.constant 640 : i32
    %mul3A_177 = arith.muli %arg1, %mul3A_176 : i32
    %mul3A_178 = arith.constant 10240 : i32
    %mul3A_179 = arith.muli %arg0, %mul3A_178 : i32
    %mul3A_180 = arith.constant 640 : i32
    %mul3A_181 = arith.muli %arg1, %mul3A_180 : i32
    %add3A_182 = arith.addi %mul3A_179, %mul3A_181 : i32
    "tpu.region"() ({
      %run_scoped3A = tpu.sem_alloc : memref<!tpu.dma_semaphore, #tpu.memory_space<semaphore_mem>>
      %dma_start3A_183 = arith.constant 0 : i32
      %dma_start3A_184 = tpu.memref_slice %arg8[%add3A_182, %dma_start3A_183] : memref<20480x16xf32, #tpu.memory_space<hbm>> -> memref<640x16xf32, #tpu.memory_space<hbm>>
      %dma_start3A_185 = arith.constant 0 : i32
      %dma_start3A_186 = tpu.memref_slice %arg26[%mul3A_177, %dma_start3A_185] : memref<10240x16xf32, #tpu.memory_space<vmem_shared>> -> memref<640x16xf32, #tpu.memory_space<vmem_shared>>
      tpu.enqueue_dma source(%dma_start3A_186 : memref<640x16xf32, #tpu.memory_space<vmem_shared>>) target(%dma_start3A_184 : memref<640x16xf32, #tpu.memory_space<hbm>>) target_semaphore(%run_scoped3A : memref<!tpu.dma_semaphore, #tpu.memory_space<semaphore_mem>>)
      %dma_wait3A_187 = arith.constant 0 : i32
      %dma_wait3A_188 = tpu.memref_slice %arg8[%add3A_182, %dma_wait3A_187] : memref<20480x16xf32, #tpu.memory_space<hbm>> -> memref<640x16xf32, #tpu.memory_space<hbm>>
      %dma_wait3A_189 = arith.constant 0 : i32
      %dma_wait3A_190 = tpu.memref_slice %arg26[%mul3A_177, %dma_wait3A_189] : memref<10240x16xf32, #tpu.memory_space<vmem_shared>> -> memref<640x16xf32, #tpu.memory_space<vmem_shared>>
      tpu.wait_dma2 semaphore(%run_scoped3A : memref<!tpu.dma_semaphore, #tpu.memory_space<semaphore_mem>>) src(%dma_wait3A_190 : memref<640x16xf32, #tpu.memory_space<vmem_shared>>) dst(%dma_wait3A_188 : memref<640x16xf32, #tpu.memory_space<hbm>>)
      tpu.yield
    }) : () -> ()
    return
  }
}

module attributes {stable_mosaic.version = 14 : i64} {
  func.func @_node_prep_body(%arg0: memref<10000x128xf32, #tpu.memory_space<vmem>>, %arg1: memref<128x64xf32, #tpu.memory_space<vmem>>, %arg2: memref<1x64xf32, #tpu.memory_space<vmem>>, %arg3: memref<64x64xf32, #tpu.memory_space<vmem>>, %arg4: memref<64x64xf32, #tpu.memory_space<vmem>>, %arg5: memref<10000x64xf32, #tpu.memory_space<vmem>>, %arg6: memref<10000x64xf32, #tpu.memory_space<vmem>>, %arg7: memref<10000x64xf32, #tpu.memory_space<vmem>>) attributes {dimension_semantics = [], scalar_prefetch = 0 : i64, scratch_operands = 0 : i64, tpu.core_type = #tpu.core_type<tc>} {
    %get3A = arith.constant 0 : index
    %get3A_0 = arith.constant 0 : index
    %get3A_1 = vector.load %arg0[%get3A, %get3A_0] : memref<10000x128xf32, #tpu.memory_space<vmem>>, vector<10000x128xf32>
    %get3A_2 = arith.constant 0 : index
    %get3A_3 = arith.constant 0 : index
    %get3A_4 = vector.load %arg1[%get3A_2, %get3A_3] : memref<128x64xf32, #tpu.memory_space<vmem>>, vector<128x64xf32>
    %dot_general3A = arith.constant dense<0.000000e+00> : vector<10000x64xf32>
    %dot_general3A_5 = tpu.matmul %get3A_1, %get3A_4, %dot_general3A {dimension_numbers = #tpu.dot_dimension_numbers<[1], [0], [0], [1], [0, 0, 1, 1], [], []>, transpose_lhs_hint = false} : vector<10000x128xf32>, vector<128x64xf32>, vector<10000x64xf32> -> vector<10000x64xf32>
    %get3A_6 = arith.constant 0 : index
    %get3A_7 = arith.constant 0 : index
    %get3A_8 = vector.load %arg2[%get3A_6, %get3A_7] : memref<1x64xf32, #tpu.memory_space<vmem>>, vector<1x64xf32>
    %add3A = vector.broadcast %get3A_8 : vector<1x64xf32> to vector<10000x64xf32>
    %add3A_9 = arith.addf %dot_general3A_5, %add3A : vector<10000x64xf32>
    %max3A = arith.constant 0.000000e+00 : f32
    %max3A_10 = vector.broadcast %max3A : f32 to vector<10000x64xf32>
    %max3A_11 = arith.maximumf %add3A_9, %max3A_10 : vector<10000x64xf32>
    %swap3A = arith.constant 0 : index
    %swap3A_12 = arith.constant 0 : index
    %swap3A_13 = vector.load %arg5[%swap3A, %swap3A_12] : memref<10000x64xf32, #tpu.memory_space<vmem>>, vector<10000x64xf32>
    tpu.vector_store %arg5[%swap3A, %swap3A_12], %max3A_11 {strides = array<i32>} : memref<10000x64xf32, #tpu.memory_space<vmem>>, vector<10000x64xf32>,
    %get3A_14 = arith.constant 0 : index
    %get3A_15 = arith.constant 0 : index
    %get3A_16 = vector.load %arg3[%get3A_14, %get3A_15] : memref<64x64xf32, #tpu.memory_space<vmem>>, vector<64x64xf32>
    %dot_general3A_17 = arith.constant dense<0.000000e+00> : vector<10000x64xf32>
    %dot_general3A_18 = tpu.matmul %max3A_11, %get3A_16, %dot_general3A_17 {dimension_numbers = #tpu.dot_dimension_numbers<[1], [0], [0], [1], [0, 0, 1, 1], [], []>, transpose_lhs_hint = false} : vector<10000x64xf32>, vector<64x64xf32>, vector<10000x64xf32> -> vector<10000x64xf32>
    %swap3A_19 = arith.constant 0 : index
    %swap3A_20 = arith.constant 0 : index
    %swap3A_21 = vector.load %arg6[%swap3A_19, %swap3A_20] : memref<10000x64xf32, #tpu.memory_space<vmem>>, vector<10000x64xf32>
    tpu.vector_store %arg6[%swap3A_19, %swap3A_20], %dot_general3A_18 {strides = array<i32>} : memref<10000x64xf32, #tpu.memory_space<vmem>>, vector<10000x64xf32>,
    %get3A_22 = arith.constant 0 : index
    %get3A_23 = arith.constant 0 : index
    %get3A_24 = vector.load %arg4[%get3A_22, %get3A_23] : memref<64x64xf32, #tpu.memory_space<vmem>>, vector<64x64xf32>
    %dot_general3A_25 = arith.constant dense<0.000000e+00> : vector<10000x64xf32>
    %dot_general3A_26 = tpu.matmul %max3A_11, %get3A_24, %dot_general3A_25 {dimension_numbers = #tpu.dot_dimension_numbers<[1], [0], [0], [1], [0, 0, 1, 1], [], []>, transpose_lhs_hint = false} : vector<10000x64xf32>, vector<64x64xf32>, vector<10000x64xf32> -> vector<10000x64xf32>
    %swap3A_27 = arith.constant 0 : index
    %swap3A_28 = arith.constant 0 : index
    %swap3A_29 = vector.load %arg7[%swap3A_27, %swap3A_28] : memref<10000x64xf32, #tpu.memory_space<vmem>>, vector<10000x64xf32>
    tpu.vector_store %arg7[%swap3A_27, %swap3A_28], %dot_general3A_26 {strides = array<i32>} : memref<10000x64xf32, #tpu.memory_space<vmem>>, vector<10000x64xf32>,
    return
  }
}

module attributes {stable_mosaic.version = 14 : i64} {
  func.func @_edge_prep_body(%arg0: i32, %arg1: memref<1280x16xf32, #tpu.memory_space<vmem>>, %arg2: memref<1280x16xf32, #tpu.memory_space<vmem>>, %arg3: memref<16x64xf32, #tpu.memory_space<vmem>>, %arg4: memref<1x64xf32, #tpu.memory_space<vmem>>, %arg5: memref<64x64xf32, #tpu.memory_space<vmem>>, %arg6: memref<1x64xf32, #tpu.memory_space<vmem>>, %arg7: memref<1280x128xf32, #tpu.memory_space<vmem>>) attributes {dimension_semantics = [#tpu.dimension_semantics<arbitrary>], iteration_bounds = array<i64: 125>, scalar_prefetch = 0 : i64, scratch_operands = 0 : i64, tpu.core_type = #tpu.core_type<tc>, window_params = [{transform_indices = @transform_0, window_bounds = array<i64: 1280, 16>}, {transform_indices = @transform_1, window_bounds = array<i64: 1280, 16>}, {pipeline_mode = #tpu.pipeline_mode<synchronous>, transform_indices = @transform_2, window_bounds = array<i64: 16, 64>}, {pipeline_mode = #tpu.pipeline_mode<synchronous>, transform_indices = @transform_3, window_bounds = array<i64: 1, 64>}, {pipeline_mode = #tpu.pipeline_mode<synchronous>, transform_indices = @transform_4, window_bounds = array<i64: 64, 64>}, {pipeline_mode = #tpu.pipeline_mode<synchronous>, transform_indices = @transform_5, window_bounds = array<i64: 1, 64>}, {transform_indices = @transform_6, window_bounds = array<i64: 1280, 128>}]} {
    %get3A = arith.constant 0 : index
    %get3A_0 = arith.constant 0 : index
    %get3A_1 = vector.load %arg1[%get3A, %get3A_0] : memref<1280x16xf32, #tpu.memory_space<vmem>>, vector<1280x16xf32>
    %get3A_2 = arith.constant 0 : index
    %get3A_3 = arith.constant 0 : index
    %get3A_4 = vector.load %arg3[%get3A_2, %get3A_3] : memref<16x64xf32, #tpu.memory_space<vmem>>, vector<16x64xf32>
    %dot_general3A = arith.constant dense<0.000000e+00> : vector<1280x64xf32>
    %dot_general3A_5 = tpu.matmul %get3A_1, %get3A_4, %dot_general3A {dimension_numbers = #tpu.dot_dimension_numbers<[1], [0], [0], [1], [0, 0, 1, 1], [], []>, transpose_lhs_hint = false} : vector<1280x16xf32>, vector<16x64xf32>, vector<1280x64xf32> -> vector<1280x64xf32>
    %get3A_6 = arith.constant 0 : index
    %get3A_7 = arith.constant 0 : index
    %get3A_8 = vector.load %arg4[%get3A_6, %get3A_7] : memref<1x64xf32, #tpu.memory_space<vmem>>, vector<1x64xf32>
    %add3A = vector.broadcast %get3A_8 : vector<1x64xf32> to vector<1280x64xf32>
    %add3A_9 = arith.addf %dot_general3A_5, %add3A : vector<1280x64xf32>
    %max3A = arith.constant 0.000000e+00 : f32
    %max3A_10 = vector.broadcast %max3A : f32 to vector<1280x64xf32>
    %max3A_11 = arith.maximumf %add3A_9, %max3A_10 : vector<1280x64xf32>
    %get3A_12 = arith.constant 0 : index
    %get3A_13 = arith.constant 0 : index
    %get3A_14 = vector.load %arg2[%get3A_12, %get3A_13] : memref<1280x16xf32, #tpu.memory_space<vmem>>, vector<1280x16xf32>
    %get3A_15 = arith.constant 0 : index
    %get3A_16 = arith.constant 0 : index
    %get3A_17 = vector.load %arg3[%get3A_15, %get3A_16] : memref<16x64xf32, #tpu.memory_space<vmem>>, vector<16x64xf32>
    %dot_general3A_18 = arith.constant dense<0.000000e+00> : vector<1280x64xf32>
    %dot_general3A_19 = tpu.matmul %get3A_14, %get3A_17, %dot_general3A_18 {dimension_numbers = #tpu.dot_dimension_numbers<[1], [0], [0], [1], [0, 0, 1, 1], [], []>, transpose_lhs_hint = false} : vector<1280x16xf32>, vector<16x64xf32>, vector<1280x64xf32> -> vector<1280x64xf32>
    %get3A_20 = arith.constant 0 : index
    %get3A_21 = arith.constant 0 : index
    %get3A_22 = vector.load %arg4[%get3A_20, %get3A_21] : memref<1x64xf32, #tpu.memory_space<vmem>>, vector<1x64xf32>
    %add3A_23 = vector.broadcast %get3A_22 : vector<1x64xf32> to vector<1280x64xf32>
    %add3A_24 = arith.addf %dot_general3A_19, %add3A_23 : vector<1280x64xf32>
    %max3A_25 = arith.constant 0.000000e+00 : f32
    %max3A_26 = vector.broadcast %max3A_25 : f32 to vector<1280x64xf32>
    %max3A_27 = arith.maximumf %add3A_24, %max3A_26 : vector<1280x64xf32>
    %get3A_28 = arith.constant 0 : index
    %get3A_29 = arith.constant 0 : index
    %get3A_30 = vector.load %arg5[%get3A_28, %get3A_29] : memref<64x64xf32, #tpu.memory_space<vmem>>, vector<64x64xf32>
    %dot_general3A_31 = arith.constant dense<0.000000e+00> : vector<1280x64xf32>
    %dot_general3A_32 = tpu.matmul %max3A_11, %get3A_30, %dot_general3A_31 {dimension_numbers = #tpu.dot_dimension_numbers<[1], [0], [0], [1], [0, 0, 1, 1], [], []>, transpose_lhs_hint = false} : vector<1280x64xf32>, vector<64x64xf32>, vector<1280x64xf32> -> vector<1280x64xf32>
    %get3A_33 = arith.constant 0 : index
    %get3A_34 = arith.constant 0 : index
    %get3A_35 = vector.load %arg6[%get3A_33, %get3A_34] : memref<1x64xf32, #tpu.memory_space<vmem>>, vector<1x64xf32>
    %add3A_36 = vector.broadcast %get3A_35 : vector<1x64xf32> to vector<1280x64xf32>
    %add3A_37 = arith.addf %dot_general3A_32, %add3A_36 : vector<1280x64xf32>
    %swap3A = arith.constant 0 : index
    %swap3A_38 = arith.constant 0 : index
    %swap3A_39 = vector.load %arg7[%swap3A, %swap3A_38] : memref<1280x128xf32, #tpu.memory_space<vmem>>, vector<1280x64xf32>
    tpu.vector_store %arg7[%swap3A, %swap3A_38], %add3A_37 {strides = array<i32>} : memref<1280x128xf32, #tpu.memory_space<vmem>>, vector<1280x64xf32>,
    %get3A_40 = arith.constant 0 : index
    %get3A_41 = arith.constant 0 : index
    %get3A_42 = vector.load %arg5[%get3A_40, %get3A_41] : memref<64x64xf32, #tpu.memory_space<vmem>>, vector<64x64xf32>
    %dot_general3A_43 = arith.constant dense<0.000000e+00> : vector<1280x64xf32>
    %dot_general3A_44 = tpu.matmul %max3A_27, %get3A_42, %dot_general3A_43 {dimension_numbers = #tpu.dot_dimension_numbers<[1], [0], [0], [1], [0, 0, 1, 1], [], []>, transpose_lhs_hint = false} : vector<1280x64xf32>, vector<64x64xf32>, vector<1280x64xf32> -> vector<1280x64xf32>
    %get3A_45 = arith.constant 0 : index
    %get3A_46 = arith.constant 0 : index
    %get3A_47 = vector.load %arg6[%get3A_45, %get3A_46] : memref<1x64xf32, #tpu.memory_space<vmem>>, vector<1x64xf32>
    %add3A_48 = vector.broadcast %get3A_47 : vector<1x64xf32> to vector<1280x64xf32>
    %add3A_49 = arith.addf %dot_general3A_44, %add3A_48 : vector<1280x64xf32>
    %swap3A_50 = arith.constant 0 : index
    %swap3A_51 = arith.constant 64 : index
    %swap3A_52 = vector.load %arg7[%swap3A_50, %swap3A_51] : memref<1280x128xf32, #tpu.memory_space<vmem>>, vector<1280x64xf32>
    tpu.vector_store %arg7[%swap3A_50, %swap3A_51], %add3A_49 {strides = array<i32>} : memref<1280x128xf32, #tpu.memory_space<vmem>>, vector<1280x64xf32>,
    return
  }
  func.func @transform_0(%arg0: i32) -> (i32, i32) {
    %c0_i32 = arith.constant 0 : i32
    %c0_i32_0 = arith.constant 0 : i32
    return %arg0, %c0_i32 : i32, i32
  }
  func.func @transform_1(%arg0: i32) -> (i32, i32) {
    %add3A = arith.constant 125 : i32
    %add3A_0 = arith.addi %arg0, %add3A : i32
    %c0_i32 = arith.constant 0 : i32
    %c0_i32_1 = arith.constant 0 : i32
    return %add3A_0, %c0_i32 : i32, i32
  }
  func.func @transform_2(%arg0: i32) -> (i32, i32) {
    %c0_i32 = arith.constant 0 : i32
    %c0_i32_0 = arith.constant 0 : i32
    %c0_i32_1 = arith.constant 0 : i32
    return %c0_i32, %c0_i32_0 : i32, i32
  }
  func.func @transform_3(%arg0: i32) -> (i32, i32) {
    %c0_i32 = arith.constant 0 : i32
    %c0_i32_0 = arith.constant 0 : i32
    %c0_i32_1 = arith.constant 0 : i32
    return %c0_i32, %c0_i32_0 : i32, i32
  }
  func.func @transform_4(%arg0: i32) -> (i32, i32) {
    %c0_i32 = arith.constant 0 : i32
    %c0_i32_0 = arith.constant 0 : i32
    %c0_i32_1 = arith.constant 0 : i32
    return %c0_i32, %c0_i32_0 : i32, i32
  }
  func.func @transform_5(%arg0: i32) -> (i32, i32) {
    %c0_i32 = arith.constant 0 : i32
    %c0_i32_0 = arith.constant 0 : i32
    %c0_i32_1 = arith.constant 0 : i32
    return %c0_i32, %c0_i32_0 : i32, i32
  }
  func.func @transform_6(%arg0: i32) -> (i32, i32) {
    %c0_i32 = arith.constant 0 : i32
    %c0_i32_0 = arith.constant 0 : i32
    return %arg0, %c0_i32 : i32, i32
  }
}

module attributes {stable_mosaic.version = 14 : i64} {
  func.func @_update_pool_body(%arg0: memref<10000x64xf32, #tpu.memory_space<vmem>>, %arg1: memref<20480x64xf32, #tpu.memory_space<vmem>>, %arg2: memref<20480x16xf32, #tpu.memory_space<vmem>>, %arg3: memref<10000x1xi32, #tpu.memory_space<vmem>>, %arg4: memref<64x64xf32, #tpu.memory_space<vmem>>, %arg5: memref<64x64xf32, #tpu.memory_space<vmem>>, %arg6: memref<1x64xf32, #tpu.memory_space<vmem>>, %arg7: memref<64x1xf32, #tpu.memory_space<vmem>>, %arg8: memref<1x1xf32, #tpu.memory_space<vmem>>, %arg9: memref<16x1xf32, #tpu.memory_space<vmem>>) attributes {dimension_semantics = [], scalar_prefetch = 0 : i64, scratch_operands = 0 : i64, tpu.core_type = #tpu.core_type<tc>} {
    %get3A = arith.constant 0 : index
    %get3A_0 = arith.constant 0 : index
    %get3A_1 = vector.load %arg1[%get3A, %get3A_0] : memref<20480x64xf32, #tpu.memory_space<vmem>>, vector<10000x64xf32>
    %get3A_2 = arith.constant 10240 : index
    %get3A_3 = arith.constant 0 : index
    %get3A_4 = vector.load %arg1[%get3A_2, %get3A_3] : memref<20480x64xf32, #tpu.memory_space<vmem>>, vector<10000x64xf32>
    %add3A = arith.addf %get3A_1, %get3A_4 : vector<10000x64xf32>
    %get3A_5 = arith.constant 0 : index
    %get3A_6 = arith.constant 0 : index
    %get3A_7 = vector.load %arg2[%get3A_5, %get3A_6] : memref<20480x16xf32, #tpu.memory_space<vmem>>, vector<10000x1xf32>
    %get3A_8 = arith.constant 10240 : index
    %get3A_9 = arith.constant 0 : index
    %get3A_10 = vector.load %arg2[%get3A_8, %get3A_9] : memref<20480x16xf32, #tpu.memory_space<vmem>>, vector<10000x1xf32>
    %add3A_11 = arith.addf %get3A_7, %get3A_10 : vector<10000x1xf32>
    %max3A = arith.constant 1.000000e+00 : f32
    %max3A_12 = vector.broadcast %max3A : f32 to vector<10000x1xf32>
    %max3A_13 = arith.maximumf %add3A_11, %max3A_12 : vector<10000x1xf32>
    %div3A = vector.broadcast %max3A_13 : vector<10000x1xf32> to vector<10000x64xf32>
    %div3A_14 = arith.divf %add3A, %div3A : vector<10000x64xf32>
    %get3A_15 = arith.constant 0 : index
    %get3A_16 = arith.constant 0 : index
    %get3A_17 = vector.load %arg0[%get3A_15, %get3A_16] : memref<10000x64xf32, #tpu.memory_space<vmem>>, vector<10000x64xf32>
    %get3A_18 = arith.constant 0 : index
    %get3A_19 = arith.constant 0 : index
    %get3A_20 = vector.load %arg4[%get3A_18, %get3A_19] : memref<64x64xf32, #tpu.memory_space<vmem>>, vector<64x64xf32>
    %dot_general3A = arith.constant dense<0.000000e+00> : vector<10000x64xf32>
    %dot_general3A_21 = tpu.matmul %get3A_17, %get3A_20, %dot_general3A {dimension_numbers = #tpu.dot_dimension_numbers<[1], [0], [0], [1], [0, 0, 1, 1], [], []>, transpose_lhs_hint = false} : vector<10000x64xf32>, vector<64x64xf32>, vector<10000x64xf32> -> vector<10000x64xf32>
    %get3A_22 = arith.constant 0 : index
    %get3A_23 = arith.constant 0 : index
    %get3A_24 = vector.load %arg5[%get3A_22, %get3A_23] : memref<64x64xf32, #tpu.memory_space<vmem>>, vector<64x64xf32>
    %dot_general3A_25 = arith.constant dense<0.000000e+00> : vector<10000x64xf32>
    %dot_general3A_26 = tpu.matmul %div3A_14, %get3A_24, %dot_general3A_25 {dimension_numbers = #tpu.dot_dimension_numbers<[1], [0], [0], [1], [0, 0, 1, 1], [], []>, transpose_lhs_hint = false} : vector<10000x64xf32>, vector<64x64xf32>, vector<10000x64xf32> -> vector<10000x64xf32>
    %add3A_27 = arith.addf %dot_general3A_21, %dot_general3A_26 : vector<10000x64xf32>
    %get3A_28 = arith.constant 0 : index
    %get3A_29 = arith.constant 0 : index
    %get3A_30 = vector.load %arg6[%get3A_28, %get3A_29] : memref<1x64xf32, #tpu.memory_space<vmem>>, vector<1x64xf32>
    %add3A_31 = vector.broadcast %get3A_30 : vector<1x64xf32> to vector<10000x64xf32>
    %add3A_32 = arith.addf %add3A_27, %add3A_31 : vector<10000x64xf32>
    %max3A_33 = arith.constant 0.000000e+00 : f32
    %max3A_34 = vector.broadcast %max3A_33 : f32 to vector<10000x64xf32>
    %max3A_35 = arith.maximumf %add3A_32, %max3A_34 : vector<10000x64xf32>
    %iota3A = tpu.iota {dimensions = array<i32: 1>} : vector<10000x16xi32>
    %get3A_36 = arith.constant 0 : index
    %get3A_37 = arith.constant 0 : index
    %get3A_38 = vector.load %arg3[%get3A_36, %get3A_37] : memref<10000x1xi32, #tpu.memory_space<vmem>>, vector<10000x1xi32>
    %eq3A = vector.broadcast %get3A_38 : vector<10000x1xi32> to vector<10000x16xi32>
    %eq3A_39 = arith.cmpi eq, %eq3A, %iota3A : vector<10000x16xi32>
    %convert_element_type3A = arith.extui %eq3A_39 : vector<10000x16xi1> to vector<10000x16xi32>
    %convert_element_type3A_40 = arith.sitofp %convert_element_type3A : vector<10000x16xi32> to vector<10000x16xf32>
    %dot_general3A_41 = arith.constant dense<0.000000e+00> : vector<16x64xf32>
    %dot_general3A_42 = tpu.matmul %convert_element_type3A_40, %max3A_35, %dot_general3A_41 {dimension_numbers = #tpu.dot_dimension_numbers<[0], [0], [1], [1], [0, 1, 1, 1], [], []>, transpose_lhs_hint = false} : vector<10000x16xf32>, vector<10000x64xf32>, vector<16x64xf32> -> vector<16x64xf32>
    %reduce_sum3A = arith.constant dense<0.000000e+00> : vector<16xf32>
    %reduce_sum3A_43 = vector.multi_reduction <add>, %convert_element_type3A_40, %reduce_sum3A [0] : vector<10000x16xf32> to vector<16xf32>
    %broadcast_in_dim3A = vector.shape_cast %reduce_sum3A_43 : vector<16xf32> to vector<16x1xf32>
    %max3A_44 = arith.constant 1.000000e+00 : f32
    %max3A_45 = vector.broadcast %max3A_44 : f32 to vector<16x1xf32>
    %max3A_46 = arith.maximumf %broadcast_in_dim3A, %max3A_45 : vector<16x1xf32>
    %div3A_47 = vector.broadcast %max3A_46 : vector<16x1xf32> to vector<16x64xf32>
    %div3A_48 = arith.divf %dot_general3A_42, %div3A_47 : vector<16x64xf32>
    %get3A_49 = arith.constant 0 : index
    %get3A_50 = arith.constant 0 : index
    %get3A_51 = vector.load %arg7[%get3A_49, %get3A_50] : memref<64x1xf32, #tpu.memory_space<vmem>>, vector<64x1xf32>
    %dot_general3A_52 = arith.constant dense<0.000000e+00> : vector<16x1xf32>
    %dot_general3A_53 = tpu.matmul %div3A_48, %get3A_51, %dot_general3A_52 {dimension_numbers = #tpu.dot_dimension_numbers<[1], [0], [0], [1], [0, 0, 1, 1], [], []>, transpose_lhs_hint = false} : vector<16x64xf32>, vector<64x1xf32>, vector<16x1xf32> -> vector<16x1xf32>
    %get3A_54 = arith.constant 0 : index
    %get3A_55 = arith.constant 0 : index
    %get3A_56 = vector.load %arg8[%get3A_54, %get3A_55] : memref<1x1xf32, #tpu.memory_space<vmem>>, vector<1x1xf32>
    %add3A_57 = vector.broadcast %get3A_56 : vector<1x1xf32> to vector<16x1xf32>
    %add3A_58 = arith.addf %dot_general3A_53, %add3A_57 : vector<16x1xf32>
    %swap3A = arith.constant 0 : index
    %swap3A_59 = arith.constant 0 : index
    %swap3A_60 = vector.load %arg9[%swap3A, %swap3A_59] : memref<16x1xf32, #tpu.memory_space<vmem>>, vector<16x1xf32>
    tpu.vector_store %arg9[%swap3A, %swap3A_59], %add3A_58 {strides = array<i32>} : memref<16x1xf32, #tpu.memory_space<vmem>>, vector<16x1xf32>,
    return
  }
}

</mosaic_0001>

<sc_bundles>
// kernel: kernel.6.cloned.1.call-start
scs
__scs_entry_jumppad:
0x0: {  	(pc) =	sbr.rel $0x88, $3  }
0x1: {  	(tag) =	ssettag $0x0;
	lr =	simm.s32 $0x1  }
0x2: {  	[smem:$0x3F93] =	sst lr;
	_ =	strace $0xD0000000  }
0x3: {  	_ = 	snop  }
0x4: {  	_ = 	snop  }
0x5: {  	_ = 	snop  }
0x6: {  	_ = 	snop  }
0x7: {  	_ = 	snop  }
__scs_overlays_trampoline_lowered:
0x8: {  	[smem:$0x3FA2] =	sst s0  }
0x9: {  	[smem:$0x3FA3] =	sst s1  }
0xa: {  	[smem:$0x3FA4] =	sst s2  }
0xb: {  	[smem:$0x3FA5] =	sst s3  }
0xc: {  	[smem:$0x3FA6] =	sst s4  }
0xd: {  	[smem:$0x3FA7] =	sst s5  }
0xe: {  	[smem:$0x3FA8] =	sst s6  }
0xf: {  	[smem:$0x3FA9] =	sst s7  }
0x10: {  	[smem:$0x3FAA] =	sst s8  }
0x11: {  	[smem:$0x3FAB] =	sst s9;
	s0 =	simm.s32 @!p0 $0x0  }
0x12: {  	s1 =	sld [smem:$0x3F91];
	s0 =	simm.s32 @p0 $0x1  }
0x13: {  	[smem:$0x3FAC] =	sst s0;
	s0 =	simm.s32 @!p1 $0x0  }
0x14: {  	s2 =	sld [smem:$0x3F90];
	s0 =	simm.s32 @p1 $0x1  }
0x15: {  	[smem:$0x3FAD] =	sst s0;
	s0 =	simm.s32 @!p2 $0x0  }
0x16: {  	s3 =	sld [smem:$0x3FDB];
	s0 =	simm.s32 @p2 $0x1  }
0x17: {  	s4 =	simm.s32 $0x1BF5;
	[smem:$0x3FAF] =	sst s0  }
0x18: {  	s0 =	sld [smem:$0x3F92];
	_ =	swait.ge [sflag:s4], $0x0  }
0x19: {  	s7 =	sld [smem:$0x3F93]  }
0x1a: {  	s8 =	sadd.s32 $0xFFFFE003, lr  }
0x1b: {  	s9 =	sadd.s32 $0xFFFFFEF7, lr;
	s5 =	simm.s32 $0xFFFFFFFF;
	p2 =	slt.u32 s8, $0xFFFFF086  }
0x1c: {  	p1 =	slt.u32 s9, $0xF7A;
	s5 =	simm.s32 @!p2 $0x0  }
0x1d: {  	s5 =	simm.s32 @p1 $0x1;
	p0 =	seq.s32 s7, s2  }
0x1e: {  	s7 =	smul.u32 @!p0 $0xF7A, s2;
	p2 =	seq.s32 @!p0 s5, $0x0  }
0x1f: {  	s9 =	smul.u32 $0xF7A, s1;
	s8 =	simm.s32 @!p0 $0x1BF5;
	p2 =	por !p2, p0  }
0x20: {  	[sflag:s8] =	ssyncset.s32 @!p0 $0xFFFFF086;
	s6 =	sadd.s32 @!p0 s3, s7;
	s7 =	simm.s32 @!p0 $0x108  }
0x21: {  	s3 =	sadd.s32 s3, s9;
	s6 =	sadd.s32 @!p0 $0x88, s6;
	s7 =	simm.s32 @p2 $0x1082  }
0x22: {  	[simem:s7], [sflag:s8] =	dma.local @!p0 [hbm:s6], $0xF7A  }
0x23: {  	s9 =	sor.u32 $0xD0000000, s2;
	s6 =	simm.s32 $0x108;
	_ =	swait.ge @!p0 [sflag:s8], $0x0  }
0x24: {  	s3 =	sadd.s32 $0x88, s3;
	s6 =	simm.s32 @!p1 $0x1082;
	[sflag:s4] =	ssyncset.s32 $0xFFFFF086  }
0x25: {  	[simem:s6], [sflag:s4] =	dma.local [hbm:s3], $0xF7A  }
0x26: {  	[smem:$0x3F93] =	sst s1;
	(tag) =	ssettag s2;
	_ =	strace s9  }
0x27: {  	s1 =	sld [smem:$0x3FA3]  }
0x28: {  	s2 =	sld [smem:$0x3FA4]  }
0x29: {  	s4 =	sld [smem:$0x3FA6]  }
0x2a: {  	p0 =	seq.s32 s5, $0x0;
	s5 =	sld [smem:$0x3FA7]  }
0x2b: {  	s6 =	sld [smem:$0x3FA8]  }
0x2c: {  	s7 =	sld [smem:$0x3FA9]  }
0x2d: {  	s3 =	simm.s32 $0x108;
	s8 =	sld [smem:$0x3FAA]  }
0x2e: {  	s3 =	simm.s32 @!p0 $0x1082;
	s9 =	sld [smem:$0x3FAB]  }
0x2f: {  	lr =	sadd.s32 s0, s3;
	s0 =	sld [smem:$0x3FA2]  }
0x30: {  	s3 =	sld [smem:$0x3FA5]  }
0x31: {  	[smem:$0x3FAE] =	sst s10  }
0x32: {  	s10 =	sld [smem:$0x3FAC];
	_ =	sdelay $0x3  }
0x33: {  	p0 =	seq.s32 s10, $0x1;
	s10 =	sld [smem:$0x3FAE];
	_ =	sdelay $0x3  }
0x34: {  	[smem:$0x3FAE] =	sst s10  }
0x35: {  	s10 =	sld [smem:$0x3FAD];
	_ =	sdelay $0x3  }
0x36: {  	p1 =	seq.s32 s10, $0x1;
	s10 =	sld [smem:$0x3FAE];
	_ =	sdelay $0x3  }
0x37: {  	[smem:$0x3FAE] =	sst s10  }
0x38: {  	s10 =	sld [smem:$0x3FAF]  }
0x39: {  	_ = 	snop;
	(pc) =	sbr.ind lr, $3  }
0x3a: {  	_ = 	snop  }
0x3b: {  	_ = 	snop  }
0x3c: {  	p2 =	seq.s32 s10, $0x1;
	s10 =	sld [smem:$0x3FAE]  }
0x3d: {  	_ =	shalt  }
0x3e: {  	_ =	shalt  }
0x3f: {  	_ =	shalt  }
0x40: {  	_ =	shalt  }
0x41: {  	_ =	shalt  }
0x42: {  	_ =	shalt  }
0x43: {  	_ =	shalt  }
0x44: {  	_ =	shalt  }
0x45: {  	_ =	shalt  }
0x46: {  	_ =	shalt  }
0x47: {  	_ =	shalt  }
0x48: {  	_ =	shalt  }
0x49: {  	_ =	shalt  }
0x4a: {  	_ =	shalt  }
0x4b: {  	_ =	shalt  }
0x4c: {  	_ =	shalt  }
0x4d: {  	_ =	shalt  }
0x4e: {  	_ =	shalt  }
0x4f: {  	_ =	shalt  }
0x50: {  	_ =	shalt  }
0x51: {  	_ =	shalt  }
0x52: {  	_ =	shalt  }
0x53: {  	_ =	shalt  }
0x54: {  	_ =	shalt  }
0x55: {  	_ =	shalt  }
0x56: {  	_ =	shalt  }
0x57: {  	_ =	shalt  }
0x58: {  	_ =	shalt  }
0x59: {  	_ =	shalt  }
0x5a: {  	_ =	shalt  }
0x5b: {  	_ =	shalt  }
0x5c: {  	_ =	shalt  }
0x5d: {  	_ =	shalt  }
0x5e: {  	_ =	shalt  }
0x5f: {  	_ =	shalt  }
0x60: {  	_ =	shalt  }
0x61: {  	_ =	shalt  }
0x62: {  	_ =	shalt  }
0x63: {  	_ =	shalt  }
0x64: {  	_ =	shalt  }
0x65: {  	_ =	shalt  }
0x66: {  	_ =	shalt  }
0x67: {  	_ =	shalt  }
0x68: {  	_ =	shalt  }
0x69: {  	_ =	shalt  }
0x6a: {  	_ =	shalt  }
0x6b: {  	_ =	shalt  }
0x6c: {  	_ =	shalt  }
0x6d: {  	_ =	shalt  }
0x6e: {  	_ =	shalt  }
0x6f: {  	_ =	shalt  }
0x70: {  	_ =	shalt  }
0x71: {  	_ =	shalt  }
0x72: {  	_ =	shalt  }
0x73: {  	_ =	shalt  }
0x74: {  	_ =	shalt  }
0x75: {  	_ =	shalt  }
0x76: {  	_ =	shalt  }
0x77: {  	_ =	shalt  }
0x78: {  	_ =	shalt  }
0x79: {  	_ =	shalt  }
0x7a: {  	_ =	shalt  }
0x7b: {  	_ =	shalt  }
0x7c: {  	_ =	shalt  }
0x7d: {  	_ =	shalt  }
0x7e: {  	_ =	shalt  }
0x7f: {  	_ =	shalt  }
0x80: {  	_ =	shalt  }
0x81: {  	_ =	shalt  }
0x82: {  	_ =	shalt  }
0x83: {  	_ =	shalt  }
0x84: {  	_ =	shalt  }
0x85: {  	_ =	shalt  }
0x86: {  	_ =	shalt  }
0x87: {  	_ =	shalt  }
.Lfunc_end0:
.L_simem_size_0:
called_computation_lowered:
.L_overlay_start_0:
0x88: {  	s2 =	sld [smem:$0x3FD9]  }
0x89: {  	s3 =	sld [smem:$0x3FFE];
	_ =	sdelay $0x1  }
0x8a: {  	s1 =	srdreg.scid  }
0x8b: {  	s0 =	sand.u32 $0x1, s1  }
0x8c: {  	s16 =	sshll.u32 s0, $0xA;
	s2 =	sadd.s32 s3, s2  }
0x8d: {  	s2 =	sadd.s32 s2, s16  }
0x8e: {  	[smem:$0x3FBA] =	sst s2  }
0x8f: {  	_ = 	snop  }
0x90: {  	(tm) =	ssettm $0x1  }
0x91: {  	s17 =	sld [smem:$0x3FFB];
	_ =	sdelay $0x3  }
0x92: {  	_ =	strace s17  }
0x93: {  	s2 =	sld [smem:$0x3FFC];
	_ =	sdelay $0x3  }
0x94: {  	_ =	strace s2  }
0x95: {  	s2 =	sld [smem:$0x3FFD];
	_ =	sdelay $0x3  }
0x96: {  	_ =	strace s2  }
0x97: {  	_ =	strace $0x8FFFFFFF  }
0x98: {  	s18 =	sld [smem:$0x3FDB];
	_ =	sdelay $0x1  }
0x99: {  	s19 =	simm.s32 $_scs_section_size  }
0x9a: {  	s4 =	simm.s32 $_size__tile_overlayer_lowered;
	s5 =	simm.s32 $_tile_overlayer_lowered  }
0x9b: {  	s22 =	simm.s32 $0x1BFF;
	s21 =	sshll.u32 s5, $0x1;
	s2 =	sadd.s32 s19, s18  }
0x9c: {  	s6 =	simm.s32 $0x0;
	s20 =	sshll.u32 s4, $0x1;
	s4 =	sadd.s32 s21, s2  }
0x9d: {  	[timem:s6], [sflag:s22] =	dma.local [hbm:s4], s20  }
0x9e: {  	_ =	swait.ge [sflag:s22], s20  }
0x9f: {  	s3 =	ssub.s32 $0x0, s20;
	[sflag:s22] =	ssyncset.done $0x0  }
0xa0: {  	[sflag:s22] =	ssyncadd.s32 s3;
	_ =	sdelay $0x1  }
0xa1: {  	s23 =	simm.s32 $0x1B8B  }
0xa2: {  	_ =	swait.ge [sflag:s23], $0x1  }
0xa3: {  	[sflag:s23] =	ssyncset.done $0x0  }
0xa4: {  	s25 =	simm.s32 $0x1B8E;
	s24 =	sld [smem:$0x3FFE];
	[sflag:s23] =	ssyncadd.s32 $0xFFFFFFFF  }
0xa5: {  	s26 =	simm.s32 $execute0_lowered;
	[smem:$0x3FD2] =	sst s25  }
0xa6: {  	s4 =	sshll.u32 s26, $0x1;
	_ =	strace $0x80000046;
	[dreg:$0x1] =	wrdreg $0xFFFFFFFF  }
0xa7: {  	s28 =	simm.s32 $_size_execute0_lowered;
	s2 =	sadd.s32 s2, s4;
	[dreg:$0x0] =	wrdreg $0x0  }
0xa8: {  	s4 =	sshll.u32 s28, $0x1;
	[dreg:$0x2] =	wrdreg s2  }
0xa9: {  	[dreg:$0x3] =	wrdreg s4  }
0xaa: {  	[dreg:$0x4] =	wrdreg $0xC0  }
0xab: {  	_ =	task [dreg:s6], $0x5FFFF  }
0xac: {  	[dreg:$0x1] =	wrdreg $0xFFFFFFFF  }
0xad: {  	[dreg:$0x0] =	wrdreg $0x60  }
0xae: {  	[dreg:$0x2] =	wrdreg s24  }
0xaf: {  	[dreg:$0x3] =	wrdreg $0x113000  }
0xb0: {  	[dreg:$0x4] =	wrdreg $0x1B3000  }
0xb1: {  	[dreg:$0x5] =	wrdreg $0x9  }
0xb2: {  	_ =	task.clear_ibuf [dreg:s6], $0x6FFFF;
	_ =	strace $0x90000046  }
0xb3: {  	s29 =	simm.s32 $0x9;
	_ =	strace $0x80000048  }
0xb4: {  	_ =	swait.ge [sflag:s29], $0x1  }
0xb5: {  	[sflag:s29] =	ssyncadd.s32 $0xFFFFFFFF  }
0xb6: {  	_ =	strace $0x90000048  }
0xb7: {  	_ =	sfence  }
0xb8: {  	s30 =	sld [smem:$0x0];
	_ =	sdelay $0x2  }
0xb9: {  	s31 =	sshll.u32 s1, $0xD;
	s1 =	sshrl.u32 s1, $0x2  }
0xba: {  	s3 =	sand.u32 $0x4000, s31;
	s1 =	sadd.s32 s1, s30  }
0xbb: {  	s0 =	sor.u32 s3, s0;
	s1 =	sshll.u32 s1, $0x11  }
0xbc: {  	s0 =	sor.u32 s1, s0  }
0xbd: {  	s0 =	sadd.s32 $0x8F2B, s0  }
0xbe: {  	[sflag:s0] =	ssyncadd.remote.s32 $0x1  }
0xbf: {  	_ =	sfence.sel $0xFFFF  }
0xc0: {  	[dreg:$0x0] =	wrdreg $0xFFFFFFFF;
	(pc) =	sbr.abs _section_cstart, $3  }
0xc1: {  	[dreg:$0x1] =	wrdreg $0xFFFFFFFF  }
0xc2: {  	_ =	task.clear_ibuf [dreg:s6], $0x2FFFF;
	_ =	strace $0x9FFFFFFF  }
0xc3: {  	(tm) =	ssettm $0x7FFFFFFF  }
tec
execute0_lowered:
.L_overlay_start_1:
0x0: {  	(tag) =	ssettag $0x1  }
0x1: {  	s0 =	rddreg [dreg:$0x0]  }
0x2: {  	s2 =	rddreg [dreg:$0x1];
	s1 =	srdreg.scid  }
0x3: {  	s17 =	stileid.u32;
	s3 =	rddreg [dreg:$0x2];
	s4 =	simm.s32 $0x0  }
0x4: {  	s31 =	simm.s32 $0xC300;
	s29 =	simm.s32 $0x280;
	s30 =	simm.s32 $0xE300  }
0x5: {  	s1 =	sand.u32 $0x1, s1;
	s10 =	smul.u32 $0x280, s17;
	[smem:$0x7FF] =	sst s4  }
0x6: {  	s5 =	sadd.s32 $0x28C00, s0;
	s7 =	sadd.s32 $0x545C00, s0;
	s14 =	smul.u32 $0x28000, s17  }
0x7: {  	s8 =	sadd.s32 $0x532000, s0;
	s9 =	sadd.s32 $0x53BE00, s0;
	s16 =	smul.u32 $0xA000, s17  }
0x8: {  	s6 =	smul.u32 $0x2800, s1;
	s13 =	ssub.s32 $0x2, s1;
	s1 =	sshll.u32 s1, $0x4  }
0x9: {  	_ =	strace $0x80000047;
	s15 =	sshrl.u32 s13, $0x1;
	s1 =	sor.u32 s17, s1  }
0xa: {  	s18 =	sshrl.u32 s14, $0x2;
	s19 =	sshrl.u32 s16, $0x2;
	s20 =	sadd.s32 $0x80, s10  }
0xb: {  	s23 =	sadd.s32 $0x100, s10;
	s16 =	sadd.s32 $0x180, s10;
	s17 =	sor.u32 $0x9C0, s17  }
0xc: {  	s11 =	sadd.s32 s10, s6;
	s6 =	sadd.s32 $0x3C600, s0;
	s24 =	sadd.s32 s18, s2  }
0xd: {  	s25 =	sadd.s32 s19, s3;
	s21 =	sshll.u32 s20, $0x6;
	s22 =	sshll.u32 s20, $0x4  }
0xe: {  	s26 =	sshll.u32 s23, $0x6;
	s14 =	sshll.u32 s23, $0x4;
	s18 =	sshll.u32 s16, $0x6  }
0xf: {  	s10 =	sadd.s32 $0x200, s10;
	s20 =	sshll.u32 s1, $0x4;
	s23 =	sshll.u32 s1, $0xA  }
0x10: {  	p0 =	sgt.u32 s1, $0x3;
	s12 =	sshll.u32 s11, $0x3;
	[dreg:$0x4] =	wrdreg s24  }
0x11: {  	s11 =	sshll.u32 s11, $0x1;
	[dreg:$0x5] =	wrdreg s25;
	s12 =	sadd.s32 s12, s0  }
0x12: {  	s0 =	sadd.s32 s11, s0;
	s11 =	ssub.s32 s13, s15;
	s13 =	sadd.s32 s21, s2  }
0x13: {  	s19 =	sshll.u32 s10, $0x6;
	s15 =	sadd.s32 s14, s3;
	[dreg:$0x6] =	wrdreg s13  }
0x14: {  	s10 =	sshll.u32 s10, $0x4;
	s14 =	sadd.s32 s18, s2;
	[dreg:$0x9] =	wrdreg s15  }
0x15: {  	s28 =	sor.u32 $0x60, s1;
	s10 =	sadd.s32 s10, s3;
	[dreg:$0xa] =	wrdreg s14  }
0x16: {  	s21 =	sadd.s32 s8, s20;
	s18 =	sshll.u32 s17, $0x4;
	[dreg:$0xd] =	wrdreg s10  }
0x17: {  	s13 =	sadd.s32 s22, s3;
	[dreg:$0xe] =	wrdreg s21;
	s22 =	sor.u32 $0x20, s1  }
0x18: {  	s21 =	sadd.s32 s9, s18;
	s0 =	sadd.s32 $0x78000, s0;
	[dreg:$0x7] =	wrdreg s13  }
0x19: {  	s14 =	simm.s32 $0x80;
	s13 =	sadd.s32 s26, s2;
	[dreg:$0x15] =	wrdreg s21  }
0x1a: {  	s26 =	sshll.u32 s22, $0x4;
	s10 =	sshll.u32 s22, $0xA;
	[dreg:$0x18] =	wrdreg s0  }
0x1b: {  	s22 =	sadd.s32 $0x50000, s12;
	s0 =	simm.s32 $0x9;
	[dreg:$0x8] =	wrdreg s13  }
0x1c: {  	s21 =	simm.s32 $0x200;
	s15 =	sadd.s32 s8, s26;
	[dreg:$0x17] =	wrdreg s22  }
0x1d: {  	s13 =	sshll.u32 s16, $0x4;
	s16 =	sadd.s32 s9, s26;
	[dreg:$0x11] =	wrdreg s15  }
0x1e: {  	s10 =	sadd.s32 s7, s10;
	s26 =	sor.u32 $0x40, s1;
	[dreg:$0x12] =	wrdreg s16  }
0x1f: {  	s22 =	simm.s32 $0x10300;
	s13 =	sadd.s32 s13, s3;
	[dreg:$0x13] =	wrdreg s10  }
0x20: {  	s15 =	simm.s32 $0x180;
	s16 =	simm.s32 $0x0;
	[dreg:$0xb] =	wrdreg s13  }
0x21: {  	s13 =	sadd.s32 s19, s2;
	s19 =	sshll.u32 s17, $0xA;
	s17 =	simm.s32 $0x1  }
0x22: {  	[dreg:$0xc] =	wrdreg s13;
	s13 =	sadd.s32 s9, s20;
	s20 =	sadd.s32 s8, s18  }
.Ltmp0:
0x23: {  	s1 =	sadd.s32 s7, s19;
	[dreg:$0xf] =	wrdreg s13;
	(pc) =	sbr.rel .LBB2_1-.Ltmp0, $4  }
0x24: {  	s18 =	simm.s32 $0x300;
	s19 =	simm.s32 $0x4300;
	[dreg:$0x14] =	wrdreg s20  }
0x25: {  	s13 =	sadd.s32 s7, s23;
	[dreg:$0x16] =	wrdreg s1;
	s23 =	smax.u32 s11, $0x1  }
0x26: {  	s20 =	simm.s32 $0x3;
	s1 =	simm.s32 $0x4;
	[dreg:$0x10] =	wrdreg s13  }
0x27: {  	v0 =	vimm.f32 $0.0e+00;
	v1 =	vimm.f32 $1.000000000e+00;
	[dreg:$0x19] =	wrdreg s23;
	s13 =	simm.s32 $0x100;
	s23 =	simm.s32 $0x2  }
.LBB2_14:
0x28: {  	s10 =	stileid.u32  }
0x29: {  	[bflag:$0x0] =	sbarrier.arrive $0xFFFF;
	s10 =	sshll.u32 s10, $0x6  }
0x2a: {  	s11 =	sshrl.u32 s24, $0x3;
	s12 =	rddreg [dreg:$0x17];
	s10 =	sor.u32 $0x1C09, s10  }
0x2b: {  	[hbm:s12], [sflag:s10] =	dma.local [spmem:s11], $0x1400  }
0x2c: {  	_ =	swait.ge [sflag:s0], $0x1400  }
0x2d: {  	[sflag:s0] =	ssyncset.done $0x0  }
0x2e: {  	s11 =	sshrl.u32 s25, $0x3;
	s12 =	rddreg [dreg:$0x18];
	[sflag:s0] =	ssyncadd.s32 $0xFFFFEC00  }
0x2f: {  	[hbm:s12], [sflag:s10] =	dma.local [spmem:s11], $0x500  }
0x30: {  	_ =	swait.ge [sflag:s0], $0x500  }
0x31: {  	s16 =	sadd.s32 $0x1, s16;
	s12 =	rddreg [dreg:$0x19]  }
0x32: {  	p1 =	sne.s32 s16, s12  }
.Ltmp1:
0x33: {  	_ = 	snop;
	(pc) =	sbr.rel @!p1 .LBB2_15-.Ltmp1, $3  }
0x34: {  	_ =	sdelay $0x1  }
0x35: {  	[sflag:s0] =	ssyncset.done $0x0  }
0x36: {  	[sflag:s0] =	ssyncadd.s32 $0xFFFFFB00  }
.LBB2_1:
0x37: {  	s10 =	simm.s32 $0xC320  }
0x38: {  	[tilespmem:s10+$0xFFFFFFE0] =	vst v0  }
0x39: {  	[tilespmem:s10+$0x10] =	vst v0  }
0x3a: {  	[tilespmem:s10+$0x0] =	vst v0  }
0x3b: {  	[dreg:$0x1a] =	wrdreg s16;
	s11 =	simm.s32 $0x40;
	s12 =	simm.s32 $0x0;
	[tilespmem:s10+$0xFFFFFFF0] =	vst v0  }
.LBB2_2:
0x3c: {  	p1 =	sne.s32 s11, $0x1FC0  }
0x3d: {  	[tilespmem:s12+$0x10B00] =	vst v0;
	s10 =	sadd.s32 $0x40, s10;
	s16 =	smov.u32 s11;
	s11 =	sadd.s32 $0x40, s11  }
.Ltmp2:
0x3e: {  	[tilespmem:s12+$0x10300] =	vst v1;
	(pc) =	sbr.rel @p1 .LBB2_2-.Ltmp2, $4  }
0x3f: {  	[tilespmem:s10+$0xFFFFFFE0] =	vst v0  }
0x40: {  	[tilespmem:s10+$0x10] =	vst v0  }
0x41: {  	[tilespmem:s10+$0x0] =	vst v0  }
0x42: {  	s12 =	sshra.s32 s16, $0x2;
	[tilespmem:s10+$0xFFFFFFF0] =	vst v0  }
0x43: {  	[tilespmem:s12+$0x10B00] =	vst v0  }
0x44: {  	[tilespmem:s12+$0x10300] =	vst v1  }
0x45: {  	[spmem:s24] =	stream.linear.scatter [tilespmem:s31], [sflag:$0x9], $0x2000, $0x38;
	[tilespmem:$0x1DB00] =	vst v63  }
0x46: {  	_ =	swait.ge [sflag:s0], $0x2000  }
0x47: {  	[sflag:s0] =	ssyncset.done $0x0  }
0x48: {  	s11 =	simm.s32 $0x10B00;
	[sflag:s0] =	ssyncadd.s32 $0xFFFFE000  }
0x49: {  	[spmem:s25] =	stream.linear.scatter [tilespmem:s11], [sflag:$0x9], $0x800, $0x38;
	[tilespmem:$0x1DB00] =	vst v63  }
0x4a: {  	_ =	swait.ge [sflag:s0], $0x800  }
0x4b: {  	[sflag:s0] =	ssyncset.done $0x0  }
0x4c: {  	s10 =	rddreg [dreg:$0x6];
	[sflag:s0] =	ssyncadd.s32 $0xFFFFF800  }
0x4d: {  	[spmem:s10] =	stream.linear.scatter [tilespmem:s31], [sflag:$0x9], $0x2000, $0x38;
	[tilespmem:$0x1DB00] =	vst v63  }
0x4e: {  	_ =	swait.ge [sflag:s0], $0x2000  }
0x4f: {  	[sflag:s0] =	ssyncset.done $0x0  }
0x50: {  	s16 =	rddreg [dreg:$0x7];
	[sflag:s0] =	ssyncadd.s32 $0xFFFFE000  }
0x51: {  	[spmem:s16] =	stream.linear.scatter [tilespmem:s11], [sflag:$0x9], $0x800, $0x38;
	[tilespmem:$0x1DB00] =	vst v63  }
0x52: {  	_ =	swait.ge [sflag:s0], $0x800  }
0x53: {  	[sflag:s0] =	ssyncset.done $0x0  }
0x54: {  	s24 =	rddreg [dreg:$0x8];
	[sflag:s0] =	ssyncadd.s32 $0xFFFFF800  }
0x55: {  	[spmem:s24] =	stream.linear.scatter [tilespmem:s31], [sflag:$0x9], $0x2000, $0x38;
	[tilespmem:$0x1DB00] =	vst v63  }
0x56: {  	_ =	swait.ge [sflag:s0], $0x2000  }
0x57: {  	[sflag:s0] =	ssyncset.done $0x0  }
0x58: {  	s25 =	rddreg [dreg:$0x9];
	[sflag:s0] =	ssyncadd.s32 $0xFFFFE000  }
0x59: {  	[spmem:s25] =	stream.linear.scatter [tilespmem:s11], [sflag:$0x9], $0x800, $0x38;
	[tilespmem:$0x1DB00] =	vst v63  }
0x5a: {  	_ =	swait.ge [sflag:s0], $0x800  }
0x5b: {  	[sflag:s0] =	ssyncset.done $0x0  }
0x5c: {  	s12 =	rddreg [dreg:$0xa];
	[sflag:s0] =	ssyncadd.s32 $0xFFFFF800  }
0x5d: {  	[spmem:s12] =	stream.linear.scatter [tilespmem:s31], [sflag:$0x9], $0x2000, $0x38;
	[tilespmem:$0x1DB00] =	vst v63  }
0x5e: {  	_ =	swait.ge [sflag:s0], $0x2000  }
0x5f: {  	[sflag:s0] =	ssyncset.done $0x0  }
0x60: {  	s16 =	rddreg [dreg:$0xb];
	[sflag:s0] =	ssyncadd.s32 $0xFFFFE000  }
0x61: {  	[spmem:s16] =	stream.linear.scatter [tilespmem:s11], [sflag:$0x9], $0x800, $0x38;
	[tilespmem:$0x1DB00] =	vst v63  }
0x62: {  	_ =	swait.ge [sflag:s0], $0x800  }
0x63: {  	[sflag:s0] =	ssyncset.done $0x0  }
0x64: {  	s24 =	rddreg [dreg:$0xc];
	[sflag:s0] =	ssyncadd.s32 $0xFFFFF800  }
0x65: {  	[spmem:s24] =	stream.linear.scatter [tilespmem:s31], [sflag:$0x9], $0x2000, $0x38;
	[tilespmem:$0x1DB00] =	vst v63  }
0x66: {  	_ =	swait.ge [sflag:s0], $0x2000  }
0x67: {  	[sflag:s0] =	ssyncset.done $0x0  }
0x68: {  	s25 =	rddreg [dreg:$0xd];
	[sflag:s0] =	ssyncadd.s32 $0xFFFFE000  }
0x69: {  	[spmem:s25] =	stream.linear.scatter [tilespmem:s11], [sflag:$0x9], $0x800, $0x38;
	[tilespmem:$0x1DB00] =	vst v63  }
0x6a: {  	_ =	swait.ge [sflag:s0], $0x800  }
0x6b: {  	[sflag:s0] =	ssyncset.done $0x0  }
0x6c: {  	[sflag:s0] =	ssyncadd.s32 $0xFFFFF800  }
0x6d: {  	[bflag:$0x0] =	sbarrier.arrive $0xFFFF  }
0x6e: {  	s11 =	simm.s32 $0x0;
	s12 =	rddreg [dreg:$0xe]  }
0x6f: {  	[tilespmem:s11], [sflag:$0x1] =	stream.linear.gather [hbm4b:s12+s11], $0x80, $0x38;
	[tilespmem:$0x1DB00] =	vst v63  }
0x70: {  	s16 =	rddreg [dreg:$0xf]  }
0x71: {  	[tilespmem:s13], [sflag:$0x1] =	stream.linear.gather [hbm4b:s16+s11], $0x80, $0x38;
	[tilespmem:$0x1DB00] =	vst v63  }
0x72: {  	s25 =	simm.s32 $0x8300;
	s24 =	rddreg [dreg:$0x10]  }
0x73: {  	[tilespmem:s25], [sflag:$0x1] =	stream.linear.gather [hbm4b:s24+s11], $0x2000, $0x38;
	[tilespmem:$0x1DB00] =	vst v63  }
0x74: {  	s12 =	rddreg [dreg:$0x11]  }
0x75: {  	[tilespmem:s14], [sflag:$0x2] =	stream.linear.gather [hbm4b:s12+s11], $0x80, $0x38;
	[tilespmem:$0x1DB00] =	vst v63  }
0x76: {  	s16 =	rddreg [dreg:$0x12]  }
0x77: {  	[tilespmem:s15], [sflag:$0x2] =	stream.linear.gather [hbm4b:s16+s11], $0x80, $0x38;
	[tilespmem:$0x1DB00] =	vst v63  }
0x78: {  	s24 =	rddreg [dreg:$0x13];
	s25 =	simm.s32 $0xA300  }
0x79: {  	[tilespmem:s25], [sflag:$0x2] =	stream.linear.gather [hbm4b:s24+s11], $0x2000, $0x38;
	[tilespmem:$0x1DB00] =	vst v63  }
0x7a: {  	_ =	swait.ge [sflag:s17], $0x80  }
0x7b: {  	[sflag:s17] =	ssyncset.done $0x0  }
0x7c: {  	[sflag:s17] =	ssyncadd.s32 $0xFFFFFF80  }
0x7d: {  	_ =	swait.ge [sflag:s17], $0x80  }
0x7e: {  	[sflag:s17] =	ssyncset.done $0x0  }
0x7f: {  	[sflag:s17] =	ssyncadd.s32 $0xFFFFFF80  }
0x80: {  	_ =	swait.ge [sflag:s17], $0x2000  }
0x81: {  	[sflag:s17] =	ssyncset.done $0x0  }
0x82: {  	[sflag:s17] =	ssyncadd.s32 $0xFFFFE000  }
0x83: {  	[tilespmem:s18], [sflag:$0x3] =	stream.indirect.gather [hbm4b:s5+s14], $0x40, s11, s14, $0xb8;
	[tilespmem:$0x1DB00] =	vst v63  }
0x84: {  	_ = 	snop  }
0x85: {  	[tilespmem:s19], [sflag:$0x3] =	stream.indirect.gather [hbm4b:s6+s14], $0x40, s13, s14, $0xb8;
	[tilespmem:$0x1DB00] =	vst v63  }
.LBB2_4:
0x86: {  	_ =	swait.ge [sflag:s20], $0x2000  }
0x87: {  	[sflag:s20] =	ssyncset.done $0x0  }
0x88: {  	[sflag:s20] =	ssyncadd.s32 $0xFFFFE000  }
0x89: {  	_ =	swait.ge [sflag:s20], $0x2000  }
0x8a: {  	p1 =	seq.s32 s11, $0x0;
	[sflag:s20] =	ssyncset.done $0x0  }
0x8b: {  	s10 =	simm.s32 @!p1 $0x5;
	[sflag:s20] =	ssyncadd.s32 $0xFFFFE000  }
0x8c: {  	_ =	swait.ge @!p1 [sflag:s10], $0x2000  }
0x8d: {  	[sflag:s10] =	ssyncset.done @!p1 $0x0  }
0x8e: {  	[sflag:s10] =	ssyncadd.s32 @!p1 $0xFFFFE000;
	s10 =	simm.s32 @!p1 $0x7  }
0x8f: {  	_ =	swait.ge @!p1 [sflag:s10], $0x800  }
0x90: {  	[sflag:s10] =	ssyncset.done @!p1 $0x0  }
0x91: {  	[sflag:s10] =	ssyncadd.s32 @!p1 $0xFFFFF800;
	s10 =	simm.s32 $0x0  }
0x92: {  	v2 =	vld [tilespmem:s10+$0x300]  }
0x93: {  	v3 =	vld [tilespmem:s10+$0x4300]  }
0x94: {  	s16 =	simm.s32 $0x8340  }
0x95: {  	v4 =	vld [tilespmem:s16+$0xFFFFFFC0];
	_ =	sdelay $0x2  }
0x96: {  	v2 =	vadd.f32 v3, v2;
	_ =	sdelay $0x1  }
0x97: {  	v2 =	vadd.f32 v4, v2  }
0x98: {  	v3 =	vld [tilespmem:s10+$0x1300]  }
0x99: {  	v4 =	vld [tilespmem:s10+$0x5300];
	v2 =	vmax.f32 v2, $0.0e+00  }
0x9a: {  	[tilespmem:s10+$0xC300] =	vst v2  }
0x9b: {  	v2 =	vld [tilespmem:s16+$0x0];
	_ =	sdelay $0x2  }
0x9c: {  	v3 =	vadd.f32 v4, v3;
	_ =	sdelay $0x1  }
0x9d: {  	v2 =	vadd.f32 v2, v3  }
0x9e: {  	v4 =	vld [tilespmem:s10+$0x4310]  }
0x9f: {  	v3 =	vld [tilespmem:s10+$0x310];
	v2 =	vmax.f32 v2, $0.0e+00  }
0xa0: {  	[tilespmem:s10+$0xD300] =	vst v2  }
0xa1: {  	v2 =	vld [tilespmem:s16+$0xFFFFFFD0];
	_ =	sdelay $0x2  }
0xa2: {  	v3 =	vadd.f32 v4, v3;
	_ =	sdelay $0x1  }
0xa3: {  	v2 =	vadd.f32 v2, v3  }
0xa4: {  	v4 =	vld [tilespmem:s10+$0x5310]  }
0xa5: {  	v3 =	vld [tilespmem:s10+$0x1310];
	v2 =	vmax.f32 v2, $0.0e+00  }
0xa6: {  	[tilespmem:s10+$0xC310] =	vst v2  }
0xa7: {  	v2 =	vld [tilespmem:s16+$0x10];
	_ =	sdelay $0x2  }
0xa8: {  	v3 =	vadd.f32 v4, v3;
	_ =	sdelay $0x1  }
0xa9: {  	v2 =	vadd.f32 v2, v3  }
0xaa: {  	v4 =	vld [tilespmem:s10+$0x4320]  }
0xab: {  	v3 =	vld [tilespmem:s10+$0x320];
	v2 =	vmax.f32 v2, $0.0e+00  }
0xac: {  	[tilespmem:s10+$0xD310] =	vst v2  }
0xad: {  	v2 =	vld [tilespmem:s16+$0xFFFFFFE0];
	_ =	sdelay $0x2  }
0xae: {  	v3 =	vadd.f32 v4, v3;
	_ =	sdelay $0x1  }
0xaf: {  	v2 =	vadd.f32 v2, v3  }
0xb0: {  	v4 =	vld [tilespmem:s10+$0x5320]  }
0xb1: {  	v3 =	vld [tilespmem:s10+$0x1320];
	v2 =	vmax.f32 v2, $0.0e+00  }
0xb2: {  	[tilespmem:s10+$0xC320] =	vst v2  }
0xb3: {  	v2 =	vld [tilespmem:s16+$0x20];
	_ =	sdelay $0x2  }
0xb4: {  	v3 =	vadd.f32 v4, v3;
	_ =	sdelay $0x1  }
0xb5: {  	v2 =	vadd.f32 v2, v3  }
0xb6: {  	v4 =	vld [tilespmem:s10+$0x4330]  }
0xb7: {  	v3 =	vld [tilespmem:s10+$0x330];
	v2 =	vmax.f32 v2, $0.0e+00  }
0xb8: {  	[tilespmem:s10+$0xD320] =	vst v2  }
0xb9: {  	v2 =	vld [tilespmem:s16+$0xFFFFFFF0];
	_ =	sdelay $0x2  }
0xba: {  	v3 =	vadd.f32 v4, v3;
	_ =	sdelay $0x1  }
0xbb: {  	v2 =	vadd.f32 v2, v3  }
0xbc: {  	v4 =	vld [tilespmem:s10+$0x5330]  }
0xbd: {  	v3 =	vld [tilespmem:s10+$0x1330];
	v2 =	vmax.f32 v2, $0.0e+00  }
0xbe: {  	[tilespmem:s10+$0xC330] =	vst v2  }
0xbf: {  	v2 =	vld [tilespmem:s16+$0x30];
	_ =	sdelay $0x2  }
0xc0: {  	v3 =	vadd.f32 v4, v3;
	_ =	sdelay $0x1  }
0xc1: {  	s25 =	simm.s32 $0x40;
	v3 =	vadd.f32 v2, v3  }
0xc2: {  	s12 =	sshll.u32 s11, $0x6;
	s24 =	simm.s32 $0x200;
	v2 =	vld [tilespmem:s25+$0x300]  }
.LBB2_5:
0xc3: {  	p2 =	sne.s32 s24, $0x3F00;
	v4 =	vld [tilespmem:s25+$0x4300];
	v3 =	vmax.f32 v3, $0.0e+00  }
0xc4: {  	s16 =	sadd.s32 $0x80, s16;
	[tilespmem:s10+$0xD330] =	vst v3;
	s10 =	smov.u32 s25  }
0xc5: {  	v3 =	vld [tilespmem:s16+$0xFFFFFFC0];
	_ =	sdelay $0x2  }
0xc6: {  	v2 =	vadd.f32 v4, v2;
	_ =	sdelay $0x1  }
0xc7: {  	v2 =	vadd.f32 v3, v2  }
0xc8: {  	v3 =	vld [tilespmem:s10+$0x1300]  }
0xc9: {  	v2 =	vmax.f32 v2, $0.0e+00;
	v4 =	vld [tilespmem:s10+$0x5300]  }
0xca: {  	[tilespmem:s10+$0xC300] =	vst v2  }
0xcb: {  	v2 =	vld [tilespmem:s16+$0x0];
	_ =	sdelay $0x2  }
0xcc: {  	v3 =	vadd.f32 v4, v3;
	_ =	sdelay $0x1  }
0xcd: {  	v2 =	vadd.f32 v2, v3  }
0xce: {  	v3 =	vld [tilespmem:s10+$0x310]  }
0xcf: {  	v2 =	vmax.f32 v2, $0.0e+00;
	v4 =	vld [tilespmem:s10+$0x4310]  }
0xd0: {  	[tilespmem:s10+$0xD300] =	vst v2  }
0xd1: {  	v2 =	vld [tilespmem:s16+$0xFFFFFFD0];
	_ =	sdelay $0x2  }
0xd2: {  	v3 =	vadd.f32 v4, v3;
	_ =	sdelay $0x1  }
0xd3: {  	v2 =	vadd.f32 v2, v3  }
0xd4: {  	v3 =	vld [tilespmem:s10+$0x1310]  }
0xd5: {  	v2 =	vmax.f32 v2, $0.0e+00;
	v4 =	vld [tilespmem:s10+$0x5310]  }
0xd6: {  	[tilespmem:s10+$0xC310] =	vst v2  }
0xd7: {  	v2 =	vld [tilespmem:s16+$0x10];
	_ =	sdelay $0x2  }
0xd8: {  	v3 =	vadd.f32 v4, v3;
	_ =	sdelay $0x1  }
0xd9: {  	v2 =	vadd.f32 v2, v3  }
0xda: {  	v3 =	vld [tilespmem:s10+$0x320]  }
0xdb: {  	v2 =	vmax.f32 v2, $0.0e+00;
	v4 =	vld [tilespmem:s10+$0x4320]  }
0xdc: {  	[tilespmem:s10+$0xD310] =	vst v2  }
0xdd: {  	v2 =	vld [tilespmem:s16+$0xFFFFFFE0];
	_ =	sdelay $0x2  }
0xde: {  	v3 =	vadd.f32 v4, v3;
	_ =	sdelay $0x1  }
0xdf: {  	v2 =	vadd.f32 v2, v3  }
0xe0: {  	v3 =	vld [tilespmem:s10+$0x1320]  }
0xe1: {  	v2 =	vmax.f32 v2, $0.0e+00;
	v4 =	vld [tilespmem:s10+$0x5320]  }
0xe2: {  	[tilespmem:s10+$0xC320] =	vst v2  }
0xe3: {  	v2 =	vld [tilespmem:s16+$0x20];
	_ =	sdelay $0x2  }
0xe4: {  	v3 =	vadd.f32 v4, v3;
	_ =	sdelay $0x1  }
0xe5: {  	v2 =	vadd.f32 v2, v3  }
0xe6: {  	v3 =	vld [tilespmem:s10+$0x330]  }
0xe7: {  	v2 =	vmax.f32 v2, $0.0e+00;
	v4 =	vld [tilespmem:s10+$0x4330]  }
0xe8: {  	[tilespmem:s10+$0xD320] =	vst v2  }
0xe9: {  	v2 =	vld [tilespmem:s16+$0xFFFFFFF0];
	_ =	sdelay $0x2  }
0xea: {  	v3 =	vadd.f32 v4, v3;
	_ =	sdelay $0x1  }
0xeb: {  	v2 =	vadd.f32 v2, v3  }
0xec: {  	v3 =	vld [tilespmem:s10+$0x1330]  }
0xed: {  	v2 =	vmax.f32 v2, $0.0e+00;
	v4 =	vld [tilespmem:s10+$0x5330]  }
0xee: {  	[tilespmem:s10+$0xC330] =	vst v2  }
0xef: {  	v2 =	vld [tilespmem:s16+$0x30];
	_ =	sdelay $0x1  }
.Ltmp3:
0xf0: {  	(pc) =	sbr.rel @p2 .LBB2_5-.Ltmp3, $3  }
0xf1: {  	v3 =	vadd.f32 v4, v3;
	_ =	sdelay $0x1  }
0xf2: {  	s25 =	sshra.s32 s24, $0x2;
	v3 =	vadd.f32 v2, v3  }
0xf3: {  	s24 =	sadd.s32 $0x100, s24;
	v2 =	vld [tilespmem:s25+$0x300]  }
0xf4: {  	v4 =	vld [tilespmem:s25+$0x4300];
	v3 =	vmax.f32 v3, $0.0e+00  }
0xf5: {  	s16 =	sadd.s32 $0x80, s16;
	[tilespmem:s10+$0xD330] =	vst v3  }
0xf6: {  	v3 =	vld [tilespmem:s16+$0xFFFFFFC0];
	_ =	sdelay $0x2  }
0xf7: {  	v2 =	vadd.f32 v4, v2;
	_ =	sdelay $0x1  }
0xf8: {  	v2 =	vadd.f32 v3, v2  }
0xf9: {  	v4 =	vld [tilespmem:s25+$0x5300]  }
0xfa: {  	v3 =	vld [tilespmem:s25+$0x1300];
	v2 =	vmax.f32 v2, $0.0e+00  }
0xfb: {  	[tilespmem:s25+$0xC300] =	vst v2  }
0xfc: {  	v2 =	vld [tilespmem:s16+$0x0];
	_ =	sdelay $0x2  }
0xfd: {  	v3 =	vadd.f32 v4, v3;
	_ =	sdelay $0x1  }
0xfe: {  	v2 =	vadd.f32 v2, v3  }
0xff: {  	v4 =	vld [tilespmem:s25+$0x4310]  }
0x100: {  	v3 =	vld [tilespmem:s25+$0x310];
	v2 =	vmax.f32 v2, $0.0e+00  }
0x101: {  	[tilespmem:s25+$0xD300] =	vst v2  }
0x102: {  	v2 =	vld [tilespmem:s16+$0xFFFFFFD0];
	_ =	sdelay $0x2  }
0x103: {  	v3 =	vadd.f32 v4, v3;
	_ =	sdelay $0x1  }
0x104: {  	v2 =	vadd.f32 v2, v3  }
0x105: {  	v4 =	vld [tilespmem:s25+$0x5310]  }
0x106: {  	v3 =	vld [tilespmem:s25+$0x1310];
	v2 =	vmax.f32 v2, $0.0e+00  }
0x107: {  	[tilespmem:s25+$0xC310] =	vst v2  }
0x108: {  	v2 =	vld [tilespmem:s16+$0x10];
	_ =	sdelay $0x2  }
0x109: {  	v3 =	vadd.f32 v4, v3;
	_ =	sdelay $0x1  }
0x10a: {  	v2 =	vadd.f32 v2, v3  }
0x10b: {  	v4 =	vld [tilespmem:s25+$0x4320]  }
0x10c: {  	v3 =	vld [tilespmem:s25+$0x320];
	v2 =	vmax.f32 v2, $0.0e+00  }
0x10d: {  	[tilespmem:s25+$0xD310] =	vst v2  }
0x10e: {  	v2 =	vld [tilespmem:s16+$0xFFFFFFE0];
	_ =	sdelay $0x2  }
0x10f: {  	v3 =	vadd.f32 v4, v3;
	_ =	sdelay $0x1  }
0x110: {  	v2 =	vadd.f32 v2, v3  }
0x111: {  	v4 =	vld [tilespmem:s25+$0x5320]  }
0x112: {  	v3 =	vld [tilespmem:s25+$0x1320];
	v2 =	vmax.f32 v2, $0.0e+00  }
0x113: {  	[tilespmem:s25+$0xC320] =	vst v2  }
0x114: {  	v2 =	vld [tilespmem:s16+$0x20];
	_ =	sdelay $0x2  }
0x115: {  	v3 =	vadd.f32 v4, v3;
	_ =	sdelay $0x1  }
0x116: {  	v2 =	vadd.f32 v2, v3  }
0x117: {  	v4 =	vld [tilespmem:s25+$0x4330]  }
0x118: {  	v3 =	vld [tilespmem:s25+$0x330];
	v2 =	vmax.f32 v2, $0.0e+00  }
0x119: {  	[tilespmem:s25+$0xD320] =	vst v2  }
0x11a: {  	v2 =	vld [tilespmem:s16+$0xFFFFFFF0];
	_ =	sdelay $0x2  }
0x11b: {  	v3 =	vadd.f32 v4, v3;
	_ =	sdelay $0x1  }
0x11c: {  	v2 =	vadd.f32 v2, v3  }
0x11d: {  	v4 =	vld [tilespmem:s25+$0x5330]  }
0x11e: {  	v3 =	vld [tilespmem:s25+$0x1330];
	v2 =	vmax.f32 v2, $0.0e+00  }
0x11f: {  	[tilespmem:s25+$0xC330] =	vst v2  }
0x120: {  	v2 =	vld [tilespmem:s16+$0x30];
	_ =	sdelay $0x2  }
0x121: {  	v3 =	vadd.f32 v4, v3;
	_ =	sdelay $0x1  }
0x122: {  	v2 =	vadd.f32 v2, v3;
	_ =	sdelay $0x1  }
0x123: {  	v2 =	vmax.f32 v2, $0.0e+00  }
0x124: {  	[tilespmem:s25+$0xD330] =	vst v2  }
0x125: {  	v2 =	vld [tilespmem:$0x0]  }
0x126: {  	v3 =	vld [tilespmem:$0x10]  }
0x127: {  	v4 =	vld [tilespmem:$0x20]  }
0x128: {  	v5 =	vld [tilespmem:$0x30]  }
0x129: {  	v6 =	vld [tilespmem:$0x40]  }
0x12a: {  	[tilespmem:$0x200] =	vst v2;
	v2 =	vld [tilespmem:$0x50]  }
0x12b: {  	[tilespmem:$0x210] =	vst v3;
	v3 =	vld [tilespmem:$0x60]  }
0x12c: {  	[tilespmem:$0x220] =	vst v4;
	v4 =	vld [tilespmem:$0x70]  }
0x12d: {  	[tilespmem:$0x230] =	vst v5  }
0x12e: {  	[tilespmem:$0x240] =	vst v6  }
0x12f: {  	[tilespmem:$0x250] =	vst v2  }
0x130: {  	p2 =	seq.s32 s11, $0x26;
	[tilespmem:$0x260] =	vst v3  }
0x131: {  	s10 =	sadd.s32 @!p2 s26, s12;
	[tilespmem:$0x270] =	vst v4  }
0x132: {  	[spmem:s2] =	stream.indirect.scatter.add.f32 [tilespmem:s31], [sflag:$0x5], $0x40, s21, s14, $0xb8;
	[tilespmem:$0x1DB00] =	vst v63  }
0x133: {  	s16 =	sshll.u32 @!p2 s10, $0x4  }
0x134: {  	[spmem:s3] =	stream.indirect.scatter.add.f32 [tilespmem:s22], [sflag:$0x7], $0x10, s21, s14, $0xb8;
	[tilespmem:$0x1DB00] =	vst v63  }
0x135: {  	s24 =	sadd.s32 @!p2 s8, s16;
	s25 =	simm.s32 @!p2 $0x0  }
0x136: {  	[tilespmem:s25], [sflag:$0x1] =	stream.linear.gather @!p2 [hbm4b:s24+s25], $0x80, $0x38;
	[tilespmem:$0x1DB00] =	vst v63  }
0x137: {  	s10 =	sshll.u32 @!p2 s10, $0xA;
	s16 =	sadd.s32 @!p2 s9, s16;
	s24 =	simm.s32 @!p2 $0x100  }
0x138: {  	[tilespmem:s24], [sflag:$0x1] =	stream.linear.gather @!p2 [hbm4b:s16+s25], $0x80, $0x38;
	[tilespmem:$0x1DB00] =	vst v63  }
0x139: {  	s10 =	sadd.s32 @!p2 s7, s10;
	s16 =	simm.s32 @!p2 $0x8300  }
0x13a: {  	[tilespmem:s16], [sflag:$0x1] =	stream.linear.gather @!p2 [hbm4b:s10+s25], $0x2000, $0x38;
	[tilespmem:$0x1DB00] =	vst v63  }
0x13b: {  	_ =	swait.ge [sflag:s23], $0x80  }
0x13c: {  	[sflag:s23] =	ssyncset.done $0x0  }
0x13d: {  	[sflag:s23] =	ssyncadd.s32 $0xFFFFFF80  }
0x13e: {  	_ =	swait.ge [sflag:s23], $0x80  }
0x13f: {  	[sflag:s23] =	ssyncset.done $0x0  }
0x140: {  	[sflag:s23] =	ssyncadd.s32 $0xFFFFFF80  }
0x141: {  	_ =	swait.ge [sflag:s23], $0x2000  }
0x142: {  	[sflag:s23] =	ssyncset.done $0x0  }
0x143: {  	s24 =	simm.s32 $0x2300;
	[sflag:s23] =	ssyncadd.s32 $0xFFFFE000  }
0x144: {  	[tilespmem:s24], [sflag:$0x4] =	stream.indirect.gather [hbm4b:s5+s14], $0x40, s14, s14, $0xb8;
	[tilespmem:$0x1DB00] =	vst v63  }
0x145: {  	s25 =	simm.s32 $0x6300  }
0x146: {  	[tilespmem:s25], [sflag:$0x4] =	stream.indirect.gather [hbm4b:s6+s14], $0x40, s15, s14, $0xb8;
	[tilespmem:$0x1DB00] =	vst v63  }
0x147: {  	_ =	swait.ge [sflag:s1], $0x2000  }
0x148: {  	[sflag:s1] =	ssyncset.done $0x0  }
0x149: {  	[sflag:s1] =	ssyncadd.s32 $0xFFFFE000  }
0x14a: {  	_ =	swait.ge [sflag:s1], $0x2000  }
0x14b: {  	[sflag:s1] =	ssyncset.done $0x0  }
0x14c: {  	s10 =	simm.s32 @!p1 $0x6;
	[sflag:s1] =	ssyncadd.s32 $0xFFFFE000  }
0x14d: {  	_ =	swait.ge @!p1 [sflag:s10], $0x2000  }
0x14e: {  	[sflag:s10] =	ssyncset.done @!p1 $0x0  }
0x14f: {  	[sflag:s10] =	ssyncadd.s32 @!p1 $0xFFFFE000;
	s10 =	simm.s32 @!p1 $0x8  }
0x150: {  	_ =	swait.ge @!p1 [sflag:s10], $0x800  }
0x151: {  	[sflag:s10] =	ssyncset.done @!p1 $0x0  }
0x152: {  	[sflag:s10] =	ssyncadd.s32 @!p1 $0xFFFFF800;
	s10 =	simm.s32 $0x0  }
0x153: {  	v2 =	vld [tilespmem:s10+$0x2300]  }
0x154: {  	v3 =	vld [tilespmem:s10+$0x6300]  }
0x155: {  	s16 =	simm.s32 $0xA340  }
0x156: {  	v4 =	vld [tilespmem:s16+$0xFFFFFFC0];
	_ =	sdelay $0x2  }
0x157: {  	v2 =	vadd.f32 v3, v2;
	_ =	sdelay $0x1  }
0x158: {  	v2 =	vadd.f32 v4, v2  }
0x159: {  	v3 =	vld [tilespmem:s10+$0x3300]  }
0x15a: {  	v4 =	vld [tilespmem:s10+$0x7300];
	v2 =	vmax.f32 v2, $0.0e+00  }
0x15b: {  	[tilespmem:s10+$0xE300] =	vst v2  }
0x15c: {  	v2 =	vld [tilespmem:s16+$0x0];
	_ =	sdelay $0x2  }
0x15d: {  	v3 =	vadd.f32 v4, v3;
	_ =	sdelay $0x1  }
0x15e: {  	v2 =	vadd.f32 v2, v3  }
0x15f: {  	v4 =	vld [tilespmem:s10+$0x6310]  }
0x160: {  	v3 =	vld [tilespmem:s10+$0x2310];
	v2 =	vmax.f32 v2, $0.0e+00  }
0x161: {  	[tilespmem:s10+$0xF300] =	vst v2  }
0x162: {  	v2 =	vld [tilespmem:s16+$0xFFFFFFD0];
	_ =	sdelay $0x2  }
0x163: {  	v3 =	vadd.f32 v4, v3;
	_ =	sdelay $0x1  }
0x164: {  	v2 =	vadd.f32 v2, v3  }
0x165: {  	v4 =	vld [tilespmem:s10+$0x7310]  }
0x166: {  	v3 =	vld [tilespmem:s10+$0x3310];
	v2 =	vmax.f32 v2, $0.0e+00  }
0x167: {  	[tilespmem:s10+$0xE310] =	vst v2  }
0x168: {  	v2 =	vld [tilespmem:s16+$0x10];
	_ =	sdelay $0x2  }
0x169: {  	v3 =	vadd.f32 v4, v3;
	_ =	sdelay $0x1  }
0x16a: {  	v2 =	vadd.f32 v2, v3  }
0x16b: {  	v4 =	vld [tilespmem:s10+$0x6320]  }
0x16c: {  	v3 =	vld [tilespmem:s10+$0x2320];
	v2 =	vmax.f32 v2, $0.0e+00  }
0x16d: {  	[tilespmem:s10+$0xF310] =	vst v2  }
0x16e: {  	v2 =	vld [tilespmem:s16+$0xFFFFFFE0];
	_ =	sdelay $0x2  }
0x16f: {  	v3 =	vadd.f32 v4, v3;
	_ =	sdelay $0x1  }
0x170: {  	v2 =	vadd.f32 v2, v3  }
0x171: {  	v4 =	vld [tilespmem:s10+$0x7320]  }
0x172: {  	v3 =	vld [tilespmem:s10+$0x3320];
	v2 =	vmax.f32 v2, $0.0e+00  }
0x173: {  	[tilespmem:s10+$0xE320] =	vst v2  }
0x174: {  	v2 =	vld [tilespmem:s16+$0x20];
	_ =	sdelay $0x2  }
0x175: {  	v3 =	vadd.f32 v4, v3;
	_ =	sdelay $0x1  }
0x176: {  	v2 =	vadd.f32 v2, v3  }
0x177: {  	v4 =	vld [tilespmem:s10+$0x6330]  }
0x178: {  	v3 =	vld [tilespmem:s10+$0x2330];
	v2 =	vmax.f32 v2, $0.0e+00  }
0x179: {  	[tilespmem:s10+$0xF320] =	vst v2  }
0x17a: {  	v2 =	vld [tilespmem:s16+$0xFFFFFFF0];
	_ =	sdelay $0x2  }
0x17b: {  	v3 =	vadd.f32 v4, v3;
	_ =	sdelay $0x1  }
0x17c: {  	v2 =	vadd.f32 v2, v3  }
0x17d: {  	v4 =	vld [tilespmem:s10+$0x7330]  }
0x17e: {  	v3 =	vld [tilespmem:s10+$0x3330];
	v2 =	vmax.f32 v2, $0.0e+00  }
0x17f: {  	[tilespmem:s10+$0xE330] =	vst v2  }
0x180: {  	v2 =	vld [tilespmem:s16+$0x30];
	_ =	sdelay $0x2  }
0x181: {  	v3 =	vadd.f32 v4, v3;
	_ =	sdelay $0x1  }
0x182: {  	s25 =	simm.s32 $0x40;
	v3 =	vadd.f32 v2, v3  }
0x183: {  	s24 =	simm.s32 $0x200;
	v2 =	vld [tilespmem:s25+$0x2300]  }
.LBB2_7:
0x184: {  	p1 =	sne.s32 s24, $0x3F00;
	v4 =	vld [tilespmem:s25+$0x6300];
	v3 =	vmax.f32 v3, $0.0e+00  }
0x185: {  	s16 =	sadd.s32 $0x80, s16;
	[tilespmem:s10+$0xF330] =	vst v3;
	s10 =	smov.u32 s25  }
0x186: {  	v3 =	vld [tilespmem:s16+$0xFFFFFFC0];
	_ =	sdelay $0x2  }
0x187: {  	v2 =	vadd.f32 v4, v2;
	_ =	sdelay $0x1  }
0x188: {  	v2 =	vadd.f32 v3, v2  }
0x189: {  	v3 =	vld [tilespmem:s10+$0x3300]  }
0x18a: {  	v2 =	vmax.f32 v2, $0.0e+00;
	v4 =	vld [tilespmem:s10+$0x7300]  }
0x18b: {  	[tilespmem:s10+$0xE300] =	vst v2  }
0x18c: {  	v2 =	vld [tilespmem:s16+$0x0];
	_ =	sdelay $0x2  }
0x18d: {  	v3 =	vadd.f32 v4, v3;
	_ =	sdelay $0x1  }
0x18e: {  	v2 =	vadd.f32 v2, v3  }
0x18f: {  	v3 =	vld [tilespmem:s10+$0x2310]  }
0x190: {  	v2 =	vmax.f32 v2, $0.0e+00;
	v4 =	vld [tilespmem:s10+$0x6310]  }
0x191: {  	[tilespmem:s10+$0xF300] =	vst v2  }
0x192: {  	v2 =	vld [tilespmem:s16+$0xFFFFFFD0];
	_ =	sdelay $0x2  }
0x193: {  	v3 =	vadd.f32 v4, v3;
	_ =	sdelay $0x1  }
0x194: {  	v2 =	vadd.f32 v2, v3  }
0x195: {  	v3 =	vld [tilespmem:s10+$0x3310]  }
0x196: {  	v2 =	vmax.f32 v2, $0.0e+00;
	v4 =	vld [tilespmem:s10+$0x7310]  }
0x197: {  	[tilespmem:s10+$0xE310] =	vst v2  }
0x198: {  	v2 =	vld [tilespmem:s16+$0x10];
	_ =	sdelay $0x2  }
0x199: {  	v3 =	vadd.f32 v4, v3;
	_ =	sdelay $0x1  }
0x19a: {  	v2 =	vadd.f32 v2, v3  }
0x19b: {  	v3 =	vld [tilespmem:s10+$0x2320]  }
0x19c: {  	v2 =	vmax.f32 v2, $0.0e+00;
	v4 =	vld [tilespmem:s10+$0x6320]  }
0x19d: {  	[tilespmem:s10+$0xF310] =	vst v2  }
0x19e: {  	v2 =	vld [tilespmem:s16+$0xFFFFFFE0];
	_ =	sdelay $0x2  }
0x19f: {  	v3 =	vadd.f32 v4, v3;
	_ =	sdelay $0x1  }
0x1a0: {  	v2 =	vadd.f32 v2, v3  }
0x1a1: {  	v3 =	vld [tilespmem:s10+$0x3320]  }
0x1a2: {  	v2 =	vmax.f32 v2, $0.0e+00;
	v4 =	vld [tilespmem:s10+$0x7320]  }
0x1a3: {  	[tilespmem:s10+$0xE320] =	vst v2  }
0x1a4: {  	v2 =	vld [tilespmem:s16+$0x20];
	_ =	sdelay $0x2  }
0x1a5: {  	v3 =	vadd.f32 v4, v3;
	_ =	sdelay $0x1  }
0x1a6: {  	v2 =	vadd.f32 v2, v3  }
0x1a7: {  	v3 =	vld [tilespmem:s10+$0x2330]  }
0x1a8: {  	v2 =	vmax.f32 v2, $0.0e+00;
	v4 =	vld [tilespmem:s10+$0x6330]  }
0x1a9: {  	[tilespmem:s10+$0xF320] =	vst v2  }
0x1aa: {  	v2 =	vld [tilespmem:s16+$0xFFFFFFF0];
	_ =	sdelay $0x2  }
0x1ab: {  	v3 =	vadd.f32 v4, v3;
	_ =	sdelay $0x1  }
0x1ac: {  	v2 =	vadd.f32 v2, v3  }
0x1ad: {  	v3 =	vld [tilespmem:s10+$0x3330]  }
0x1ae: {  	v2 =	vmax.f32 v2, $0.0e+00;
	v4 =	vld [tilespmem:s10+$0x7330]  }
0x1af: {  	[tilespmem:s10+$0xE330] =	vst v2  }
0x1b0: {  	v2 =	vld [tilespmem:s16+$0x30];
	_ =	sdelay $0x1  }
.Ltmp4:
0x1b1: {  	(pc) =	sbr.rel @p1 .LBB2_7-.Ltmp4, $3  }
0x1b2: {  	v3 =	vadd.f32 v4, v3;
	_ =	sdelay $0x1  }
0x1b3: {  	s25 =	sshra.s32 s24, $0x2;
	v3 =	vadd.f32 v2, v3  }
0x1b4: {  	s24 =	sadd.s32 $0x100, s24;
	v2 =	vld [tilespmem:s25+$0x2300]  }
0x1b5: {  	v4 =	vld [tilespmem:s25+$0x6300];
	v3 =	vmax.f32 v3, $0.0e+00  }
0x1b6: {  	s24 =	sadd.s32 $0x80, s16;
	[tilespmem:s10+$0xF330] =	vst v3  }
0x1b7: {  	v3 =	vld [tilespmem:s24+$0xFFFFFFC0];
	_ =	sdelay $0x2  }
0x1b8: {  	v2 =	vadd.f32 v4, v2;
	_ =	sdelay $0x1  }
0x1b9: {  	v2 =	vadd.f32 v3, v2  }
0x1ba: {  	v55 =	vld [tilespmem:s25+$0x7300]  }
0x1bb: {  	v3 =	vld [tilespmem:s25+$0x3300];
	v2 =	vmax.f32 v2, $0.0e+00  }
0x1bc: {  	[tilespmem:s25+$0xE300] =	vst v2  }
0x1bd: {  	v2 =	vld [tilespmem:s24+$0x0];
	_ =	sdelay $0x2  }
0x1be: {  	v3 =	vadd.f32 v55, v3;
	_ =	sdelay $0x1  }
0x1bf: {  	v2 =	vadd.f32 v2, v3  }
0x1c0: {  	v56 =	vld [tilespmem:s25+$0x6310]  }
0x1c1: {  	v3 =	vld [tilespmem:s25+$0x2310];
	v2 =	vmax.f32 v2, $0.0e+00  }
0x1c2: {  	[tilespmem:s25+$0xF300] =	vst v2  }
0x1c3: {  	v2 =	vld [tilespmem:s24+$0xFFFFFFD0];
	_ =	sdelay $0x2  }
0x1c4: {  	v3 =	vadd.f32 v56, v3;
	_ =	sdelay $0x1  }
0x1c5: {  	v2 =	vadd.f32 v2, v3  }
0x1c6: {  	v57 =	vld [tilespmem:s25+$0x7310]  }
0x1c7: {  	v3 =	vld [tilespmem:s25+$0x3310];
	v2 =	vmax.f32 v2, $0.0e+00  }
0x1c8: {  	[tilespmem:s25+$0xE310] =	vst v2  }
0x1c9: {  	v2 =	vld [tilespmem:s24+$0x10];
	_ =	sdelay $0x2  }
0x1ca: {  	v3 =	vadd.f32 v57, v3;
	_ =	sdelay $0x1  }
0x1cb: {  	v2 =	vadd.f32 v2, v3  }
0x1cc: {  	v58 =	vld [tilespmem:s25+$0x6320]  }
0x1cd: {  	v3 =	vld [tilespmem:s25+$0x2320];
	v2 =	vmax.f32 v2, $0.0e+00  }
0x1ce: {  	[tilespmem:s25+$0xF310] =	vst v2  }
0x1cf: {  	v2 =	vld [tilespmem:s24+$0xFFFFFFE0];
	_ =	sdelay $0x2  }
0x1d0: {  	v3 =	vadd.f32 v58, v3;
	_ =	sdelay $0x1  }
0x1d1: {  	v2 =	vadd.f32 v2, v3  }
0x1d2: {  	v59 =	vld [tilespmem:s25+$0x7320]  }
0x1d3: {  	v3 =	vld [tilespmem:s25+$0x3320];
	v2 =	vmax.f32 v2, $0.0e+00  }
0x1d4: {  	[tilespmem:s25+$0xE320] =	vst v2  }
0x1d5: {  	v2 =	vld [tilespmem:s24+$0x20];
	_ =	sdelay $0x2  }
0x1d6: {  	v3 =	vadd.f32 v59, v3;
	_ =	sdelay $0x1  }
0x1d7: {  	v2 =	vadd.f32 v2, v3  }
0x1d8: {  	v60 =	vld [tilespmem:s25+$0x6330]  }
0x1d9: {  	v3 =	vld [tilespmem:s25+$0x2330];
	v2 =	vmax.f32 v2, $0.0e+00  }
0x1da: {  	[tilespmem:s25+$0xF320] =	vst v2  }
0x1db: {  	v2 =	vld [tilespmem:s24+$0xFFFFFFF0];
	_ =	sdelay $0x2  }
0x1dc: {  	v3 =	vadd.f32 v60, v3;
	_ =	sdelay $0x1  }
0x1dd: {  	v2 =	vadd.f32 v2, v3  }
0x1de: {  	v61 =	vld [tilespmem:s25+$0x7330]  }
0x1df: {  	v3 =	vld [tilespmem:s25+$0x3330];
	v2 =	vmax.f32 v2, $0.0e+00  }
0x1e0: {  	[tilespmem:s25+$0xE330] =	vst v2  }
0x1e1: {  	v2 =	vld [tilespmem:s24+$0x30];
	_ =	sdelay $0x2  }
0x1e2: {  	v3 =	vadd.f32 v61, v3;
	_ =	sdelay $0x1  }
0x1e3: {  	v2 =	vadd.f32 v2, v3;
	_ =	sdelay $0x1  }
0x1e4: {  	v2 =	vmax.f32 v2, $0.0e+00  }
0x1e5: {  	[tilespmem:s25+$0xF330] =	vst v2  }
0x1e6: {  	v2 =	vld [tilespmem:$0x80]  }
0x1e7: {  	v3 =	vld [tilespmem:$0x90]  }
0x1e8: {  	v62 =	vld [tilespmem:$0xA0]  }
0x1e9: {  	v5 =	vld [tilespmem:$0xB0]  }
0x1ea: {  	v6 =	vld [tilespmem:$0xC0]  }
0x1eb: {  	v63 =	vld [tilespmem:$0xF0];
	[tilespmem:$0x280] =	vst v2  }
0x1ec: {  	v2 =	vld [tilespmem:$0xD0];
	[tilespmem:$0x290] =	vst v3  }
0x1ed: {  	v3 =	vld [tilespmem:$0xE0];
	[tilespmem:$0x2A0] =	vst v62  }
0x1ee: {  	[tilespmem:$0x2B0] =	vst v5  }
0x1ef: {  	[tilespmem:$0x2C0] =	vst v6  }
0x1f0: {  	[tilespmem:$0x2F0] =	vst v63  }
.Ltmp5:
0x1f1: {  	[tilespmem:$0x2D0] =	vst v2;
	(pc) =	sbr.rel @p2 .LBB2_10-.Ltmp5, $4  }
0x1f2: {  	[tilespmem:$0x2E0] =	vst v3  }
0x1f3: {  	[spmem:s2] =	stream.indirect.scatter.add.f32 [tilespmem:s30], [sflag:$0x6], $0x40, s29, s14, $0xb8;
	[tilespmem:$0x1DB00] =	vst v63  }
0x1f4: {  	_ = 	snop  }
0x1f5: {  	[spmem:s3] =	stream.indirect.scatter.add.f32 [tilespmem:s22], [sflag:$0x8], $0x10, s29, s14, $0xb8;
	[tilespmem:$0x1DB00] =	vst v63  }
0x1f6: {  	s10 =	sadd.s32 s28, s12  }
0x1f7: {  	s12 =	sshll.u32 s10, $0x4  }
0x1f8: {  	s16 =	sadd.s32 s8, s12  }
0x1f9: {  	[tilespmem:s14], [sflag:$0x2] =	stream.linear.gather [hbm4b:s16+s4], $0x80, $0x38;
	[tilespmem:$0x1DB00] =	vst v63  }
0x1fa: {  	s10 =	sshll.u32 s10, $0xA;
	s12 =	sadd.s32 s9, s12  }
0x1fb: {  	[tilespmem:s15], [sflag:$0x2] =	stream.linear.gather [hbm4b:s12+s4], $0x80, $0x38;
	[tilespmem:$0x1DB00] =	vst v63  }
0x1fc: {  	s25 =	simm.s32 $0xA300;
	s10 =	sadd.s32 s7, s10  }
0x1fd: {  	[tilespmem:s25], [sflag:$0x2] =	stream.linear.gather [hbm4b:s10+s4], $0x2000, $0x38;
	[tilespmem:$0x1DB00] =	vst v63  }
0x1fe: {  	_ =	swait.ge [sflag:s17], $0x80  }
0x1ff: {  	[sflag:s17] =	ssyncset.done $0x0  }
0x200: {  	[sflag:s17] =	ssyncadd.s32 $0xFFFFFF80  }
0x201: {  	_ =	swait.ge [sflag:s17], $0x80  }
0x202: {  	[sflag:s17] =	ssyncset.done $0x0  }
0x203: {  	[sflag:s17] =	ssyncadd.s32 $0xFFFFFF80  }
0x204: {  	_ =	swait.ge [sflag:s17], $0x2000  }
.Ltmp6:
0x205: {  	[sflag:s17] =	ssyncset.done $0x0;
	(pc) =	sbr.rel .LBB2_4-.Ltmp6, $4  }
0x206: {  	[sflag:s17] =	ssyncadd.s32 $0xFFFFE000  }
0x207: {  	[tilespmem:s18], [sflag:$0x3] =	stream.indirect.gather [hbm4b:s5+s14], $0x40, s4, s14, $0xb8;
	[tilespmem:$0x1DB00] =	vst v63  }
0x208: {  	s11 =	sadd.s32 $0x1, s11  }
0x209: {  	[tilespmem:s19], [sflag:$0x3] =	stream.indirect.gather [hbm4b:s6+s14], $0x40, s13, s14, $0xb8;
	[tilespmem:$0x1DB00] =	vst v63  }
.LBB2_10:
0x20a: {  	s10 =	simm.s32 $0x5  }
0x20b: {  	_ =	swait.ge [sflag:s10], $0x2000  }
0x20c: {  	[sflag:s10] =	ssyncset.done $0x0  }
0x20d: {  	s16 =	simm.s32 $0x7;
	[sflag:s10] =	ssyncadd.s32 $0xFFFFE000  }
0x20e: {  	_ =	swait.ge [sflag:s16], $0x800  }
0x20f: {  	[sflag:s16] =	ssyncset.done $0x0  }
0x210: {  	s24 =	simm.s32 $0x6;
	[sflag:s16] =	ssyncadd.s32 $0xFFFFF800  }
0x211: {  	_ =	swait.ge [sflag:s24], $0x2000  }
0x212: {  	[sflag:s24] =	ssyncset.done $0x0  }
.Ltmp7:
0x213: {  	s25 =	simm.s32 $0x8;
	[sflag:s24] =	ssyncadd.s32 $0xFFFFE000;
	(pc) =	sbr.rel @p0 .LBB2_14-.Ltmp7, $4  }
0x214: {  	_ =	swait.ge [sflag:s25], $0x800  }
0x215: {  	s24 =	rddreg [dreg:$0x4]  }
0x216: {  	[sflag:s25] =	ssyncset.done $0x0;
	s16 =	rddreg [dreg:$0x1a]  }
0x217: {  	[sflag:s25] =	ssyncadd.s32 $0xFFFFF800;
	s25 =	rddreg [dreg:$0x5]  }
0x218: {  	s10 =	simm.s32 $0x0;
	s11 =	rddreg [dreg:$0x14]  }
0x219: {  	[tilespmem:s10], [sflag:$0x1] =	stream.linear.gather [hbm4b:s11+s10], $0x80, $0x38;
	[tilespmem:$0x1DB00] =	vst v63  }
0x21a: {  	s12 =	rddreg [dreg:$0x15]  }
0x21b: {  	[tilespmem:s13], [sflag:$0x1] =	stream.linear.gather [hbm4b:s12+s10], $0x80, $0x38;
	[tilespmem:$0x1DB00] =	vst v63  }
0x21c: {  	s16 =	rddreg [dreg:$0x16];
	s12 =	simm.s32 $0x8300  }
0x21d: {  	[tilespmem:s12], [sflag:$0x1] =	stream.linear.gather [hbm4b:s16+s10], $0x2000, $0x38;
	[tilespmem:$0x1DB00] =	vst v63  }
0x21e: {  	_ =	swait.ge [sflag:s17], $0x80  }
0x21f: {  	[sflag:s17] =	ssyncset.done $0x0  }
0x220: {  	[sflag:s17] =	ssyncadd.s32 $0xFFFFFF80  }
0x221: {  	_ =	swait.ge [sflag:s17], $0x80  }
0x222: {  	[sflag:s17] =	ssyncset.done $0x0  }
0x223: {  	[sflag:s17] =	ssyncadd.s32 $0xFFFFFF80  }
0x224: {  	_ =	swait.ge [sflag:s17], $0x2000  }
0x225: {  	[sflag:s17] =	ssyncset.done $0x0  }
0x226: {  	[sflag:s17] =	ssyncadd.s32 $0xFFFFE000  }
0x227: {  	[tilespmem:s18], [sflag:$0x3] =	stream.indirect.gather [hbm4b:s5+s14], $0x40, s10, s14, $0xb8;
	[tilespmem:$0x1DB00] =	vst v63  }
0x228: {  	_ = 	snop  }
0x229: {  	[tilespmem:s19], [sflag:$0x3] =	stream.indirect.gather [hbm4b:s6+s14], $0x40, s13, s14, $0xb8;
	[tilespmem:$0x1DB00] =	vst v63  }
0x22a: {  	_ =	swait.ge [sflag:s20], $0x2000  }
0x22b: {  	[sflag:s20] =	ssyncset.done $0x0  }
0x22c: {  	[sflag:s20] =	ssyncadd.s32 $0xFFFFE000  }
0x22d: {  	_ =	swait.ge [sflag:s20], $0x2000  }
0x22e: {  	[sflag:s20] =	ssyncset.done $0x0  }
0x22f: {  	s10 =	simm.s32 $0x0;
	[sflag:s20] =	ssyncadd.s32 $0xFFFFE000  }
0x230: {  	v2 =	vld [tilespmem:s10+$0x300]  }
0x231: {  	v3 =	vld [tilespmem:s10+$0x4300]  }
0x232: {  	s11 =	simm.s32 $0x8340  }
0x233: {  	v4 =	vld [tilespmem:s11+$0xFFFFFFC0];
	_ =	sdelay $0x2  }
0x234: {  	v2 =	vadd.f32 v3, v2;
	_ =	sdelay $0x1  }
0x235: {  	v2 =	vadd.f32 v4, v2  }
0x236: {  	v3 =	vld [tilespmem:s10+$0x1300]  }
0x237: {  	v4 =	vld [tilespmem:s10+$0x5300];
	v2 =	vmax.f32 v2, $0.0e+00  }
0x238: {  	[tilespmem:s10+$0xC300] =	vst v2  }
0x239: {  	v2 =	vld [tilespmem:s11+$0x0];
	_ =	sdelay $0x2  }
0x23a: {  	v3 =	vadd.f32 v4, v3;
	_ =	sdelay $0x1  }
0x23b: {  	v2 =	vadd.f32 v2, v3  }
0x23c: {  	v4 =	vld [tilespmem:s10+$0x4310]  }
0x23d: {  	v3 =	vld [tilespmem:s10+$0x310];
	v2 =	vmax.f32 v2, $0.0e+00  }
0x23e: {  	[tilespmem:s10+$0xD300] =	vst v2  }
0x23f: {  	v2 =	vld [tilespmem:s11+$0xFFFFFFD0];
	_ =	sdelay $0x2  }
0x240: {  	v3 =	vadd.f32 v4, v3;
	_ =	sdelay $0x1  }
0x241: {  	v2 =	vadd.f32 v2, v3  }
0x242: {  	v4 =	vld [tilespmem:s10+$0x5310]  }
0x243: {  	v3 =	vld [tilespmem:s10+$0x1310];
	v2 =	vmax.f32 v2, $0.0e+00  }
0x244: {  	[tilespmem:s10+$0xC310] =	vst v2  }
0x245: {  	v2 =	vld [tilespmem:s11+$0x10];
	_ =	sdelay $0x2  }
0x246: {  	v3 =	vadd.f32 v4, v3;
	_ =	sdelay $0x1  }
0x247: {  	v2 =	vadd.f32 v2, v3  }
0x248: {  	v4 =	vld [tilespmem:s10+$0x4320]  }
0x249: {  	v3 =	vld [tilespmem:s10+$0x320];
	v2 =	vmax.f32 v2, $0.0e+00  }
0x24a: {  	[tilespmem:s10+$0xD310] =	vst v2  }
0x24b: {  	v2 =	vld [tilespmem:s11+$0xFFFFFFE0];
	_ =	sdelay $0x2  }
0x24c: {  	v3 =	vadd.f32 v4, v3;
	_ =	sdelay $0x1  }
0x24d: {  	v2 =	vadd.f32 v2, v3  }
0x24e: {  	v4 =	vld [tilespmem:s10+$0x5320]  }
0x24f: {  	v3 =	vld [tilespmem:s10+$0x1320];
	v2 =	vmax.f32 v2, $0.0e+00  }
0x250: {  	[tilespmem:s10+$0xC320] =	vst v2  }
0x251: {  	v2 =	vld [tilespmem:s11+$0x20];
	_ =	sdelay $0x2  }
0x252: {  	v3 =	vadd.f32 v4, v3;
	_ =	sdelay $0x1  }
0x253: {  	v2 =	vadd.f32 v2, v3  }
0x254: {  	v4 =	vld [tilespmem:s10+$0x4330]  }
0x255: {  	v3 =	vld [tilespmem:s10+$0x330];
	v2 =	vmax.f32 v2, $0.0e+00  }
0x256: {  	[tilespmem:s10+$0xD320] =	vst v2  }
0x257: {  	v2 =	vld [tilespmem:s11+$0xFFFFFFF0];
	_ =	sdelay $0x2  }
0x258: {  	v3 =	vadd.f32 v4, v3;
	_ =	sdelay $0x1  }
0x259: {  	v2 =	vadd.f32 v2, v3  }
0x25a: {  	v4 =	vld [tilespmem:s10+$0x5330]  }
0x25b: {  	v3 =	vld [tilespmem:s10+$0x1330];
	v2 =	vmax.f32 v2, $0.0e+00  }
0x25c: {  	[tilespmem:s10+$0xC330] =	vst v2  }
0x25d: {  	v2 =	vld [tilespmem:s11+$0x30];
	_ =	sdelay $0x2  }
0x25e: {  	v3 =	vadd.f32 v4, v3;
	_ =	sdelay $0x1  }
0x25f: {  	s16 =	simm.s32 $0x40;
	v3 =	vadd.f32 v2, v3  }
0x260: {  	s12 =	simm.s32 $0x200;
	v2 =	vld [tilespmem:s16+$0x300]  }
.LBB2_12:
0x261: {  	p1 =	sne.s32 s12, $0x3F00;
	v4 =	vld [tilespmem:s16+$0x4300];
	v3 =	vmax.f32 v3, $0.0e+00  }
0x262: {  	s11 =	sadd.s32 $0x80, s11;
	[tilespmem:s10+$0xD330] =	vst v3;
	s10 =	smov.u32 s16  }
0x263: {  	v3 =	vld [tilespmem:s11+$0xFFFFFFC0];
	_ =	sdelay $0x2  }
0x264: {  	v2 =	vadd.f32 v4, v2;
	_ =	sdelay $0x1  }
0x265: {  	v2 =	vadd.f32 v3, v2  }
0x266: {  	v3 =	vld [tilespmem:s10+$0x1300]  }
0x267: {  	v2 =	vmax.f32 v2, $0.0e+00;
	v4 =	vld [tilespmem:s10+$0x5300]  }
0x268: {  	[tilespmem:s10+$0xC300] =	vst v2  }
0x269: {  	v2 =	vld [tilespmem:s11+$0x0];
	_ =	sdelay $0x2  }
0x26a: {  	v3 =	vadd.f32 v4, v3;
	_ =	sdelay $0x1  }
0x26b: {  	v2 =	vadd.f32 v2, v3  }
0x26c: {  	v3 =	vld [tilespmem:s10+$0x310]  }
0x26d: {  	v2 =	vmax.f32 v2, $0.0e+00;
	v4 =	vld [tilespmem:s10+$0x4310]  }
0x26e: {  	[tilespmem:s10+$0xD300] =	vst v2  }
0x26f: {  	v2 =	vld [tilespmem:s11+$0xFFFFFFD0];
	_ =	sdelay $0x2  }
0x270: {  	v3 =	vadd.f32 v4, v3;
	_ =	sdelay $0x1  }
0x271: {  	v2 =	vadd.f32 v2, v3  }
0x272: {  	v3 =	vld [tilespmem:s10+$0x1310]  }
0x273: {  	v2 =	vmax.f32 v2, $0.0e+00;
	v4 =	vld [tilespmem:s10+$0x5310]  }
0x274: {  	[tilespmem:s10+$0xC310] =	vst v2  }
0x275: {  	v2 =	vld [tilespmem:s11+$0x10];
	_ =	sdelay $0x2  }
0x276: {  	v3 =	vadd.f32 v4, v3;
	_ =	sdelay $0x1  }
0x277: {  	v2 =	vadd.f32 v2, v3  }
0x278: {  	v3 =	vld [tilespmem:s10+$0x320]  }
0x279: {  	v2 =	vmax.f32 v2, $0.0e+00;
	v4 =	vld [tilespmem:s10+$0x4320]  }
0x27a: {  	[tilespmem:s10+$0xD310] =	vst v2  }
0x27b: {  	v2 =	vld [tilespmem:s11+$0xFFFFFFE0];
	_ =	sdelay $0x2  }
0x27c: {  	v3 =	vadd.f32 v4, v3;
	_ =	sdelay $0x1  }
0x27d: {  	v2 =	vadd.f32 v2, v3  }
0x27e: {  	v3 =	vld [tilespmem:s10+$0x1320]  }
0x27f: {  	v2 =	vmax.f32 v2, $0.0e+00;
	v4 =	vld [tilespmem:s10+$0x5320]  }
0x280: {  	[tilespmem:s10+$0xC320] =	vst v2  }
0x281: {  	v2 =	vld [tilespmem:s11+$0x20];
	_ =	sdelay $0x2  }
0x282: {  	v3 =	vadd.f32 v4, v3;
	_ =	sdelay $0x1  }
0x283: {  	v2 =	vadd.f32 v2, v3  }
0x284: {  	v3 =	vld [tilespmem:s10+$0x330]  }
0x285: {  	v2 =	vmax.f32 v2, $0.0e+00;
	v4 =	vld [tilespmem:s10+$0x4330]  }
0x286: {  	[tilespmem:s10+$0xD320] =	vst v2  }
0x287: {  	v2 =	vld [tilespmem:s11+$0xFFFFFFF0];
	_ =	sdelay $0x2  }
0x288: {  	v3 =	vadd.f32 v4, v3;
	_ =	sdelay $0x1  }
0x289: {  	v2 =	vadd.f32 v2, v3  }
0x28a: {  	v3 =	vld [tilespmem:s10+$0x1330]  }
0x28b: {  	v2 =	vmax.f32 v2, $0.0e+00;
	v4 =	vld [tilespmem:s10+$0x5330]  }
0x28c: {  	[tilespmem:s10+$0xC330] =	vst v2  }
0x28d: {  	v2 =	vld [tilespmem:s11+$0x30];
	_ =	sdelay $0x1  }
.Ltmp8:
0x28e: {  	(pc) =	sbr.rel @p1 .LBB2_12-.Ltmp8, $3  }
0x28f: {  	v3 =	vadd.f32 v4, v3;
	_ =	sdelay $0x1  }
0x290: {  	s16 =	sshra.s32 s12, $0x2;
	v3 =	vadd.f32 v2, v3  }
0x291: {  	s12 =	sadd.s32 $0x100, s12;
	v2 =	vld [tilespmem:s16+$0x300]  }
0x292: {  	v4 =	vld [tilespmem:s16+$0x4300];
	v3 =	vmax.f32 v3, $0.0e+00  }
0x293: {  	s11 =	sadd.s32 $0x80, s11;
	[tilespmem:s10+$0xD330] =	vst v3  }
0x294: {  	v3 =	vld [tilespmem:s11+$0xFFFFFFC0];
	_ =	sdelay $0x2  }
0x295: {  	v2 =	vadd.f32 v4, v2;
	_ =	sdelay $0x1  }
0x296: {  	v2 =	vadd.f32 v3, v2  }
0x297: {  	v55 =	vld [tilespmem:s16+$0x5300]  }
0x298: {  	v3 =	vld [tilespmem:s16+$0x1300];
	v2 =	vmax.f32 v2, $0.0e+00  }
0x299: {  	[tilespmem:s16+$0xC300] =	vst v2  }
0x29a: {  	v2 =	vld [tilespmem:s11+$0x0];
	_ =	sdelay $0x2  }
0x29b: {  	v3 =	vadd.f32 v55, v3;
	_ =	sdelay $0x1  }
0x29c: {  	v2 =	vadd.f32 v2, v3  }
0x29d: {  	v56 =	vld [tilespmem:s16+$0x4310]  }
0x29e: {  	v3 =	vld [tilespmem:s16+$0x310];
	v2 =	vmax.f32 v2, $0.0e+00  }
0x29f: {  	[tilespmem:s16+$0xD300] =	vst v2  }
0x2a0: {  	v2 =	vld [tilespmem:s11+$0xFFFFFFD0];
	_ =	sdelay $0x2  }
0x2a1: {  	v3 =	vadd.f32 v56, v3;
	_ =	sdelay $0x1  }
0x2a2: {  	v2 =	vadd.f32 v2, v3  }
0x2a3: {  	v57 =	vld [tilespmem:s16+$0x5310]  }
0x2a4: {  	v3 =	vld [tilespmem:s16+$0x1310];
	v2 =	vmax.f32 v2, $0.0e+00  }
0x2a5: {  	[tilespmem:s16+$0xC310] =	vst v2  }
0x2a6: {  	v2 =	vld [tilespmem:s11+$0x10];
	_ =	sdelay $0x2  }
0x2a7: {  	v3 =	vadd.f32 v57, v3;
	_ =	sdelay $0x1  }
0x2a8: {  	v2 =	vadd.f32 v2, v3  }
0x2a9: {  	v58 =	vld [tilespmem:s16+$0x4320]  }
0x2aa: {  	v3 =	vld [tilespmem:s16+$0x320];
	v2 =	vmax.f32 v2, $0.0e+00  }
0x2ab: {  	[tilespmem:s16+$0xD310] =	vst v2  }
0x2ac: {  	v2 =	vld [tilespmem:s11+$0xFFFFFFE0];
	_ =	sdelay $0x2  }
0x2ad: {  	v3 =	vadd.f32 v58, v3;
	_ =	sdelay $0x1  }
0x2ae: {  	v2 =	vadd.f32 v2, v3  }
0x2af: {  	v59 =	vld [tilespmem:s16+$0x5320]  }
0x2b0: {  	v3 =	vld [tilespmem:s16+$0x1320];
	v2 =	vmax.f32 v2, $0.0e+00  }
0x2b1: {  	[tilespmem:s16+$0xC320] =	vst v2  }
0x2b2: {  	v2 =	vld [tilespmem:s11+$0x20];
	_ =	sdelay $0x2  }
0x2b3: {  	v3 =	vadd.f32 v59, v3;
	_ =	sdelay $0x1  }
0x2b4: {  	v2 =	vadd.f32 v2, v3  }
0x2b5: {  	v60 =	vld [tilespmem:s16+$0x4330]  }
0x2b6: {  	v3 =	vld [tilespmem:s16+$0x330];
	v2 =	vmax.f32 v2, $0.0e+00  }
0x2b7: {  	[tilespmem:s16+$0xD320] =	vst v2  }
0x2b8: {  	v2 =	vld [tilespmem:s11+$0xFFFFFFF0];
	_ =	sdelay $0x2  }
0x2b9: {  	v3 =	vadd.f32 v60, v3;
	_ =	sdelay $0x1  }
0x2ba: {  	v2 =	vadd.f32 v2, v3  }
0x2bb: {  	v61 =	vld [tilespmem:s16+$0x5330]  }
0x2bc: {  	v3 =	vld [tilespmem:s16+$0x1330];
	v2 =	vmax.f32 v2, $0.0e+00  }
0x2bd: {  	[tilespmem:s16+$0xC330] =	vst v2  }
0x2be: {  	v2 =	vld [tilespmem:s11+$0x30];
	_ =	sdelay $0x2  }
0x2bf: {  	v3 =	vadd.f32 v61, v3;
	_ =	sdelay $0x1  }
0x2c0: {  	v2 =	vadd.f32 v2, v3;
	_ =	sdelay $0x1  }
0x2c1: {  	v2 =	vmax.f32 v2, $0.0e+00  }
0x2c2: {  	[tilespmem:s16+$0xD330] =	vst v2  }
0x2c3: {  	v2 =	vld [tilespmem:$0x0]  }
0x2c4: {  	v3 =	vld [tilespmem:$0x10]  }
0x2c5: {  	v62 =	vld [tilespmem:$0x20]  }
0x2c6: {  	v5 =	vld [tilespmem:$0x30]  }
0x2c7: {  	v6 =	vld [tilespmem:$0x40]  }
0x2c8: {  	v63 =	vld [tilespmem:$0x70];
	[tilespmem:$0x200] =	vst v2  }
0x2c9: {  	v2 =	vld [tilespmem:$0x50];
	[tilespmem:$0x210] =	vst v3  }
0x2ca: {  	v3 =	vld [tilespmem:$0x60];
	[tilespmem:$0x220] =	vst v62  }
0x2cb: {  	[tilespmem:$0x230] =	vst v5  }
0x2cc: {  	[tilespmem:$0x240] =	vst v6  }
0x2cd: {  	[tilespmem:$0x270] =	vst v63  }
0x2ce: {  	[tilespmem:$0x250] =	vst v2  }
0x2cf: {  	[tilespmem:$0x260] =	vst v3  }
0x2d0: {  	[spmem:s2] =	stream.indirect.scatter.add.f32 [tilespmem:s31], [sflag:$0x5], $0x40, s21, s14, $0xb8;
	[tilespmem:$0x1DB00] =	vst v63  }
0x2d1: {  	s12 =	simm.s32 $0x5  }
0x2d2: {  	[spmem:s3] =	stream.indirect.scatter.add.f32 [tilespmem:s22], [sflag:$0x7], $0x10, s21, s14, $0xb8;
	[tilespmem:$0x1DB00] =	vst v63  }
0x2d3: {  	_ =	swait.ge [sflag:s12], $0x2000  }
.Ltmp9:
0x2d4: {  	[sflag:s12] =	ssyncset.done $0x0;
	(pc) =	sbr.rel .LBB2_14-.Ltmp9, $4  }
0x2d5: {  	s16 =	simm.s32 $0x7;
	[sflag:s12] =	ssyncadd.s32 $0xFFFFE000  }
0x2d6: {  	_ =	swait.ge [sflag:s16], $0x800  }
0x2d7: {  	[sflag:s16] =	ssyncset.done $0x0  }
0x2d8: {  	[sflag:s16] =	ssyncadd.s32 $0xFFFFF800;
	s16 =	rddreg [dreg:$0x1a]  }
.LBB2_15:
0x2d9: {  	_ =	sfence.sel $0x180000  }
0x2da: {  	[bflag:$0x0] =	sbarrier.arrive $0xFFFF  }
0x2db: {  	_ =	strace $0x90000047  }
0x2dc: {  	s0 =	stileid.u32;
	[bflag:$0x2] =	sbarrier.arrive $0xFFFF  }
0x2dd: {  	p0 =	sne.s32 s0, $0x0;
	s0 =	rddreg [dreg:$0x3]  }
0x2de: {  	s0 =	sadd.s32 @!p0 $0x100000, s0  }
0x2df: {  	[sflag:s0] =	ssyncadd.tile.s32 @!p0 $0x1;
	_ =	shalt  }
.Lfunc_end2:
_tile_overlayer_lowered:
.L_overlay_start_2:
0x2e0: {  	(tag) =	ssettag $0x2  }
0x2e1: {  	s0 =	rddreg [dreg:$0x0];
	s2 =	stileid.u32  }
0x2e2: {  	s1 =	rddreg [dreg:$0x1];
	p0 =	sne.s32 s2, $0x0  }
0x2e3: {  	s3 =	rddreg [dreg:$0x2];
	[bflag:$0x3] =	sbarrier.arrive $0xFFFF;
	s2 =	simm.s32 @!p0 $0x1C09  }
0x2e4: {  	[timem:s3], [sflag:s2] =	dma.local @!p0 [hbm:s0], s1  }
0x2e5: {  	s0 =	simm.s32 @!p0 $0x9  }
0x2e6: {  	_ =	swait.ge @!p0 [sflag:s0], s1  }
0x2e7: {  	s1 =	ssub.s32 @!p0 $0x0, s1;
	[sflag:s0] =	ssyncset.done @!p0 $0x0  }
0x2e8: {  	[sflag:s0] =	ssyncadd.s32 @!p0 s1  }
0x2e9: {  	[bflag:$0x3] =	sbarrier.arrive $0xFFFF  }
0x2ea: {  	_ =	shalt  }

</sc_bundles>
